<compile_context>
chip_gen: v7x
topology: tpu7x:2x2x1
jax: 0.10.2.dev20260603
libtpu: 0.0.44.dev20260713+nightly
codegen_flags: <defaults>
</compile_context>

<pallas_src>
import functools

import jax
import jax.numpy as jnp
from jax import lax
from jax.experimental import pallas as pl
from jax.experimental.pallas import tpu as pltpu
from jax.experimental.pallas import tpu_sc as plsc

_EMBED_DIMS = [(33, 17), (2, 1), (8, 4), (3, 2), (3, 2), (3, 2), (3, 2), (3, 2), (20, 10)]
_COFFS = []
_FBASE = []
_c = 0
_f = 0
for _vv, _dd in _EMBED_DIMS:
    _COFFS.append(_c)
    _FBASE.append(_f)
    _c += _dd
    _f += _vv * _dd
_TOTC = _c
_FLAT = _f
_FPAD = 832
_CPAD = 48
_NT = len(_EMBED_DIMS)

_NC, _NS = 2, 16
_NW = _NC * _NS


def _sc_body(bpw, nb, tflat_hbm, cat_hbm, out_hbm, catv, tflat, accT, sem_in, sem_out):
    wid = lax.axis_index("s") * _NC + lax.axis_index("c")
    base = wid * bpw
    loads = [pltpu.async_copy(tflat_hbm, tflat, sem_in)]
    for i in range(_NT):
        loads.append(pltpu.async_copy(cat_hbm.at[pl.ds(i * nb + base, bpw)],
                                      catv.at[pl.ds(i * bpw, bpw)], sem_in))
    for cp in loads:
        cp.wait()

    @plsc.parallel_loop(0, bpw // 16, unroll=2)
    def _loop(g):
        for i in range(_NT):
            d = _EMBED_DIMS[i][1]
            cv = catv[pl.ds(i * bpw + g * 16, 16)]
            fi = cv * d + _FBASE[i]
            for r in range(d):
                vals = plsc.load_gather(tflat, [fi + r])
                accT[_COFFS[i] + r, pl.ds(g * 16, 16)] = vals

    pltpu.async_copy(accT, out_hbm.at[:, pl.ds(base, bpw)], sem_out).wait()


def _tc_body(nb, d_out, et_ref, xrow_ref, xr_ref, w_ref, b_ref, g_ref, be_ref, o_ref):
    xr = xr_ref[...]
    mean = jnp.sum(xr) * (1.0 / nb)
    var = jnp.sum((xr - mean) ** 2) * (1.0 / nb)
    a = g_ref[0, 0] * jax.lax.rsqrt(var + 1e-5)
    c = be_ref[0, 0] - mean * a

    cnT = xrow_ref[...] * a + c
    ih = lax.broadcasted_iota(jnp.int32, et_ref.shape, 0)
    eh = jnp.where(ih == _TOTC, cnT,
                   jnp.where(ih > _TOTC, 0.0, et_ref[...]))
    wfull = jnp.concatenate(
        [w_ref[...], jnp.zeros((d_out, _CPAD - _TOTC - 1), jnp.float32)], axis=1)
    z = jax.lax.dot_general(
        eh, wfull, (((0,), (1,)), ((), ())),
        preferred_element_type=jnp.float32, precision=jax.lax.Precision.DEFAULT)
    z = z + b_ref[...]
    z = z - jnp.max(z, axis=1, keepdims=True)
    ez = jnp.exp(z)
    o_ref[...] = ez / jnp.sum(ez, axis=1, keepdims=True)


def kernel(x, emb0, emb1, emb2, emb3, emb4, emb5, emb6, emb7, emb8, W, b, gamma, beta):
    tables = [emb0, emb1, emb2, emb3, emb4, emb5, emb6, emb7, emb8]
    B = x.shape[0]
    d_out = W.shape[0]
    bpw = B // _NW

    tflat = jnp.concatenate([t.reshape(-1) for t in tables]
                            + [jnp.zeros((_FPAD - _FLAT,), jnp.float32)])
    cat_t = x[:, 1:].astype(jnp.int32).T.reshape(-1)

    mesh = plsc.VectorSubcoreMesh(core_axis_name="c", subcore_axis_name="s")
    et = pl.kernel(
        functools.partial(_sc_body, bpw, B),
        out_type=jax.ShapeDtypeStruct((_CPAD, B), jnp.float32),
        mesh=mesh,
        scratch_types=[
            pltpu.VMEM((_NT * bpw,), jnp.int32),
            pltpu.VMEM((_FPAD,), jnp.float32),
            pltpu.VMEM((_CPAD, bpw), jnp.float32),
            pltpu.SemaphoreType.DMA,
            pltpu.SemaphoreType.DMA,
        ],
        compiler_params=pltpu.CompilerParams(needs_layout_passes=False),
    )(tflat, cat_t)

    xc = x[:, 0]
    xr = xc.reshape(128, B // 128)
    xrow = xc.reshape(1, B)
    b2 = b.reshape(1, d_out)
    g2 = gamma.reshape(1, 1)
    be2 = beta.reshape(1, 1)

    bb = 4096
    out = pl.pallas_call(
        functools.partial(_tc_body, float(B), d_out),
        grid=(B // bb,),
        in_specs=[
            pl.BlockSpec((_CPAD, bb), lambda i: (0, i)),
            pl.BlockSpec((1, bb), lambda i: (0, i)),
            pl.BlockSpec(xr.shape, lambda i: (0, 0)),
            pl.BlockSpec(W.shape, lambda i: (0, 0)),
            pl.BlockSpec((1, d_out), lambda i: (0, 0)),
            pl.BlockSpec((1, 1), lambda i: (0, 0)),
            pl.BlockSpec((1, 1), lambda i: (0, 0)),
        ],
        out_specs=pl.BlockSpec((bb, d_out), lambda i: (i, 0)),
        out_shape=jax.ShapeDtypeStruct((B, d_out), jnp.float32),
    )(et, xrow, xr, W, b2, g2, be2)
    return out

# --- scband reference (transcript-rebuilt; emitter-appended) ---
"""Pipeline reference for scband-clinical-net-18124761989155 (READ-ONLY COPY).

The authoritative reference and input builder live on the scoring server;
editing this copy changes nothing except your own understanding.
"""

import jax, jax.numpy as jnp
import numpy as np

EMBED_DIMS = [(33, 17), (2, 1), (8, 4), (3, 2), (3, 2), (3, 2), (3, 2), (3, 2), (20, 10)]
B = 16384
N_EMB = sum(d for _, d in EMBED_DIMS)  # 42
D_OUT = 256


def setup_inputs(seed: int = 0) -> dict:
    key = jax.random.key(seed)
    kc, kcat = jax.random.split(key)
    cont = jax.random.normal(kc, (B, 1), dtype=jnp.float32)
    # categorical columns, each in-range for its own vocabulary
    cats = []
    for i, (v, _) in enumerate(EMBED_DIMS):
        cats.append(jax.random.randint(jax.random.fold_in(kcat, i), (B, 1), 0, v))
    cat = jnp.concatenate(cats, axis=1).astype(jnp.float32)
    x = jnp.concatenate([cont, cat], axis=1)
    inp = {"x": x}
    for i, (v, d) in enumerate(EMBED_DIMS):
        inp[f"emb{i}"] = jax.random.normal(jax.random.fold_in(key, 100 + i), (v, d), dtype=jnp.float32)
    inp["W"] = jax.random.normal(jax.random.fold_in(key, 500), (D_OUT, N_EMB + 1), dtype=jnp.float32) * 0.05
    inp["b"] = jnp.zeros((D_OUT,), dtype=jnp.float32)
    inp["gamma"] = jnp.ones((1,), dtype=jnp.float32)
    inp["beta"] = jnp.zeros((1,), dtype=jnp.float32)
    return inp


def reference(x, emb0, emb1, emb2, emb3, emb4, emb5, emb6, emb7, emb8, W, b, gamma, beta):
    tables = [emb0, emb1, emb2, emb3, emb4, emb5, emb6, emb7, emb8]
    continuous_x = x[:, :1]
    categorical_x = x[:, 1:].astype(jnp.int32)
    embs = [jnp.take(t, categorical_x[:, i], axis=0) for i, t in enumerate(tables)]
    e = jnp.concatenate(embs, axis=1)
    # dropout in eval mode -> identity
    # BatchNorm1d in training mode (batch statistics, biased variance, eps=1e-5)
    mean = jnp.mean(continuous_x, axis=0, keepdims=True)
    var = jnp.var(continuous_x, axis=0, keepdims=True)
    cn = (continuous_x - mean) / jnp.sqrt(var + 1e-5) * gamma + beta
    h = jnp.concatenate([e, cn], axis=1)
    z = h @ W.T + b
    return jax.nn.softmax(z, axis=1)

if __name__ == "__main__":
    import jax
    _d = setup_inputs()
    print(jax.jit(kernel)(*tuple(_d.values())))

</pallas_src>

<mosaic_0001>
#map = affine_map<(d0, d1) -> (0)>
#map1 = affine_map<(d0, d1) -> (0, 0)>
module attributes {stable_mosaic.version = 14 : i64} {
  func.func @_sc_body(%arg0: i32, %arg1: i32, %arg2: memref<832xf32, #tpu.memory_space<hbm>>, %arg3: memref<147456xi32, #tpu.memory_space<hbm>>, %arg4: memref<48x16384xf32, #tpu.memory_space<hbm>>, %arg5: memref<4608xi32, #tpu.memory_space<vmem>>, %arg6: memref<832xf32, #tpu.memory_space<vmem>>, %arg7: memref<48x512xf32, #tpu.memory_space<vmem>>, %arg8: memref<!tpu.dma_semaphore, #tpu.memory_space<semaphore_mem>>, %arg9: memref<!tpu.dma_semaphore, #tpu.memory_space<semaphore_mem>>) attributes {dimension_semantics = [#tpu.dimension_semantics<core_parallel>, #tpu.dimension_semantics<subcore_parallel>], iteration_bounds = array<i64: 2, 16>, scalar_prefetch = 0 : i64, scratch_operands = 5 : i64, tpu.core_type = #tpu.core_type<sc_vector_subcore>, window_params = [{transform_indices = #map}, {transform_indices = #map}, {transform_indices = #map1}]} {
    %mul3A = arith.constant 2 : i32
    %mul3A_0 = arith.muli %arg1, %mul3A : i32
    %add3A = arith.addi %mul3A_0, %arg0 : i32
    %mul3A_1 = arith.constant 512 : i32
    %mul3A_2 = arith.muli %add3A, %mul3A_1 : i32
    tpu.enqueue_dma source(%arg2 : memref<832xf32, #tpu.memory_space<hbm>>) target(%arg6 : memref<832xf32, #tpu.memory_space<vmem>>) target_semaphore(%arg8 : memref<!tpu.dma_semaphore, #tpu.memory_space<semaphore_mem>>)
    %add3A_3 = arith.constant 0 : i32
    %add3A_4 = arith.addi %add3A_3, %mul3A_2 : i32
    %dma_start3A = arith.constant 0 : i32
    %dma_start3A_5 = tpu.memref_slice %arg5[%dma_start3A] : memref<4608xi32, #tpu.memory_space<vmem>> -> memref<512xi32, #tpu.memory_space<vmem>>
    %dma_start3A_6 = tpu.memref_slice %arg3[%add3A_4] : memref<147456xi32, #tpu.memory_space<hbm>> -> memref<512xi32, #tpu.memory_space<hbm>>
    %dma_start3A_7 = arith.constant 0 : i32
    %dma_start3A_8 = tpu.memref_slice %arg5[%dma_start3A_7] : memref<4608xi32, #tpu.memory_space<vmem>> -> memref<512xi32, #tpu.memory_space<vmem>>
    %dma_start3A_9 = tpu.memref_slice %arg3[%add3A_4] : memref<147456xi32, #tpu.memory_space<hbm>> -> memref<512xi32, #tpu.memory_space<hbm>>
    tpu.enqueue_dma source(%dma_start3A_9 : memref<512xi32, #tpu.memory_space<hbm>>) target(%dma_start3A_8 : memref<512xi32, #tpu.memory_space<vmem>>) target_semaphore(%arg8 : memref<!tpu.dma_semaphore, #tpu.memory_space<semaphore_mem>>)
    %add3A_10 = arith.constant 16384 : i32
    %add3A_11 = arith.addi %add3A_10, %mul3A_2 : i32
    %dma_start3A_12 = arith.constant 512 : i32
    %dma_start3A_13 = tpu.memref_slice %arg5[%dma_start3A_12] : memref<4608xi32, #tpu.memory_space<vmem>> -> memref<512xi32, #tpu.memory_space<vmem>>
    %dma_start3A_14 = tpu.memref_slice %arg3[%add3A_11] : memref<147456xi32, #tpu.memory_space<hbm>> -> memref<512xi32, #tpu.memory_space<hbm>>
    %dma_start3A_15 = arith.constant 512 : i32
    %dma_start3A_16 = tpu.memref_slice %arg5[%dma_start3A_15] : memref<4608xi32, #tpu.memory_space<vmem>> -> memref<512xi32, #tpu.memory_space<vmem>>
    %dma_start3A_17 = tpu.memref_slice %arg3[%add3A_11] : memref<147456xi32, #tpu.memory_space<hbm>> -> memref<512xi32, #tpu.memory_space<hbm>>
    tpu.enqueue_dma source(%dma_start3A_17 : memref<512xi32, #tpu.memory_space<hbm>>) target(%dma_start3A_16 : memref<512xi32, #tpu.memory_space<vmem>>) target_semaphore(%arg8 : memref<!tpu.dma_semaphore, #tpu.memory_space<semaphore_mem>>)
    %add3A_18 = arith.constant 32768 : i32
    %add3A_19 = arith.addi %add3A_18, %mul3A_2 : i32
    %dma_start3A_20 = arith.constant 1024 : i32
    %dma_start3A_21 = tpu.memref_slice %arg5[%dma_start3A_20] : memref<4608xi32, #tpu.memory_space<vmem>> -> memref<512xi32, #tpu.memory_space<vmem>>
    %dma_start3A_22 = tpu.memref_slice %arg3[%add3A_19] : memref<147456xi32, #tpu.memory_space<hbm>> -> memref<512xi32, #tpu.memory_space<hbm>>
    %dma_start3A_23 = arith.constant 1024 : i32
    %dma_start3A_24 = tpu.memref_slice %arg5[%dma_start3A_23] : memref<4608xi32, #tpu.memory_space<vmem>> -> memref<512xi32, #tpu.memory_space<vmem>>
    %dma_start3A_25 = tpu.memref_slice %arg3[%add3A_19] : memref<147456xi32, #tpu.memory_space<hbm>> -> memref<512xi32, #tpu.memory_space<hbm>>
    tpu.enqueue_dma source(%dma_start3A_25 : memref<512xi32, #tpu.memory_space<hbm>>) target(%dma_start3A_24 : memref<512xi32, #tpu.memory_space<vmem>>) target_semaphore(%arg8 : memref<!tpu.dma_semaphore, #tpu.memory_space<semaphore_mem>>)
    %add3A_26 = arith.constant 49152 : i32
    %add3A_27 = arith.addi %add3A_26, %mul3A_2 : i32
    %dma_start3A_28 = arith.constant 1536 : i32
    %dma_start3A_29 = tpu.memref_slice %arg5[%dma_start3A_28] : memref<4608xi32, #tpu.memory_space<vmem>> -> memref<512xi32, #tpu.memory_space<vmem>>
    %dma_start3A_30 = tpu.memref_slice %arg3[%add3A_27] : memref<147456xi32, #tpu.memory_space<hbm>> -> memref<512xi32, #tpu.memory_space<hbm>>
    %dma_start3A_31 = arith.constant 1536 : i32
    %dma_start3A_32 = tpu.memref_slice %arg5[%dma_start3A_31] : memref<4608xi32, #tpu.memory_space<vmem>> -> memref<512xi32, #tpu.memory_space<vmem>>
    %dma_start3A_33 = tpu.memref_slice %arg3[%add3A_27] : memref<147456xi32, #tpu.memory_space<hbm>> -> memref<512xi32, #tpu.memory_space<hbm>>
    tpu.enqueue_dma source(%dma_start3A_33 : memref<512xi32, #tpu.memory_space<hbm>>) target(%dma_start3A_32 : memref<512xi32, #tpu.memory_space<vmem>>) target_semaphore(%arg8 : memref<!tpu.dma_semaphore, #tpu.memory_space<semaphore_mem>>)
    %add3A_34 = arith.constant 65536 : i32
    %add3A_35 = arith.addi %add3A_34, %mul3A_2 : i32
    %dma_start3A_36 = arith.constant 2048 : i32
    %dma_start3A_37 = tpu.memref_slice %arg5[%dma_start3A_36] : memref<4608xi32, #tpu.memory_space<vmem>> -> memref<512xi32, #tpu.memory_space<vmem>>
    %dma_start3A_38 = tpu.memref_slice %arg3[%add3A_35] : memref<147456xi32, #tpu.memory_space<hbm>> -> memref<512xi32, #tpu.memory_space<hbm>>
    %dma_start3A_39 = arith.constant 2048 : i32
    %dma_start3A_40 = tpu.memref_slice %arg5[%dma_start3A_39] : memref<4608xi32, #tpu.memory_space<vmem>> -> memref<512xi32, #tpu.memory_space<vmem>>
    %dma_start3A_41 = tpu.memref_slice %arg3[%add3A_35] : memref<147456xi32, #tpu.memory_space<hbm>> -> memref<512xi32, #tpu.memory_space<hbm>>
    tpu.enqueue_dma source(%dma_start3A_41 : memref<512xi32, #tpu.memory_space<hbm>>) target(%dma_start3A_40 : memref<512xi32, #tpu.memory_space<vmem>>) target_semaphore(%arg8 : memref<!tpu.dma_semaphore, #tpu.memory_space<semaphore_mem>>)
    %add3A_42 = arith.constant 81920 : i32
    %add3A_43 = arith.addi %add3A_42, %mul3A_2 : i32
    %dma_start3A_44 = arith.constant 2560 : i32
    %dma_start3A_45 = tpu.memref_slice %arg5[%dma_start3A_44] : memref<4608xi32, #tpu.memory_space<vmem>> -> memref<512xi32, #tpu.memory_space<vmem>>
    %dma_start3A_46 = tpu.memref_slice %arg3[%add3A_43] : memref<147456xi32, #tpu.memory_space<hbm>> -> memref<512xi32, #tpu.memory_space<hbm>>
    %dma_start3A_47 = arith.constant 2560 : i32
    %dma_start3A_48 = tpu.memref_slice %arg5[%dma_start3A_47] : memref<4608xi32, #tpu.memory_space<vmem>> -> memref<512xi32, #tpu.memory_space<vmem>>
    %dma_start3A_49 = tpu.memref_slice %arg3[%add3A_43] : memref<147456xi32, #tpu.memory_space<hbm>> -> memref<512xi32, #tpu.memory_space<hbm>>
    tpu.enqueue_dma source(%dma_start3A_49 : memref<512xi32, #tpu.memory_space<hbm>>) target(%dma_start3A_48 : memref<512xi32, #tpu.memory_space<vmem>>) target_semaphore(%arg8 : memref<!tpu.dma_semaphore, #tpu.memory_space<semaphore_mem>>)
    %add3A_50 = arith.constant 98304 : i32
    %add3A_51 = arith.addi %add3A_50, %mul3A_2 : i32
    %dma_start3A_52 = arith.constant 3072 : i32
    %dma_start3A_53 = tpu.memref_slice %arg5[%dma_start3A_52] : memref<4608xi32, #tpu.memory_space<vmem>> -> memref<512xi32, #tpu.memory_space<vmem>>
    %dma_start3A_54 = tpu.memref_slice %arg3[%add3A_51] : memref<147456xi32, #tpu.memory_space<hbm>> -> memref<512xi32, #tpu.memory_space<hbm>>
    %dma_start3A_55 = arith.constant 3072 : i32
    %dma_start3A_56 = tpu.memref_slice %arg5[%dma_start3A_55] : memref<4608xi32, #tpu.memory_space<vmem>> -> memref<512xi32, #tpu.memory_space<vmem>>
    %dma_start3A_57 = tpu.memref_slice %arg3[%add3A_51] : memref<147456xi32, #tpu.memory_space<hbm>> -> memref<512xi32, #tpu.memory_space<hbm>>
    tpu.enqueue_dma source(%dma_start3A_57 : memref<512xi32, #tpu.memory_space<hbm>>) target(%dma_start3A_56 : memref<512xi32, #tpu.memory_space<vmem>>) target_semaphore(%arg8 : memref<!tpu.dma_semaphore, #tpu.memory_space<semaphore_mem>>)
    %add3A_58 = arith.constant 114688 : i32
    %add3A_59 = arith.addi %add3A_58, %mul3A_2 : i32
    %dma_start3A_60 = arith.constant 3584 : i32
    %dma_start3A_61 = tpu.memref_slice %arg5[%dma_start3A_60] : memref<4608xi32, #tpu.memory_space<vmem>> -> memref<512xi32, #tpu.memory_space<vmem>>
    %dma_start3A_62 = tpu.memref_slice %arg3[%add3A_59] : memref<147456xi32, #tpu.memory_space<hbm>> -> memref<512xi32, #tpu.memory_space<hbm>>
    %dma_start3A_63 = arith.constant 3584 : i32
    %dma_start3A_64 = tpu.memref_slice %arg5[%dma_start3A_63] : memref<4608xi32, #tpu.memory_space<vmem>> -> memref<512xi32, #tpu.memory_space<vmem>>
    %dma_start3A_65 = tpu.memref_slice %arg3[%add3A_59] : memref<147456xi32, #tpu.memory_space<hbm>> -> memref<512xi32, #tpu.memory_space<hbm>>
    tpu.enqueue_dma source(%dma_start3A_65 : memref<512xi32, #tpu.memory_space<hbm>>) target(%dma_start3A_64 : memref<512xi32, #tpu.memory_space<vmem>>) target_semaphore(%arg8 : memref<!tpu.dma_semaphore, #tpu.memory_space<semaphore_mem>>)
    %add3A_66 = arith.constant 131072 : i32
    %add3A_67 = arith.addi %add3A_66, %mul3A_2 : i32
    %dma_start3A_68 = arith.constant 4096 : i32
    %dma_start3A_69 = tpu.memref_slice %arg5[%dma_start3A_68] : memref<4608xi32, #tpu.memory_space<vmem>> -> memref<512xi32, #tpu.memory_space<vmem>>
    %dma_start3A_70 = tpu.memref_slice %arg3[%add3A_67] : memref<147456xi32, #tpu.memory_space<hbm>> -> memref<512xi32, #tpu.memory_space<hbm>>
    %dma_start3A_71 = arith.constant 4096 : i32
    %dma_start3A_72 = tpu.memref_slice %arg5[%dma_start3A_71] : memref<4608xi32, #tpu.memory_space<vmem>> -> memref<512xi32, #tpu.memory_space<vmem>>
    %dma_start3A_73 = tpu.memref_slice %arg3[%add3A_67] : memref<147456xi32, #tpu.memory_space<hbm>> -> memref<512xi32, #tpu.memory_space<hbm>>
    tpu.enqueue_dma source(%dma_start3A_73 : memref<512xi32, #tpu.memory_space<hbm>>) target(%dma_start3A_72 : memref<512xi32, #tpu.memory_space<vmem>>) target_semaphore(%arg8 : memref<!tpu.dma_semaphore, #tpu.memory_space<semaphore_mem>>)
    tpu.wait_dma2 semaphore(%arg8 : memref<!tpu.dma_semaphore, #tpu.memory_space<semaphore_mem>>) src(%arg2 : memref<832xf32, #tpu.memory_space<hbm>>) dst(%arg6 : memref<832xf32, #tpu.memory_space<vmem>>)
    %dma_wait3A = arith.constant 0 : i32
    %dma_wait3A_74 = tpu.memref_slice %arg5[%dma_wait3A] : memref<4608xi32, #tpu.memory_space<vmem>> -> memref<512xi32, #tpu.memory_space<vmem>>
    %dma_wait3A_75 = tpu.memref_slice %arg3[%add3A_4] : memref<147456xi32, #tpu.memory_space<hbm>> -> memref<512xi32, #tpu.memory_space<hbm>>
    %dma_wait3A_76 = arith.constant 0 : i32
    %dma_wait3A_77 = tpu.memref_slice %arg5[%dma_wait3A_76] : memref<4608xi32, #tpu.memory_space<vmem>> -> memref<512xi32, #tpu.memory_space<vmem>>
    %dma_wait3A_78 = tpu.memref_slice %arg3[%add3A_4] : memref<147456xi32, #tpu.memory_space<hbm>> -> memref<512xi32, #tpu.memory_space<hbm>>
    tpu.wait_dma2 semaphore(%arg8 : memref<!tpu.dma_semaphore, #tpu.memory_space<semaphore_mem>>) src(%dma_wait3A_78 : memref<512xi32, #tpu.memory_space<hbm>>) dst(%dma_wait3A_77 : memref<512xi32, #tpu.memory_space<vmem>>)
    %dma_wait3A_79 = arith.constant 512 : i32
    %dma_wait3A_80 = tpu.memref_slice %arg5[%dma_wait3A_79] : memref<4608xi32, #tpu.memory_space<vmem>> -> memref<512xi32, #tpu.memory_space<vmem>>
    %dma_wait3A_81 = tpu.memref_slice %arg3[%add3A_11] : memref<147456xi32, #tpu.memory_space<hbm>> -> memref<512xi32, #tpu.memory_space<hbm>>
    %dma_wait3A_82 = arith.constant 512 : i32
    %dma_wait3A_83 = tpu.memref_slice %arg5[%dma_wait3A_82] : memref<4608xi32, #tpu.memory_space<vmem>> -> memref<512xi32, #tpu.memory_space<vmem>>
    %dma_wait3A_84 = tpu.memref_slice %arg3[%add3A_11] : memref<147456xi32, #tpu.memory_space<hbm>> -> memref<512xi32, #tpu.memory_space<hbm>>
    tpu.wait_dma2 semaphore(%arg8 : memref<!tpu.dma_semaphore, #tpu.memory_space<semaphore_mem>>) src(%dma_wait3A_84 : memref<512xi32, #tpu.memory_space<hbm>>) dst(%dma_wait3A_83 : memref<512xi32, #tpu.memory_space<vmem>>)
    %dma_wait3A_85 = arith.constant 1024 : i32
    %dma_wait3A_86 = tpu.memref_slice %arg5[%dma_wait3A_85] : memref<4608xi32, #tpu.memory_space<vmem>> -> memref<512xi32, #tpu.memory_space<vmem>>
    %dma_wait3A_87 = tpu.memref_slice %arg3[%add3A_19] : memref<147456xi32, #tpu.memory_space<hbm>> -> memref<512xi32, #tpu.memory_space<hbm>>
    %dma_wait3A_88 = arith.constant 1024 : i32
    %dma_wait3A_89 = tpu.memref_slice %arg5[%dma_wait3A_88] : memref<4608xi32, #tpu.memory_space<vmem>> -> memref<512xi32, #tpu.memory_space<vmem>>
    %dma_wait3A_90 = tpu.memref_slice %arg3[%add3A_19] : memref<147456xi32, #tpu.memory_space<hbm>> -> memref<512xi32, #tpu.memory_space<hbm>>
    tpu.wait_dma2 semaphore(%arg8 : memref<!tpu.dma_semaphore, #tpu.memory_space<semaphore_mem>>) src(%dma_wait3A_90 : memref<512xi32, #tpu.memory_space<hbm>>) dst(%dma_wait3A_89 : memref<512xi32, #tpu.memory_space<vmem>>)
    %dma_wait3A_91 = arith.constant 1536 : i32
    %dma_wait3A_92 = tpu.memref_slice %arg5[%dma_wait3A_91] : memref<4608xi32, #tpu.memory_space<vmem>> -> memref<512xi32, #tpu.memory_space<vmem>>
    %dma_wait3A_93 = tpu.memref_slice %arg3[%add3A_27] : memref<147456xi32, #tpu.memory_space<hbm>> -> memref<512xi32, #tpu.memory_space<hbm>>
    %dma_wait3A_94 = arith.constant 1536 : i32
    %dma_wait3A_95 = tpu.memref_slice %arg5[%dma_wait3A_94] : memref<4608xi32, #tpu.memory_space<vmem>> -> memref<512xi32, #tpu.memory_space<vmem>>
    %dma_wait3A_96 = tpu.memref_slice %arg3[%add3A_27] : memref<147456xi32, #tpu.memory_space<hbm>> -> memref<512xi32, #tpu.memory_space<hbm>>
    tpu.wait_dma2 semaphore(%arg8 : memref<!tpu.dma_semaphore, #tpu.memory_space<semaphore_mem>>) src(%dma_wait3A_96 : memref<512xi32, #tpu.memory_space<hbm>>) dst(%dma_wait3A_95 : memref<512xi32, #tpu.memory_space<vmem>>)
    %dma_wait3A_97 = arith.constant 2048 : i32
    %dma_wait3A_98 = tpu.memref_slice %arg5[%dma_wait3A_97] : memref<4608xi32, #tpu.memory_space<vmem>> -> memref<512xi32, #tpu.memory_space<vmem>>
    %dma_wait3A_99 = tpu.memref_slice %arg3[%add3A_35] : memref<147456xi32, #tpu.memory_space<hbm>> -> memref<512xi32, #tpu.memory_space<hbm>>
    %dma_wait3A_100 = arith.constant 2048 : i32
    %dma_wait3A_101 = tpu.memref_slice %arg5[%dma_wait3A_100] : memref<4608xi32, #tpu.memory_space<vmem>> -> memref<512xi32, #tpu.memory_space<vmem>>
    %dma_wait3A_102 = tpu.memref_slice %arg3[%add3A_35] : memref<147456xi32, #tpu.memory_space<hbm>> -> memref<512xi32, #tpu.memory_space<hbm>>
    tpu.wait_dma2 semaphore(%arg8 : memref<!tpu.dma_semaphore, #tpu.memory_space<semaphore_mem>>) src(%dma_wait3A_102 : memref<512xi32, #tpu.memory_space<hbm>>) dst(%dma_wait3A_101 : memref<512xi32, #tpu.memory_space<vmem>>)
    %dma_wait3A_103 = arith.constant 2560 : i32
    %dma_wait3A_104 = tpu.memref_slice %arg5[%dma_wait3A_103] : memref<4608xi32, #tpu.memory_space<vmem>> -> memref<512xi32, #tpu.memory_space<vmem>>
    %dma_wait3A_105 = tpu.memref_slice %arg3[%add3A_43] : memref<147456xi32, #tpu.memory_space<hbm>> -> memref<512xi32, #tpu.memory_space<hbm>>
    %dma_wait3A_106 = arith.constant 2560 : i32
    %dma_wait3A_107 = tpu.memref_slice %arg5[%dma_wait3A_106] : memref<4608xi32, #tpu.memory_space<vmem>> -> memref<512xi32, #tpu.memory_space<vmem>>
    %dma_wait3A_108 = tpu.memref_slice %arg3[%add3A_43] : memref<147456xi32, #tpu.memory_space<hbm>> -> memref<512xi32, #tpu.memory_space<hbm>>
    tpu.wait_dma2 semaphore(%arg8 : memref<!tpu.dma_semaphore, #tpu.memory_space<semaphore_mem>>) src(%dma_wait3A_108 : memref<512xi32, #tpu.memory_space<hbm>>) dst(%dma_wait3A_107 : memref<512xi32, #tpu.memory_space<vmem>>)
    %dma_wait3A_109 = arith.constant 3072 : i32
    %dma_wait3A_110 = tpu.memref_slice %arg5[%dma_wait3A_109] : memref<4608xi32, #tpu.memory_space<vmem>> -> memref<512xi32, #tpu.memory_space<vmem>>
    %dma_wait3A_111 = tpu.memref_slice %arg3[%add3A_51] : memref<147456xi32, #tpu.memory_space<hbm>> -> memref<512xi32, #tpu.memory_space<hbm>>
    %dma_wait3A_112 = arith.constant 3072 : i32
    %dma_wait3A_113 = tpu.memref_slice %arg5[%dma_wait3A_112] : memref<4608xi32, #tpu.memory_space<vmem>> -> memref<512xi32, #tpu.memory_space<vmem>>
    %dma_wait3A_114 = tpu.memref_slice %arg3[%add3A_51] : memref<147456xi32, #tpu.memory_space<hbm>> -> memref<512xi32, #tpu.memory_space<hbm>>
    tpu.wait_dma2 semaphore(%arg8 : memref<!tpu.dma_semaphore, #tpu.memory_space<semaphore_mem>>) src(%dma_wait3A_114 : memref<512xi32, #tpu.memory_space<hbm>>) dst(%dma_wait3A_113 : memref<512xi32, #tpu.memory_space<vmem>>)
    %dma_wait3A_115 = arith.constant 3584 : i32
    %dma_wait3A_116 = tpu.memref_slice %arg5[%dma_wait3A_115] : memref<4608xi32, #tpu.memory_space<vmem>> -> memref<512xi32, #tpu.memory_space<vmem>>
    %dma_wait3A_117 = tpu.memref_slice %arg3[%add3A_59] : memref<147456xi32, #tpu.memory_space<hbm>> -> memref<512xi32, #tpu.memory_space<hbm>>
    %dma_wait3A_118 = arith.constant 3584 : i32
    %dma_wait3A_119 = tpu.memref_slice %arg5[%dma_wait3A_118] : memref<4608xi32, #tpu.memory_space<vmem>> -> memref<512xi32, #tpu.memory_space<vmem>>
    %dma_wait3A_120 = tpu.memref_slice %arg3[%add3A_59] : memref<147456xi32, #tpu.memory_space<hbm>> -> memref<512xi32, #tpu.memory_space<hbm>>
    tpu.wait_dma2 semaphore(%arg8 : memref<!tpu.dma_semaphore, #tpu.memory_space<semaphore_mem>>) src(%dma_wait3A_120 : memref<512xi32, #tpu.memory_space<hbm>>) dst(%dma_wait3A_119 : memref<512xi32, #tpu.memory_space<vmem>>)
    %dma_wait3A_121 = arith.constant 4096 : i32
    %dma_wait3A_122 = tpu.memref_slice %arg5[%dma_wait3A_121] : memref<4608xi32, #tpu.memory_space<vmem>> -> memref<512xi32, #tpu.memory_space<vmem>>
    %dma_wait3A_123 = tpu.memref_slice %arg3[%add3A_67] : memref<147456xi32, #tpu.memory_space<hbm>> -> memref<512xi32, #tpu.memory_space<hbm>>
    %dma_wait3A_124 = arith.constant 4096 : i32
    %dma_wait3A_125 = tpu.memref_slice %arg5[%dma_wait3A_124] : memref<4608xi32, #tpu.memory_space<vmem>> -> memref<512xi32, #tpu.memory_space<vmem>>
    %dma_wait3A_126 = tpu.memref_slice %arg3[%add3A_67] : memref<147456xi32, #tpu.memory_space<hbm>> -> memref<512xi32, #tpu.memory_space<hbm>>
    tpu.wait_dma2 semaphore(%arg8 : memref<!tpu.dma_semaphore, #tpu.memory_space<semaphore_mem>>) src(%dma_wait3A_126 : memref<512xi32, #tpu.memory_space<hbm>>) dst(%dma_wait3A_125 : memref<512xi32, #tpu.memory_space<vmem>>)
    %parallel_loop3A = arith.constant 0 : i32
    %parallel_loop3A_127 = arith.constant 32 : i32
    %parallel_loop3A_128 = arith.constant 1 : i32
    scf.for %parallel_loop3A_137 = %parallel_loop3A to %parallel_loop3A_127 step %parallel_loop3A_128  : i32 {
      %parallel_loop3A_138 = arith.constant 16 : i32
      %parallel_loop3A_139 = arith.muli %parallel_loop3A_137, %parallel_loop3A_138 : i32
      %parallel_loop3A_140 = arith.constant 0 : i32
      %parallel_loop3A_141 = arith.addi %parallel_loop3A_140, %parallel_loop3A_139 : i32
      %parallel_loop3A_142 = arith.index_cast %parallel_loop3A_141 : i32 to index
      %parallel_loop3A_143 = tpu.vector_load %arg5[%parallel_loop3A_142] {strides = array<i32>} : memref<4608xi32, #tpu.memory_space<vmem>>, vector<16xi32>,
      %parallel_loop3A_144 = arith.constant 17 : i32
      %parallel_loop3A_145 = vector.broadcast %parallel_loop3A_144 : i32 to vector<16xi32>
      %parallel_loop3A_146 = arith.muli %parallel_loop3A_143, %parallel_loop3A_145 : vector<16xi32>
      %parallel_loop3A_147 = arith.constant 0 : i32
      %parallel_loop3A_148 = vector.broadcast %parallel_loop3A_147 : i32 to vector<16xi32>
      %parallel_loop3A_149 = arith.addi %parallel_loop3A_146, %parallel_loop3A_148 : vector<16xi32>
      %parallel_loop3A_150 = arith.constant 0 : i32
      %parallel_loop3A_151 = vector.broadcast %parallel_loop3A_150 : i32 to vector<16xi32>
      %parallel_loop3A_152 = arith.addi %parallel_loop3A_149, %parallel_loop3A_151 : vector<16xi32>
      %parallel_loop3A_153 = tpu.vector_load_idx %arg6[%parallel_loop3A_152] : memref<832xf32, #tpu.memory_space<vmem>>[vector<16xi32>], vector<16xf32>,
      %parallel_loop3A_154 = arith.constant 16 : i32
      %parallel_loop3A_155 = arith.muli %parallel_loop3A_137, %parallel_loop3A_154 : i32
      %parallel_loop3A_156 = arith.constant 0 : i32
      %parallel_loop3A_157 = arith.index_cast %parallel_loop3A_156 : i32 to index
      %parallel_loop3A_158 = arith.index_cast %parallel_loop3A_155 : i32 to index
      %parallel_loop3A_159 = tpu.vector_load %arg7[%parallel_loop3A_157, %parallel_loop3A_158] {strides = array<i32>} : memref<48x512xf32, #tpu.memory_space<vmem>>, vector<16xf32>,
      tpu.vector_store %arg7[%parallel_loop3A_157, %parallel_loop3A_158], %parallel_loop3A_153 {strides = array<i32>} : memref<48x512xf32, #tpu.memory_space<vmem>>, vector<16xf32>,
      %parallel_loop3A_160 = arith.constant 1 : i32
      %parallel_loop3A_161 = vector.broadcast %parallel_loop3A_160 : i32 to vector<16xi32>
      %parallel_loop3A_162 = arith.addi %parallel_loop3A_149, %parallel_loop3A_161 : vector<16xi32>
      %parallel_loop3A_163 = tpu.vector_load_idx %arg6[%parallel_loop3A_162] : memref<832xf32, #tpu.memory_space<vmem>>[vector<16xi32>], vector<16xf32>,
      %parallel_loop3A_164 = arith.constant 16 : i32
      %parallel_loop3A_165 = arith.muli %parallel_loop3A_137, %parallel_loop3A_164 : i32
      %parallel_loop3A_166 = arith.constant 1 : i32
      %parallel_loop3A_167 = arith.index_cast %parallel_loop3A_166 : i32 to index
      %parallel_loop3A_168 = arith.index_cast %parallel_loop3A_165 : i32 to index
      %parallel_loop3A_169 = tpu.vector_load %arg7[%parallel_loop3A_167, %parallel_loop3A_168] {strides = array<i32>} : memref<48x512xf32, #tpu.memory_space<vmem>>, vector<16xf32>,
      tpu.vector_store %arg7[%parallel_loop3A_167, %parallel_loop3A_168], %parallel_loop3A_163 {strides = array<i32>} : memref<48x512xf32, #tpu.memory_space<vmem>>, vector<16xf32>,
      %parallel_loop3A_170 = arith.constant 2 : i32
      %parallel_loop3A_171 = vector.broadcast %parallel_loop3A_170 : i32 to vector<16xi32>
      %parallel_loop3A_172 = arith.addi %parallel_loop3A_149, %parallel_loop3A_171 : vector<16xi32>
      %parallel_loop3A_173 = tpu.vector_load_idx %arg6[%parallel_loop3A_172] : memref<832xf32, #tpu.memory_space<vmem>>[vector<16xi32>], vector<16xf32>,
      %parallel_loop3A_174 = arith.constant 16 : i32
      %parallel_loop3A_175 = arith.muli %parallel_loop3A_137, %parallel_loop3A_174 : i32
      %parallel_loop3A_176 = arith.constant 2 : i32
      %parallel_loop3A_177 = arith.index_cast %parallel_loop3A_176 : i32 to index
      %parallel_loop3A_178 = arith.index_cast %parallel_loop3A_175 : i32 to index
      %parallel_loop3A_179 = tpu.vector_load %arg7[%parallel_loop3A_177, %parallel_loop3A_178] {strides = array<i32>} : memref<48x512xf32, #tpu.memory_space<vmem>>, vector<16xf32>,
      tpu.vector_store %arg7[%parallel_loop3A_177, %parallel_loop3A_178], %parallel_loop3A_173 {strides = array<i32>} : memref<48x512xf32, #tpu.memory_space<vmem>>, vector<16xf32>,
      %parallel_loop3A_180 = arith.constant 3 : i32
      %parallel_loop3A_181 = vector.broadcast %parallel_loop3A_180 : i32 to vector<16xi32>
      %parallel_loop3A_182 = arith.addi %parallel_loop3A_149, %parallel_loop3A_181 : vector<16xi32>
      %parallel_loop3A_183 = tpu.vector_load_idx %arg6[%parallel_loop3A_182] : memref<832xf32, #tpu.memory_space<vmem>>[vector<16xi32>], vector<16xf32>,
      %parallel_loop3A_184 = arith.constant 16 : i32
      %parallel_loop3A_185 = arith.muli %parallel_loop3A_137, %parallel_loop3A_184 : i32
      %parallel_loop3A_186 = arith.constant 3 : i32
      %parallel_loop3A_187 = arith.index_cast %parallel_loop3A_186 : i32 to index
      %parallel_loop3A_188 = arith.index_cast %parallel_loop3A_185 : i32 to index
      %parallel_loop3A_189 = tpu.vector_load %arg7[%parallel_loop3A_187, %parallel_loop3A_188] {strides = array<i32>} : memref<48x512xf32, #tpu.memory_space<vmem>>, vector<16xf32>,
      tpu.vector_store %arg7[%parallel_loop3A_187, %parallel_loop3A_188], %parallel_loop3A_183 {strides = array<i32>} : memref<48x512xf32, #tpu.memory_space<vmem>>, vector<16xf32>,
      %parallel_loop3A_190 = arith.constant 4 : i32
      %parallel_loop3A_191 = vector.broadcast %parallel_loop3A_190 : i32 to vector<16xi32>
      %parallel_loop3A_192 = arith.addi %parallel_loop3A_149, %parallel_loop3A_191 : vector<16xi32>
      %parallel_loop3A_193 = tpu.vector_load_idx %arg6[%parallel_loop3A_192] : memref<832xf32, #tpu.memory_space<vmem>>[vector<16xi32>], vector<16xf32>,
      %parallel_loop3A_194 = arith.constant 16 : i32
      %parallel_loop3A_195 = arith.muli %parallel_loop3A_137, %parallel_loop3A_194 : i32
      %parallel_loop3A_196 = arith.constant 4 : i32
      %parallel_loop3A_197 = arith.index_cast %parallel_loop3A_196 : i32 to index
      %parallel_loop3A_198 = arith.index_cast %parallel_loop3A_195 : i32 to index
      %parallel_loop3A_199 = tpu.vector_load %arg7[%parallel_loop3A_197, %parallel_loop3A_198] {strides = array<i32>} : memref<48x512xf32, #tpu.memory_space<vmem>>, vector<16xf32>,
      tpu.vector_store %arg7[%parallel_loop3A_197, %parallel_loop3A_198], %parallel_loop3A_193 {strides = array<i32>} : memref<48x512xf32, #tpu.memory_space<vmem>>, vector<16xf32>,
      %parallel_loop3A_200 = arith.constant 5 : i32
      %parallel_loop3A_201 = vector.broadcast %parallel_loop3A_200 : i32 to vector<16xi32>
      %parallel_loop3A_202 = arith.addi %parallel_loop3A_149, %parallel_loop3A_201 : vector<16xi32>
      %parallel_loop3A_203 = tpu.vector_load_idx %arg6[%parallel_loop3A_202] : memref<832xf32, #tpu.memory_space<vmem>>[vector<16xi32>], vector<16xf32>,
      %parallel_loop3A_204 = arith.constant 16 : i32
      %parallel_loop3A_205 = arith.muli %parallel_loop3A_137, %parallel_loop3A_204 : i32
      %parallel_loop3A_206 = arith.constant 5 : i32
      %parallel_loop3A_207 = arith.index_cast %parallel_loop3A_206 : i32 to index
      %parallel_loop3A_208 = arith.index_cast %parallel_loop3A_205 : i32 to index
      %parallel_loop3A_209 = tpu.vector_load %arg7[%parallel_loop3A_207, %parallel_loop3A_208] {strides = array<i32>} : memref<48x512xf32, #tpu.memory_space<vmem>>, vector<16xf32>,
      tpu.vector_store %arg7[%parallel_loop3A_207, %parallel_loop3A_208], %parallel_loop3A_203 {strides = array<i32>} : memref<48x512xf32, #tpu.memory_space<vmem>>, vector<16xf32>,
      %parallel_loop3A_210 = arith.constant 6 : i32
      %parallel_loop3A_211 = vector.broadcast %parallel_loop3A_210 : i32 to vector<16xi32>
      %parallel_loop3A_212 = arith.addi %parallel_loop3A_149, %parallel_loop3A_211 : vector<16xi32>
      %parallel_loop3A_213 = tpu.vector_load_idx %arg6[%parallel_loop3A_212] : memref<832xf32, #tpu.memory_space<vmem>>[vector<16xi32>], vector<16xf32>,
      %parallel_loop3A_214 = arith.constant 16 : i32
      %parallel_loop3A_215 = arith.muli %parallel_loop3A_137, %parallel_loop3A_214 : i32
      %parallel_loop3A_216 = arith.constant 6 : i32
      %parallel_loop3A_217 = arith.index_cast %parallel_loop3A_216 : i32 to index
      %parallel_loop3A_218 = arith.index_cast %parallel_loop3A_215 : i32 to index
      %parallel_loop3A_219 = tpu.vector_load %arg7[%parallel_loop3A_217, %parallel_loop3A_218] {strides = array<i32>} : memref<48x512xf32, #tpu.memory_space<vmem>>, vector<16xf32>,
      tpu.vector_store %arg7[%parallel_loop3A_217, %parallel_loop3A_218], %parallel_loop3A_213 {strides = array<i32>} : memref<48x512xf32, #tpu.memory_space<vmem>>, vector<16xf32>,
      %parallel_loop3A_220 = arith.constant 7 : i32
      %parallel_loop3A_221 = vector.broadcast %parallel_loop3A_220 : i32 to vector<16xi32>
      %parallel_loop3A_222 = arith.addi %parallel_loop3A_149, %parallel_loop3A_221 : vector<16xi32>
      %parallel_loop3A_223 = tpu.vector_load_idx %arg6[%parallel_loop3A_222] : memref<832xf32, #tpu.memory_space<vmem>>[vector<16xi32>], vector<16xf32>,
      %parallel_loop3A_224 = arith.constant 16 : i32
      %parallel_loop3A_225 = arith.muli %parallel_loop3A_137, %parallel_loop3A_224 : i32
      %parallel_loop3A_226 = arith.constant 7 : i32
      %parallel_loop3A_227 = arith.index_cast %parallel_loop3A_226 : i32 to index
      %parallel_loop3A_228 = arith.index_cast %parallel_loop3A_225 : i32 to index
      %parallel_loop3A_229 = tpu.vector_load %arg7[%parallel_loop3A_227, %parallel_loop3A_228] {strides = array<i32>} : memref<48x512xf32, #tpu.memory_space<vmem>>, vector<16xf32>,
      tpu.vector_store %arg7[%parallel_loop3A_227, %parallel_loop3A_228], %parallel_loop3A_223 {strides = array<i32>} : memref<48x512xf32, #tpu.memory_space<vmem>>, vector<16xf32>,
      %parallel_loop3A_230 = arith.constant 8 : i32
      %parallel_loop3A_231 = vector.broadcast %parallel_loop3A_230 : i32 to vector<16xi32>
      %parallel_loop3A_232 = arith.addi %parallel_loop3A_149, %parallel_loop3A_231 : vector<16xi32>
      %parallel_loop3A_233 = tpu.vector_load_idx %arg6[%parallel_loop3A_232] : memref<832xf32, #tpu.memory_space<vmem>>[vector<16xi32>], vector<16xf32>,
      %parallel_loop3A_234 = arith.constant 16 : i32
      %parallel_loop3A_235 = arith.muli %parallel_loop3A_137, %parallel_loop3A_234 : i32
      %parallel_loop3A_236 = arith.constant 8 : i32
      %parallel_loop3A_237 = arith.index_cast %parallel_loop3A_236 : i32 to index
      %parallel_loop3A_238 = arith.index_cast %parallel_loop3A_235 : i32 to index
      %parallel_loop3A_239 = tpu.vector_load %arg7[%parallel_loop3A_237, %parallel_loop3A_238] {strides = array<i32>} : memref<48x512xf32, #tpu.memory_space<vmem>>, vector<16xf32>,
      tpu.vector_store %arg7[%parallel_loop3A_237, %parallel_loop3A_238], %parallel_loop3A_233 {strides = array<i32>} : memref<48x512xf32, #tpu.memory_space<vmem>>, vector<16xf32>,
      %parallel_loop3A_240 = arith.constant 9 : i32
      %parallel_loop3A_241 = vector.broadcast %parallel_loop3A_240 : i32 to vector<16xi32>
      %parallel_loop3A_242 = arith.addi %parallel_loop3A_149, %parallel_loop3A_241 : vector<16xi32>
      %parallel_loop3A_243 = tpu.vector_load_idx %arg6[%parallel_loop3A_242] : memref<832xf32, #tpu.memory_space<vmem>>[vector<16xi32>], vector<16xf32>,
      %parallel_loop3A_244 = arith.constant 16 : i32
      %parallel_loop3A_245 = arith.muli %parallel_loop3A_137, %parallel_loop3A_244 : i32
      %parallel_loop3A_246 = arith.constant 9 : i32
      %parallel_loop3A_247 = arith.index_cast %parallel_loop3A_246 : i32 to index
      %parallel_loop3A_248 = arith.index_cast %parallel_loop3A_245 : i32 to index
      %parallel_loop3A_249 = tpu.vector_load %arg7[%parallel_loop3A_247, %parallel_loop3A_248] {strides = array<i32>} : memref<48x512xf32, #tpu.memory_space<vmem>>, vector<16xf32>,
      tpu.vector_store %arg7[%parallel_loop3A_247, %parallel_loop3A_248], %parallel_loop3A_243 {strides = array<i32>} : memref<48x512xf32, #tpu.memory_space<vmem>>, vector<16xf32>,
      %parallel_loop3A_250 = arith.constant 10 : i32
      %parallel_loop3A_251 = vector.broadcast %parallel_loop3A_250 : i32 to vector<16xi32>
      %parallel_loop3A_252 = arith.addi %parallel_loop3A_149, %parallel_loop3A_251 : vector<16xi32>
      %parallel_loop3A_253 = tpu.vector_load_idx %arg6[%parallel_loop3A_252] : memref<832xf32, #tpu.memory_space<vmem>>[vector<16xi32>], vector<16xf32>,
      %parallel_loop3A_254 = arith.constant 16 : i32
      %parallel_loop3A_255 = arith.muli %parallel_loop3A_137, %parallel_loop3A_254 : i32
      %parallel_loop3A_256 = arith.constant 10 : i32
      %parallel_loop3A_257 = arith.index_cast %parallel_loop3A_256 : i32 to index
      %parallel_loop3A_258 = arith.index_cast %parallel_loop3A_255 : i32 to index
      %parallel_loop3A_259 = tpu.vector_load %arg7[%parallel_loop3A_257, %parallel_loop3A_258] {strides = array<i32>} : memref<48x512xf32, #tpu.memory_space<vmem>>, vector<16xf32>,
      tpu.vector_store %arg7[%parallel_loop3A_257, %parallel_loop3A_258], %parallel_loop3A_253 {strides = array<i32>} : memref<48x512xf32, #tpu.memory_space<vmem>>, vector<16xf32>,
      %parallel_loop3A_260 = arith.constant 11 : i32
      %parallel_loop3A_261 = vector.broadcast %parallel_loop3A_260 : i32 to vector<16xi32>
      %parallel_loop3A_262 = arith.addi %parallel_loop3A_149, %parallel_loop3A_261 : vector<16xi32>
      %parallel_loop3A_263 = tpu.vector_load_idx %arg6[%parallel_loop3A_262] : memref<832xf32, #tpu.memory_space<vmem>>[vector<16xi32>], vector<16xf32>,
      %parallel_loop3A_264 = arith.constant 16 : i32
      %parallel_loop3A_265 = arith.muli %parallel_loop3A_137, %parallel_loop3A_264 : i32
      %parallel_loop3A_266 = arith.constant 11 : i32
      %parallel_loop3A_267 = arith.index_cast %parallel_loop3A_266 : i32 to index
      %parallel_loop3A_268 = arith.index_cast %parallel_loop3A_265 : i32 to index
      %parallel_loop3A_269 = tpu.vector_load %arg7[%parallel_loop3A_267, %parallel_loop3A_268] {strides = array<i32>} : memref<48x512xf32, #tpu.memory_space<vmem>>, vector<16xf32>,
      tpu.vector_store %arg7[%parallel_loop3A_267, %parallel_loop3A_268], %parallel_loop3A_263 {strides = array<i32>} : memref<48x512xf32, #tpu.memory_space<vmem>>, vector<16xf32>,
      %parallel_loop3A_270 = arith.constant 12 : i32
      %parallel_loop3A_271 = vector.broadcast %parallel_loop3A_270 : i32 to vector<16xi32>
      %parallel_loop3A_272 = arith.addi %parallel_loop3A_149, %parallel_loop3A_271 : vector<16xi32>
      %parallel_loop3A_273 = tpu.vector_load_idx %arg6[%parallel_loop3A_272] : memref<832xf32, #tpu.memory_space<vmem>>[vector<16xi32>], vector<16xf32>,
      %parallel_loop3A_274 = arith.constant 16 : i32
      %parallel_loop3A_275 = arith.muli %parallel_loop3A_137, %parallel_loop3A_274 : i32
      %parallel_loop3A_276 = arith.constant 12 : i32
      %parallel_loop3A_277 = arith.index_cast %parallel_loop3A_276 : i32 to index
      %parallel_loop3A_278 = arith.index_cast %parallel_loop3A_275 : i32 to index
      %parallel_loop3A_279 = tpu.vector_load %arg7[%parallel_loop3A_277, %parallel_loop3A_278] {strides = array<i32>} : memref<48x512xf32, #tpu.memory_space<vmem>>, vector<16xf32>,
      tpu.vector_store %arg7[%parallel_loop3A_277, %parallel_loop3A_278], %parallel_loop3A_273 {strides = array<i32>} : memref<48x512xf32, #tpu.memory_space<vmem>>, vector<16xf32>,
      %parallel_loop3A_280 = arith.constant 13 : i32
      %parallel_loop3A_281 = vector.broadcast %parallel_loop3A_280 : i32 to vector<16xi32>
      %parallel_loop3A_282 = arith.addi %parallel_loop3A_149, %parallel_loop3A_281 : vector<16xi32>
      %parallel_loop3A_283 = tpu.vector_load_idx %arg6[%parallel_loop3A_282] : memref<832xf32, #tpu.memory_space<vmem>>[vector<16xi32>], vector<16xf32>,
      %parallel_loop3A_284 = arith.constant 16 : i32
      %parallel_loop3A_285 = arith.muli %parallel_loop3A_137, %parallel_loop3A_284 : i32
      %parallel_loop3A_286 = arith.constant 13 : i32
      %parallel_loop3A_287 = arith.index_cast %parallel_loop3A_286 : i32 to index
      %parallel_loop3A_288 = arith.index_cast %parallel_loop3A_285 : i32 to index
      %parallel_loop3A_289 = tpu.vector_load %arg7[%parallel_loop3A_287, %parallel_loop3A_288] {strides = array<i32>} : memref<48x512xf32, #tpu.memory_space<vmem>>, vector<16xf32>,
      tpu.vector_store %arg7[%parallel_loop3A_287, %parallel_loop3A_288], %parallel_loop3A_283 {strides = array<i32>} : memref<48x512xf32, #tpu.memory_space<vmem>>, vector<16xf32>,
      %parallel_loop3A_290 = arith.constant 14 : i32
      %parallel_loop3A_291 = vector.broadcast %parallel_loop3A_290 : i32 to vector<16xi32>
      %parallel_loop3A_292 = arith.addi %parallel_loop3A_149, %parallel_loop3A_291 : vector<16xi32>
      %parallel_loop3A_293 = tpu.vector_load_idx %arg6[%parallel_loop3A_292] : memref<832xf32, #tpu.memory_space<vmem>>[vector<16xi32>], vector<16xf32>,
      %parallel_loop3A_294 = arith.constant 16 : i32
      %parallel_loop3A_295 = arith.muli %parallel_loop3A_137, %parallel_loop3A_294 : i32
      %parallel_loop3A_296 = arith.constant 14 : i32
      %parallel_loop3A_297 = arith.index_cast %parallel_loop3A_296 : i32 to index
      %parallel_loop3A_298 = arith.index_cast %parallel_loop3A_295 : i32 to index
      %parallel_loop3A_299 = tpu.vector_load %arg7[%parallel_loop3A_297, %parallel_loop3A_298] {strides = array<i32>} : memref<48x512xf32, #tpu.memory_space<vmem>>, vector<16xf32>,
      tpu.vector_store %arg7[%parallel_loop3A_297, %parallel_loop3A_298], %parallel_loop3A_293 {strides = array<i32>} : memref<48x512xf32, #tpu.memory_space<vmem>>, vector<16xf32>,
      %parallel_loop3A_300 = arith.constant 15 : i32
      %parallel_loop3A_301 = vector.broadcast %parallel_loop3A_300 : i32 to vector<16xi32>
      %parallel_loop3A_302 = arith.addi %parallel_loop3A_149, %parallel_loop3A_301 : vector<16xi32>
      %parallel_loop3A_303 = tpu.vector_load_idx %arg6[%parallel_loop3A_302] : memref<832xf32, #tpu.memory_space<vmem>>[vector<16xi32>], vector<16xf32>,
      %parallel_loop3A_304 = arith.constant 16 : i32
      %parallel_loop3A_305 = arith.muli %parallel_loop3A_137, %parallel_loop3A_304 : i32
      %parallel_loop3A_306 = arith.constant 15 : i32
      %parallel_loop3A_307 = arith.index_cast %parallel_loop3A_306 : i32 to index
      %parallel_loop3A_308 = arith.index_cast %parallel_loop3A_305 : i32 to index
      %parallel_loop3A_309 = tpu.vector_load %arg7[%parallel_loop3A_307, %parallel_loop3A_308] {strides = array<i32>} : memref<48x512xf32, #tpu.memory_space<vmem>>, vector<16xf32>,
      tpu.vector_store %arg7[%parallel_loop3A_307, %parallel_loop3A_308], %parallel_loop3A_303 {strides = array<i32>} : memref<48x512xf32, #tpu.memory_space<vmem>>, vector<16xf32>,
      %parallel_loop3A_310 = arith.constant 16 : i32
      %parallel_loop3A_311 = vector.broadcast %parallel_loop3A_310 : i32 to vector<16xi32>
      %parallel_loop3A_312 = arith.addi %parallel_loop3A_149, %parallel_loop3A_311 : vector<16xi32>
      %parallel_loop3A_313 = tpu.vector_load_idx %arg6[%parallel_loop3A_312] : memref<832xf32, #tpu.memory_space<vmem>>[vector<16xi32>], vector<16xf32>,
      %parallel_loop3A_314 = arith.constant 16 : i32
      %parallel_loop3A_315 = arith.muli %parallel_loop3A_137, %parallel_loop3A_314 : i32
      %parallel_loop3A_316 = arith.constant 16 : i32
      %parallel_loop3A_317 = arith.index_cast %parallel_loop3A_316 : i32 to index
      %parallel_loop3A_318 = arith.index_cast %parallel_loop3A_315 : i32 to index
      %parallel_loop3A_319 = tpu.vector_load %arg7[%parallel_loop3A_317, %parallel_loop3A_318] {strides = array<i32>} : memref<48x512xf32, #tpu.memory_space<vmem>>, vector<16xf32>,
      tpu.vector_store %arg7[%parallel_loop3A_317, %parallel_loop3A_318], %parallel_loop3A_313 {strides = array<i32>} : memref<48x512xf32, #tpu.memory_space<vmem>>, vector<16xf32>,
      %parallel_loop3A_320 = arith.constant 16 : i32
      %parallel_loop3A_321 = arith.muli %parallel_loop3A_137, %parallel_loop3A_320 : i32
      %parallel_loop3A_322 = arith.constant 512 : i32
      %parallel_loop3A_323 = arith.addi %parallel_loop3A_322, %parallel_loop3A_321 : i32
      %parallel_loop3A_324 = arith.index_cast %parallel_loop3A_323 : i32 to index
      %parallel_loop3A_325 = tpu.vector_load %arg5[%parallel_loop3A_324] {strides = array<i32>} : memref<4608xi32, #tpu.memory_space<vmem>>, vector<16xi32>,
      %parallel_loop3A_326 = arith.constant 1 : i32
      %parallel_loop3A_327 = vector.broadcast %parallel_loop3A_326 : i32 to vector<16xi32>
      %parallel_loop3A_328 = arith.muli %parallel_loop3A_325, %parallel_loop3A_327 : vector<16xi32>
      %parallel_loop3A_329 = arith.constant 561 : i32
      %parallel_loop3A_330 = vector.broadcast %parallel_loop3A_329 : i32 to vector<16xi32>
      %parallel_loop3A_331 = arith.addi %parallel_loop3A_328, %parallel_loop3A_330 : vector<16xi32>
      %parallel_loop3A_332 = arith.constant 0 : i32
      %parallel_loop3A_333 = vector.broadcast %parallel_loop3A_332 : i32 to vector<16xi32>
      %parallel_loop3A_334 = arith.addi %parallel_loop3A_331, %parallel_loop3A_333 : vector<16xi32>
      %parallel_loop3A_335 = tpu.vector_load_idx %arg6[%parallel_loop3A_334] : memref<832xf32, #tpu.memory_space<vmem>>[vector<16xi32>], vector<16xf32>,
      %parallel_loop3A_336 = arith.constant 16 : i32
      %parallel_loop3A_337 = arith.muli %parallel_loop3A_137, %parallel_loop3A_336 : i32
      %parallel_loop3A_338 = arith.constant 17 : i32
      %parallel_loop3A_339 = arith.index_cast %parallel_loop3A_338 : i32 to index
      %parallel_loop3A_340 = arith.index_cast %parallel_loop3A_337 : i32 to index
      %parallel_loop3A_341 = tpu.vector_load %arg7[%parallel_loop3A_339, %parallel_loop3A_340] {strides = array<i32>} : memref<48x512xf32, #tpu.memory_space<vmem>>, vector<16xf32>,
      tpu.vector_store %arg7[%parallel_loop3A_339, %parallel_loop3A_340], %parallel_loop3A_335 {strides = array<i32>} : memref<48x512xf32, #tpu.memory_space<vmem>>, vector<16xf32>,
      %parallel_loop3A_342 = arith.constant 16 : i32
      %parallel_loop3A_343 = arith.muli %parallel_loop3A_137, %parallel_loop3A_342 : i32
      %parallel_loop3A_344 = arith.constant 1024 : i32
      %parallel_loop3A_345 = arith.addi %parallel_loop3A_344, %parallel_loop3A_343 : i32
      %parallel_loop3A_346 = arith.index_cast %parallel_loop3A_345 : i32 to index
      %parallel_loop3A_347 = tpu.vector_load %arg5[%parallel_loop3A_346] {strides = array<i32>} : memref<4608xi32, #tpu.memory_space<vmem>>, vector<16xi32>,
      %parallel_loop3A_348 = arith.constant 4 : i32
      %parallel_loop3A_349 = vector.broadcast %parallel_loop3A_348 : i32 to vector<16xi32>
      %parallel_loop3A_350 = arith.muli %parallel_loop3A_347, %parallel_loop3A_349 : vector<16xi32>
      %parallel_loop3A_351 = arith.constant 563 : i32
      %parallel_loop3A_352 = vector.broadcast %parallel_loop3A_351 : i32 to vector<16xi32>
      %parallel_loop3A_353 = arith.addi %parallel_loop3A_350, %parallel_loop3A_352 : vector<16xi32>
      %parallel_loop3A_354 = arith.constant 0 : i32
      %parallel_loop3A_355 = vector.broadcast %parallel_loop3A_354 : i32 to vector<16xi32>
      %parallel_loop3A_356 = arith.addi %parallel_loop3A_353, %parallel_loop3A_355 : vector<16xi32>
      %parallel_loop3A_357 = tpu.vector_load_idx %arg6[%parallel_loop3A_356] : memref<832xf32, #tpu.memory_space<vmem>>[vector<16xi32>], vector<16xf32>,
      %parallel_loop3A_358 = arith.constant 16 : i32
      %parallel_loop3A_359 = arith.muli %parallel_loop3A_137, %parallel_loop3A_358 : i32
      %parallel_loop3A_360 = arith.constant 18 : i32
      %parallel_loop3A_361 = arith.index_cast %parallel_loop3A_360 : i32 to index
      %parallel_loop3A_362 = arith.index_cast %parallel_loop3A_359 : i32 to index
      %parallel_loop3A_363 = tpu.vector_load %arg7[%parallel_loop3A_361, %parallel_loop3A_362] {strides = array<i32>} : memref<48x512xf32, #tpu.memory_space<vmem>>, vector<16xf32>,
      tpu.vector_store %arg7[%parallel_loop3A_361, %parallel_loop3A_362], %parallel_loop3A_357 {strides = array<i32>} : memref<48x512xf32, #tpu.memory_space<vmem>>, vector<16xf32>,
      %parallel_loop3A_364 = arith.constant 1 : i32
      %parallel_loop3A_365 = vector.broadcast %parallel_loop3A_364 : i32 to vector<16xi32>
      %parallel_loop3A_366 = arith.addi %parallel_loop3A_353, %parallel_loop3A_365 : vector<16xi32>
      %parallel_loop3A_367 = tpu.vector_load_idx %arg6[%parallel_loop3A_366] : memref<832xf32, #tpu.memory_space<vmem>>[vector<16xi32>], vector<16xf32>,
      %parallel_loop3A_368 = arith.constant 16 : i32
      %parallel_loop3A_369 = arith.muli %parallel_loop3A_137, %parallel_loop3A_368 : i32
      %parallel_loop3A_370 = arith.constant 19 : i32
      %parallel_loop3A_371 = arith.index_cast %parallel_loop3A_370 : i32 to index
      %parallel_loop3A_372 = arith.index_cast %parallel_loop3A_369 : i32 to index
      %parallel_loop3A_373 = tpu.vector_load %arg7[%parallel_loop3A_371, %parallel_loop3A_372] {strides = array<i32>} : memref<48x512xf32, #tpu.memory_space<vmem>>, vector<16xf32>,
      tpu.vector_store %arg7[%parallel_loop3A_371, %parallel_loop3A_372], %parallel_loop3A_367 {strides = array<i32>} : memref<48x512xf32, #tpu.memory_space<vmem>>, vector<16xf32>,
      %parallel_loop3A_374 = arith.constant 2 : i32
      %parallel_loop3A_375 = vector.broadcast %parallel_loop3A_374 : i32 to vector<16xi32>
      %parallel_loop3A_376 = arith.addi %parallel_loop3A_353, %parallel_loop3A_375 : vector<16xi32>
      %parallel_loop3A_377 = tpu.vector_load_idx %arg6[%parallel_loop3A_376] : memref<832xf32, #tpu.memory_space<vmem>>[vector<16xi32>], vector<16xf32>,
      %parallel_loop3A_378 = arith.constant 16 : i32
      %parallel_loop3A_379 = arith.muli %parallel_loop3A_137, %parallel_loop3A_378 : i32
      %parallel_loop3A_380 = arith.constant 20 : i32
      %parallel_loop3A_381 = arith.index_cast %parallel_loop3A_380 : i32 to index
      %parallel_loop3A_382 = arith.index_cast %parallel_loop3A_379 : i32 to index
      %parallel_loop3A_383 = tpu.vector_load %arg7[%parallel_loop3A_381, %parallel_loop3A_382] {strides = array<i32>} : memref<48x512xf32, #tpu.memory_space<vmem>>, vector<16xf32>,
      tpu.vector_store %arg7[%parallel_loop3A_381, %parallel_loop3A_382], %parallel_loop3A_377 {strides = array<i32>} : memref<48x512xf32, #tpu.memory_space<vmem>>, vector<16xf32>,
      %parallel_loop3A_384 = arith.constant 3 : i32
      %parallel_loop3A_385 = vector.broadcast %parallel_loop3A_384 : i32 to vector<16xi32>
      %parallel_loop3A_386 = arith.addi %parallel_loop3A_353, %parallel_loop3A_385 : vector<16xi32>
      %parallel_loop3A_387 = tpu.vector_load_idx %arg6[%parallel_loop3A_386] : memref<832xf32, #tpu.memory_space<vmem>>[vector<16xi32>], vector<16xf32>,
      %parallel_loop3A_388 = arith.constant 16 : i32
      %parallel_loop3A_389 = arith.muli %parallel_loop3A_137, %parallel_loop3A_388 : i32
      %parallel_loop3A_390 = arith.constant 21 : i32
      %parallel_loop3A_391 = arith.index_cast %parallel_loop3A_390 : i32 to index
      %parallel_loop3A_392 = arith.index_cast %parallel_loop3A_389 : i32 to index
      %parallel_loop3A_393 = tpu.vector_load %arg7[%parallel_loop3A_391, %parallel_loop3A_392] {strides = array<i32>} : memref<48x512xf32, #tpu.memory_space<vmem>>, vector<16xf32>,
      tpu.vector_store %arg7[%parallel_loop3A_391, %parallel_loop3A_392], %parallel_loop3A_387 {strides = array<i32>} : memref<48x512xf32, #tpu.memory_space<vmem>>, vector<16xf32>,
      %parallel_loop3A_394 = arith.constant 16 : i32
      %parallel_loop3A_395 = arith.muli %parallel_loop3A_137, %parallel_loop3A_394 : i32
      %parallel_loop3A_396 = arith.constant 1536 : i32
      %parallel_loop3A_397 = arith.addi %parallel_loop3A_396, %parallel_loop3A_395 : i32
      %parallel_loop3A_398 = arith.index_cast %parallel_loop3A_397 : i32 to index
      %parallel_loop3A_399 = tpu.vector_load %arg5[%parallel_loop3A_398] {strides = array<i32>} : memref<4608xi32, #tpu.memory_space<vmem>>, vector<16xi32>,
      %parallel_loop3A_400 = arith.constant 2 : i32
      %parallel_loop3A_401 = vector.broadcast %parallel_loop3A_400 : i32 to vector<16xi32>
      %parallel_loop3A_402 = arith.muli %parallel_loop3A_399, %parallel_loop3A_401 : vector<16xi32>
      %parallel_loop3A_403 = arith.constant 595 : i32
      %parallel_loop3A_404 = vector.broadcast %parallel_loop3A_403 : i32 to vector<16xi32>
      %parallel_loop3A_405 = arith.addi %parallel_loop3A_402, %parallel_loop3A_404 : vector<16xi32>
      %parallel_loop3A_406 = arith.constant 0 : i32
      %parallel_loop3A_407 = vector.broadcast %parallel_loop3A_406 : i32 to vector<16xi32>
      %parallel_loop3A_408 = arith.addi %parallel_loop3A_405, %parallel_loop3A_407 : vector<16xi32>
      %parallel_loop3A_409 = tpu.vector_load_idx %arg6[%parallel_loop3A_408] : memref<832xf32, #tpu.memory_space<vmem>>[vector<16xi32>], vector<16xf32>,
      %parallel_loop3A_410 = arith.constant 16 : i32
      %parallel_loop3A_411 = arith.muli %parallel_loop3A_137, %parallel_loop3A_410 : i32
      %parallel_loop3A_412 = arith.constant 22 : i32
      %parallel_loop3A_413 = arith.index_cast %parallel_loop3A_412 : i32 to index
      %parallel_loop3A_414 = arith.index_cast %parallel_loop3A_411 : i32 to index
      %parallel_loop3A_415 = tpu.vector_load %arg7[%parallel_loop3A_413, %parallel_loop3A_414] {strides = array<i32>} : memref<48x512xf32, #tpu.memory_space<vmem>>, vector<16xf32>,
      tpu.vector_store %arg7[%parallel_loop3A_413, %parallel_loop3A_414], %parallel_loop3A_409 {strides = array<i32>} : memref<48x512xf32, #tpu.memory_space<vmem>>, vector<16xf32>,
      %parallel_loop3A_416 = arith.constant 1 : i32
      %parallel_loop3A_417 = vector.broadcast %parallel_loop3A_416 : i32 to vector<16xi32>
      %parallel_loop3A_418 = arith.addi %parallel_loop3A_405, %parallel_loop3A_417 : vector<16xi32>
      %parallel_loop3A_419 = tpu.vector_load_idx %arg6[%parallel_loop3A_418] : memref<832xf32, #tpu.memory_space<vmem>>[vector<16xi32>], vector<16xf32>,
      %parallel_loop3A_420 = arith.constant 16 : i32
      %parallel_loop3A_421 = arith.muli %parallel_loop3A_137, %parallel_loop3A_420 : i32
      %parallel_loop3A_422 = arith.constant 23 : i32
      %parallel_loop3A_423 = arith.index_cast %parallel_loop3A_422 : i32 to index
      %parallel_loop3A_424 = arith.index_cast %parallel_loop3A_421 : i32 to index
      %parallel_loop3A_425 = tpu.vector_load %arg7[%parallel_loop3A_423, %parallel_loop3A_424] {strides = array<i32>} : memref<48x512xf32, #tpu.memory_space<vmem>>, vector<16xf32>,
      tpu.vector_store %arg7[%parallel_loop3A_423, %parallel_loop3A_424], %parallel_loop3A_419 {strides = array<i32>} : memref<48x512xf32, #tpu.memory_space<vmem>>, vector<16xf32>,
      %parallel_loop3A_426 = arith.constant 16 : i32
      %parallel_loop3A_427 = arith.muli %parallel_loop3A_137, %parallel_loop3A_426 : i32
      %parallel_loop3A_428 = arith.constant 2048 : i32
      %parallel_loop3A_429 = arith.addi %parallel_loop3A_428, %parallel_loop3A_427 : i32
      %parallel_loop3A_430 = arith.index_cast %parallel_loop3A_429 : i32 to index
      %parallel_loop3A_431 = tpu.vector_load %arg5[%parallel_loop3A_430] {strides = array<i32>} : memref<4608xi32, #tpu.memory_space<vmem>>, vector<16xi32>,
      %parallel_loop3A_432 = arith.constant 2 : i32
      %parallel_loop3A_433 = vector.broadcast %parallel_loop3A_432 : i32 to vector<16xi32>
      %parallel_loop3A_434 = arith.muli %parallel_loop3A_431, %parallel_loop3A_433 : vector<16xi32>
      %parallel_loop3A_435 = arith.constant 601 : i32
      %parallel_loop3A_436 = vector.broadcast %parallel_loop3A_435 : i32 to vector<16xi32>
      %parallel_loop3A_437 = arith.addi %parallel_loop3A_434, %parallel_loop3A_436 : vector<16xi32>
      %parallel_loop3A_438 = arith.constant 0 : i32
      %parallel_loop3A_439 = vector.broadcast %parallel_loop3A_438 : i32 to vector<16xi32>
      %parallel_loop3A_440 = arith.addi %parallel_loop3A_437, %parallel_loop3A_439 : vector<16xi32>
      %parallel_loop3A_441 = tpu.vector_load_idx %arg6[%parallel_loop3A_440] : memref<832xf32, #tpu.memory_space<vmem>>[vector<16xi32>], vector<16xf32>,
      %parallel_loop3A_442 = arith.constant 16 : i32
      %parallel_loop3A_443 = arith.muli %parallel_loop3A_137, %parallel_loop3A_442 : i32
      %parallel_loop3A_444 = arith.constant 24 : i32
      %parallel_loop3A_445 = arith.index_cast %parallel_loop3A_444 : i32 to index
      %parallel_loop3A_446 = arith.index_cast %parallel_loop3A_443 : i32 to index
      %parallel_loop3A_447 = tpu.vector_load %arg7[%parallel_loop3A_445, %parallel_loop3A_446] {strides = array<i32>} : memref<48x512xf32, #tpu.memory_space<vmem>>, vector<16xf32>,
      tpu.vector_store %arg7[%parallel_loop3A_445, %parallel_loop3A_446], %parallel_loop3A_441 {strides = array<i32>} : memref<48x512xf32, #tpu.memory_space<vmem>>, vector<16xf32>,
      %parallel_loop3A_448 = arith.constant 1 : i32
      %parallel_loop3A_449 = vector.broadcast %parallel_loop3A_448 : i32 to vector<16xi32>
      %parallel_loop3A_450 = arith.addi %parallel_loop3A_437, %parallel_loop3A_449 : vector<16xi32>
      %parallel_loop3A_451 = tpu.vector_load_idx %arg6[%parallel_loop3A_450] : memref<832xf32, #tpu.memory_space<vmem>>[vector<16xi32>], vector<16xf32>,
      %parallel_loop3A_452 = arith.constant 16 : i32
      %parallel_loop3A_453 = arith.muli %parallel_loop3A_137, %parallel_loop3A_452 : i32
      %parallel_loop3A_454 = arith.constant 25 : i32
      %parallel_loop3A_455 = arith.index_cast %parallel_loop3A_454 : i32 to index
      %parallel_loop3A_456 = arith.index_cast %parallel_loop3A_453 : i32 to index
      %parallel_loop3A_457 = tpu.vector_load %arg7[%parallel_loop3A_455, %parallel_loop3A_456] {strides = array<i32>} : memref<48x512xf32, #tpu.memory_space<vmem>>, vector<16xf32>,
      tpu.vector_store %arg7[%parallel_loop3A_455, %parallel_loop3A_456], %parallel_loop3A_451 {strides = array<i32>} : memref<48x512xf32, #tpu.memory_space<vmem>>, vector<16xf32>,
      %parallel_loop3A_458 = arith.constant 16 : i32
      %parallel_loop3A_459 = arith.muli %parallel_loop3A_137, %parallel_loop3A_458 : i32
      %parallel_loop3A_460 = arith.constant 2560 : i32
      %parallel_loop3A_461 = arith.addi %parallel_loop3A_460, %parallel_loop3A_459 : i32
      %parallel_loop3A_462 = arith.index_cast %parallel_loop3A_461 : i32 to index
      %parallel_loop3A_463 = tpu.vector_load %arg5[%parallel_loop3A_462] {strides = array<i32>} : memref<4608xi32, #tpu.memory_space<vmem>>, vector<16xi32>,
      %parallel_loop3A_464 = arith.constant 2 : i32
      %parallel_loop3A_465 = vector.broadcast %parallel_loop3A_464 : i32 to vector<16xi32>
      %parallel_loop3A_466 = arith.muli %parallel_loop3A_463, %parallel_loop3A_465 : vector<16xi32>
      %parallel_loop3A_467 = arith.constant 607 : i32
      %parallel_loop3A_468 = vector.broadcast %parallel_loop3A_467 : i32 to vector<16xi32>
      %parallel_loop3A_469 = arith.addi %parallel_loop3A_466, %parallel_loop3A_468 : vector<16xi32>
      %parallel_loop3A_470 = arith.constant 0 : i32
      %parallel_loop3A_471 = vector.broadcast %parallel_loop3A_470 : i32 to vector<16xi32>
      %parallel_loop3A_472 = arith.addi %parallel_loop3A_469, %parallel_loop3A_471 : vector<16xi32>
      %parallel_loop3A_473 = tpu.vector_load_idx %arg6[%parallel_loop3A_472] : memref<832xf32, #tpu.memory_space<vmem>>[vector<16xi32>], vector<16xf32>,
      %parallel_loop3A_474 = arith.constant 16 : i32
      %parallel_loop3A_475 = arith.muli %parallel_loop3A_137, %parallel_loop3A_474 : i32
      %parallel_loop3A_476 = arith.constant 26 : i32
      %parallel_loop3A_477 = arith.index_cast %parallel_loop3A_476 : i32 to index
      %parallel_loop3A_478 = arith.index_cast %parallel_loop3A_475 : i32 to index
      %parallel_loop3A_479 = tpu.vector_load %arg7[%parallel_loop3A_477, %parallel_loop3A_478] {strides = array<i32>} : memref<48x512xf32, #tpu.memory_space<vmem>>, vector<16xf32>,
      tpu.vector_store %arg7[%parallel_loop3A_477, %parallel_loop3A_478], %parallel_loop3A_473 {strides = array<i32>} : memref<48x512xf32, #tpu.memory_space<vmem>>, vector<16xf32>,
      %parallel_loop3A_480 = arith.constant 1 : i32
      %parallel_loop3A_481 = vector.broadcast %parallel_loop3A_480 : i32 to vector<16xi32>
      %parallel_loop3A_482 = arith.addi %parallel_loop3A_469, %parallel_loop3A_481 : vector<16xi32>
      %parallel_loop3A_483 = tpu.vector_load_idx %arg6[%parallel_loop3A_482] : memref<832xf32, #tpu.memory_space<vmem>>[vector<16xi32>], vector<16xf32>,
      %parallel_loop3A_484 = arith.constant 16 : i32
      %parallel_loop3A_485 = arith.muli %parallel_loop3A_137, %parallel_loop3A_484 : i32
      %parallel_loop3A_486 = arith.constant 27 : i32
      %parallel_loop3A_487 = arith.index_cast %parallel_loop3A_486 : i32 to index
      %parallel_loop3A_488 = arith.index_cast %parallel_loop3A_485 : i32 to index
      %parallel_loop3A_489 = tpu.vector_load %arg7[%parallel_loop3A_487, %parallel_loop3A_488] {strides = array<i32>} : memref<48x512xf32, #tpu.memory_space<vmem>>, vector<16xf32>,
      tpu.vector_store %arg7[%parallel_loop3A_487, %parallel_loop3A_488], %parallel_loop3A_483 {strides = array<i32>} : memref<48x512xf32, #tpu.memory_space<vmem>>, vector<16xf32>,
      %parallel_loop3A_490 = arith.constant 16 : i32
      %parallel_loop3A_491 = arith.muli %parallel_loop3A_137, %parallel_loop3A_490 : i32
      %parallel_loop3A_492 = arith.constant 3072 : i32
      %parallel_loop3A_493 = arith.addi %parallel_loop3A_492, %parallel_loop3A_491 : i32
      %parallel_loop3A_494 = arith.index_cast %parallel_loop3A_493 : i32 to index
      %parallel_loop3A_495 = tpu.vector_load %arg5[%parallel_loop3A_494] {strides = array<i32>} : memref<4608xi32, #tpu.memory_space<vmem>>, vector<16xi32>,
      %parallel_loop3A_496 = arith.constant 2 : i32
      %parallel_loop3A_497 = vector.broadcast %parallel_loop3A_496 : i32 to vector<16xi32>
      %parallel_loop3A_498 = arith.muli %parallel_loop3A_495, %parallel_loop3A_497 : vector<16xi32>
      %parallel_loop3A_499 = arith.constant 613 : i32
      %parallel_loop3A_500 = vector.broadcast %parallel_loop3A_499 : i32 to vector<16xi32>
      %parallel_loop3A_501 = arith.addi %parallel_loop3A_498, %parallel_loop3A_500 : vector<16xi32>
      %parallel_loop3A_502 = arith.constant 0 : i32
      %parallel_loop3A_503 = vector.broadcast %parallel_loop3A_502 : i32 to vector<16xi32>
      %parallel_loop3A_504 = arith.addi %parallel_loop3A_501, %parallel_loop3A_503 : vector<16xi32>
      %parallel_loop3A_505 = tpu.vector_load_idx %arg6[%parallel_loop3A_504] : memref<832xf32, #tpu.memory_space<vmem>>[vector<16xi32>], vector<16xf32>,
      %parallel_loop3A_506 = arith.constant 16 : i32
      %parallel_loop3A_507 = arith.muli %parallel_loop3A_137, %parallel_loop3A_506 : i32
      %parallel_loop3A_508 = arith.constant 28 : i32
      %parallel_loop3A_509 = arith.index_cast %parallel_loop3A_508 : i32 to index
      %parallel_loop3A_510 = arith.index_cast %parallel_loop3A_507 : i32 to index
      %parallel_loop3A_511 = tpu.vector_load %arg7[%parallel_loop3A_509, %parallel_loop3A_510] {strides = array<i32>} : memref<48x512xf32, #tpu.memory_space<vmem>>, vector<16xf32>,
      tpu.vector_store %arg7[%parallel_loop3A_509, %parallel_loop3A_510], %parallel_loop3A_505 {strides = array<i32>} : memref<48x512xf32, #tpu.memory_space<vmem>>, vector<16xf32>,
      %parallel_loop3A_512 = arith.constant 1 : i32
      %parallel_loop3A_513 = vector.broadcast %parallel_loop3A_512 : i32 to vector<16xi32>
      %parallel_loop3A_514 = arith.addi %parallel_loop3A_501, %parallel_loop3A_513 : vector<16xi32>
      %parallel_loop3A_515 = tpu.vector_load_idx %arg6[%parallel_loop3A_514] : memref<832xf32, #tpu.memory_space<vmem>>[vector<16xi32>], vector<16xf32>,
      %parallel_loop3A_516 = arith.constant 16 : i32
      %parallel_loop3A_517 = arith.muli %parallel_loop3A_137, %parallel_loop3A_516 : i32
      %parallel_loop3A_518 = arith.constant 29 : i32
      %parallel_loop3A_519 = arith.index_cast %parallel_loop3A_518 : i32 to index
      %parallel_loop3A_520 = arith.index_cast %parallel_loop3A_517 : i32 to index
      %parallel_loop3A_521 = tpu.vector_load %arg7[%parallel_loop3A_519, %parallel_loop3A_520] {strides = array<i32>} : memref<48x512xf32, #tpu.memory_space<vmem>>, vector<16xf32>,
      tpu.vector_store %arg7[%parallel_loop3A_519, %parallel_loop3A_520], %parallel_loop3A_515 {strides = array<i32>} : memref<48x512xf32, #tpu.memory_space<vmem>>, vector<16xf32>,
      %parallel_loop3A_522 = arith.constant 16 : i32
      %parallel_loop3A_523 = arith.muli %parallel_loop3A_137, %parallel_loop3A_522 : i32
      %parallel_loop3A_524 = arith.constant 3584 : i32
      %parallel_loop3A_525 = arith.addi %parallel_loop3A_524, %parallel_loop3A_523 : i32
      %parallel_loop3A_526 = arith.index_cast %parallel_loop3A_525 : i32 to index
      %parallel_loop3A_527 = tpu.vector_load %arg5[%parallel_loop3A_526] {strides = array<i32>} : memref<4608xi32, #tpu.memory_space<vmem>>, vector<16xi32>,
      %parallel_loop3A_528 = arith.constant 2 : i32
      %parallel_loop3A_529 = vector.broadcast %parallel_loop3A_528 : i32 to vector<16xi32>
      %parallel_loop3A_530 = arith.muli %parallel_loop3A_527, %parallel_loop3A_529 : vector<16xi32>
      %parallel_loop3A_531 = arith.constant 619 : i32
      %parallel_loop3A_532 = vector.broadcast %parallel_loop3A_531 : i32 to vector<16xi32>
      %parallel_loop3A_533 = arith.addi %parallel_loop3A_530, %parallel_loop3A_532 : vector<16xi32>
      %parallel_loop3A_534 = arith.constant 0 : i32
      %parallel_loop3A_535 = vector.broadcast %parallel_loop3A_534 : i32 to vector<16xi32>
      %parallel_loop3A_536 = arith.addi %parallel_loop3A_533, %parallel_loop3A_535 : vector<16xi32>
      %parallel_loop3A_537 = tpu.vector_load_idx %arg6[%parallel_loop3A_536] : memref<832xf32, #tpu.memory_space<vmem>>[vector<16xi32>], vector<16xf32>,
      %parallel_loop3A_538 = arith.constant 16 : i32
      %parallel_loop3A_539 = arith.muli %parallel_loop3A_137, %parallel_loop3A_538 : i32
      %parallel_loop3A_540 = arith.constant 30 : i32
      %parallel_loop3A_541 = arith.index_cast %parallel_loop3A_540 : i32 to index
      %parallel_loop3A_542 = arith.index_cast %parallel_loop3A_539 : i32 to index
      %parallel_loop3A_543 = tpu.vector_load %arg7[%parallel_loop3A_541, %parallel_loop3A_542] {strides = array<i32>} : memref<48x512xf32, #tpu.memory_space<vmem>>, vector<16xf32>,
      tpu.vector_store %arg7[%parallel_loop3A_541, %parallel_loop3A_542], %parallel_loop3A_537 {strides = array<i32>} : memref<48x512xf32, #tpu.memory_space<vmem>>, vector<16xf32>,
      %parallel_loop3A_544 = arith.constant 1 : i32
      %parallel_loop3A_545 = vector.broadcast %parallel_loop3A_544 : i32 to vector<16xi32>
      %parallel_loop3A_546 = arith.addi %parallel_loop3A_533, %parallel_loop3A_545 : vector<16xi32>
      %parallel_loop3A_547 = tpu.vector_load_idx %arg6[%parallel_loop3A_546] : memref<832xf32, #tpu.memory_space<vmem>>[vector<16xi32>], vector<16xf32>,
      %parallel_loop3A_548 = arith.constant 16 : i32
      %parallel_loop3A_549 = arith.muli %parallel_loop3A_137, %parallel_loop3A_548 : i32
      %parallel_loop3A_550 = arith.constant 31 : i32
      %parallel_loop3A_551 = arith.index_cast %parallel_loop3A_550 : i32 to index
      %parallel_loop3A_552 = arith.index_cast %parallel_loop3A_549 : i32 to index
      %parallel_loop3A_553 = tpu.vector_load %arg7[%parallel_loop3A_551, %parallel_loop3A_552] {strides = array<i32>} : memref<48x512xf32, #tpu.memory_space<vmem>>, vector<16xf32>,
      tpu.vector_store %arg7[%parallel_loop3A_551, %parallel_loop3A_552], %parallel_loop3A_547 {strides = array<i32>} : memref<48x512xf32, #tpu.memory_space<vmem>>, vector<16xf32>,
      %parallel_loop3A_554 = arith.constant 16 : i32
      %parallel_loop3A_555 = arith.muli %parallel_loop3A_137, %parallel_loop3A_554 : i32
      %parallel_loop3A_556 = arith.constant 4096 : i32
      %parallel_loop3A_557 = arith.addi %parallel_loop3A_556, %parallel_loop3A_555 : i32
      %parallel_loop3A_558 = arith.index_cast %parallel_loop3A_557 : i32 to index
      %parallel_loop3A_559 = tpu.vector_load %arg5[%parallel_loop3A_558] {strides = array<i32>} : memref<4608xi32, #tpu.memory_space<vmem>>, vector<16xi32>,
      %parallel_loop3A_560 = arith.constant 10 : i32
      %parallel_loop3A_561 = vector.broadcast %parallel_loop3A_560 : i32 to vector<16xi32>
      %parallel_loop3A_562 = arith.muli %parallel_loop3A_559, %parallel_loop3A_561 : vector<16xi32>
      %parallel_loop3A_563 = arith.constant 625 : i32
      %parallel_loop3A_564 = vector.broadcast %parallel_loop3A_563 : i32 to vector<16xi32>
      %parallel_loop3A_565 = arith.addi %parallel_loop3A_562, %parallel_loop3A_564 : vector<16xi32>
      %parallel_loop3A_566 = arith.constant 0 : i32
      %parallel_loop3A_567 = vector.broadcast %parallel_loop3A_566 : i32 to vector<16xi32>
      %parallel_loop3A_568 = arith.addi %parallel_loop3A_565, %parallel_loop3A_567 : vector<16xi32>
      %parallel_loop3A_569 = tpu.vector_load_idx %arg6[%parallel_loop3A_568] : memref<832xf32, #tpu.memory_space<vmem>>[vector<16xi32>], vector<16xf32>,
      %parallel_loop3A_570 = arith.constant 16 : i32
      %parallel_loop3A_571 = arith.muli %parallel_loop3A_137, %parallel_loop3A_570 : i32
      %parallel_loop3A_572 = arith.constant 32 : i32
      %parallel_loop3A_573 = arith.index_cast %parallel_loop3A_572 : i32 to index
      %parallel_loop3A_574 = arith.index_cast %parallel_loop3A_571 : i32 to index
      %parallel_loop3A_575 = tpu.vector_load %arg7[%parallel_loop3A_573, %parallel_loop3A_574] {strides = array<i32>} : memref<48x512xf32, #tpu.memory_space<vmem>>, vector<16xf32>,
      tpu.vector_store %arg7[%parallel_loop3A_573, %parallel_loop3A_574], %parallel_loop3A_569 {strides = array<i32>} : memref<48x512xf32, #tpu.memory_space<vmem>>, vector<16xf32>,
      %parallel_loop3A_576 = arith.constant 1 : i32
      %parallel_loop3A_577 = vector.broadcast %parallel_loop3A_576 : i32 to vector<16xi32>
      %parallel_loop3A_578 = arith.addi %parallel_loop3A_565, %parallel_loop3A_577 : vector<16xi32>
      %parallel_loop3A_579 = tpu.vector_load_idx %arg6[%parallel_loop3A_578] : memref<832xf32, #tpu.memory_space<vmem>>[vector<16xi32>], vector<16xf32>,
      %parallel_loop3A_580 = arith.constant 16 : i32
      %parallel_loop3A_581 = arith.muli %parallel_loop3A_137, %parallel_loop3A_580 : i32
      %parallel_loop3A_582 = arith.constant 33 : i32
      %parallel_loop3A_583 = arith.index_cast %parallel_loop3A_582 : i32 to index
      %parallel_loop3A_584 = arith.index_cast %parallel_loop3A_581 : i32 to index
      %parallel_loop3A_585 = tpu.vector_load %arg7[%parallel_loop3A_583, %parallel_loop3A_584] {strides = array<i32>} : memref<48x512xf32, #tpu.memory_space<vmem>>, vector<16xf32>,
      tpu.vector_store %arg7[%parallel_loop3A_583, %parallel_loop3A_584], %parallel_loop3A_579 {strides = array<i32>} : memref<48x512xf32, #tpu.memory_space<vmem>>, vector<16xf32>,
      %parallel_loop3A_586 = arith.constant 2 : i32
      %parallel_loop3A_587 = vector.broadcast %parallel_loop3A_586 : i32 to vector<16xi32>
      %parallel_loop3A_588 = arith.addi %parallel_loop3A_565, %parallel_loop3A_587 : vector<16xi32>
      %parallel_loop3A_589 = tpu.vector_load_idx %arg6[%parallel_loop3A_588] : memref<832xf32, #tpu.memory_space<vmem>>[vector<16xi32>], vector<16xf32>,
      %parallel_loop3A_590 = arith.constant 16 : i32
      %parallel_loop3A_591 = arith.muli %parallel_loop3A_137, %parallel_loop3A_590 : i32
      %parallel_loop3A_592 = arith.constant 34 : i32
      %parallel_loop3A_593 = arith.index_cast %parallel_loop3A_592 : i32 to index
      %parallel_loop3A_594 = arith.index_cast %parallel_loop3A_591 : i32 to index
      %parallel_loop3A_595 = tpu.vector_load %arg7[%parallel_loop3A_593, %parallel_loop3A_594] {strides = array<i32>} : memref<48x512xf32, #tpu.memory_space<vmem>>, vector<16xf32>,
      tpu.vector_store %arg7[%parallel_loop3A_593, %parallel_loop3A_594], %parallel_loop3A_589 {strides = array<i32>} : memref<48x512xf32, #tpu.memory_space<vmem>>, vector<16xf32>,
      %parallel_loop3A_596 = arith.constant 3 : i32
      %parallel_loop3A_597 = vector.broadcast %parallel_loop3A_596 : i32 to vector<16xi32>
      %parallel_loop3A_598 = arith.addi %parallel_loop3A_565, %parallel_loop3A_597 : vector<16xi32>
      %parallel_loop3A_599 = tpu.vector_load_idx %arg6[%parallel_loop3A_598] : memref<832xf32, #tpu.memory_space<vmem>>[vector<16xi32>], vector<16xf32>,
      %parallel_loop3A_600 = arith.constant 16 : i32
      %parallel_loop3A_601 = arith.muli %parallel_loop3A_137, %parallel_loop3A_600 : i32
      %parallel_loop3A_602 = arith.constant 35 : i32
      %parallel_loop3A_603 = arith.index_cast %parallel_loop3A_602 : i32 to index
      %parallel_loop3A_604 = arith.index_cast %parallel_loop3A_601 : i32 to index
      %parallel_loop3A_605 = tpu.vector_load %arg7[%parallel_loop3A_603, %parallel_loop3A_604] {strides = array<i32>} : memref<48x512xf32, #tpu.memory_space<vmem>>, vector<16xf32>,
      tpu.vector_store %arg7[%parallel_loop3A_603, %parallel_loop3A_604], %parallel_loop3A_599 {strides = array<i32>} : memref<48x512xf32, #tpu.memory_space<vmem>>, vector<16xf32>,
      %parallel_loop3A_606 = arith.constant 4 : i32
      %parallel_loop3A_607 = vector.broadcast %parallel_loop3A_606 : i32 to vector<16xi32>
      %parallel_loop3A_608 = arith.addi %parallel_loop3A_565, %parallel_loop3A_607 : vector<16xi32>
      %parallel_loop3A_609 = tpu.vector_load_idx %arg6[%parallel_loop3A_608] : memref<832xf32, #tpu.memory_space<vmem>>[vector<16xi32>], vector<16xf32>,
      %parallel_loop3A_610 = arith.constant 16 : i32
      %parallel_loop3A_611 = arith.muli %parallel_loop3A_137, %parallel_loop3A_610 : i32
      %parallel_loop3A_612 = arith.constant 36 : i32
      %parallel_loop3A_613 = arith.index_cast %parallel_loop3A_612 : i32 to index
      %parallel_loop3A_614 = arith.index_cast %parallel_loop3A_611 : i32 to index
      %parallel_loop3A_615 = tpu.vector_load %arg7[%parallel_loop3A_613, %parallel_loop3A_614] {strides = array<i32>} : memref<48x512xf32, #tpu.memory_space<vmem>>, vector<16xf32>,
      tpu.vector_store %arg7[%parallel_loop3A_613, %parallel_loop3A_614], %parallel_loop3A_609 {strides = array<i32>} : memref<48x512xf32, #tpu.memory_space<vmem>>, vector<16xf32>,
      %parallel_loop3A_616 = arith.constant 5 : i32
      %parallel_loop3A_617 = vector.broadcast %parallel_loop3A_616 : i32 to vector<16xi32>
      %parallel_loop3A_618 = arith.addi %parallel_loop3A_565, %parallel_loop3A_617 : vector<16xi32>
      %parallel_loop3A_619 = tpu.vector_load_idx %arg6[%parallel_loop3A_618] : memref<832xf32, #tpu.memory_space<vmem>>[vector<16xi32>], vector<16xf32>,
      %parallel_loop3A_620 = arith.constant 16 : i32
      %parallel_loop3A_621 = arith.muli %parallel_loop3A_137, %parallel_loop3A_620 : i32
      %parallel_loop3A_622 = arith.constant 37 : i32
      %parallel_loop3A_623 = arith.index_cast %parallel_loop3A_622 : i32 to index
      %parallel_loop3A_624 = arith.index_cast %parallel_loop3A_621 : i32 to index
      %parallel_loop3A_625 = tpu.vector_load %arg7[%parallel_loop3A_623, %parallel_loop3A_624] {strides = array<i32>} : memref<48x512xf32, #tpu.memory_space<vmem>>, vector<16xf32>,
      tpu.vector_store %arg7[%parallel_loop3A_623, %parallel_loop3A_624], %parallel_loop3A_619 {strides = array<i32>} : memref<48x512xf32, #tpu.memory_space<vmem>>, vector<16xf32>,
      %parallel_loop3A_626 = arith.constant 6 : i32
      %parallel_loop3A_627 = vector.broadcast %parallel_loop3A_626 : i32 to vector<16xi32>
      %parallel_loop3A_628 = arith.addi %parallel_loop3A_565, %parallel_loop3A_627 : vector<16xi32>
      %parallel_loop3A_629 = tpu.vector_load_idx %arg6[%parallel_loop3A_628] : memref<832xf32, #tpu.memory_space<vmem>>[vector<16xi32>], vector<16xf32>,
      %parallel_loop3A_630 = arith.constant 16 : i32
      %parallel_loop3A_631 = arith.muli %parallel_loop3A_137, %parallel_loop3A_630 : i32
      %parallel_loop3A_632 = arith.constant 38 : i32
      %parallel_loop3A_633 = arith.index_cast %parallel_loop3A_632 : i32 to index
      %parallel_loop3A_634 = arith.index_cast %parallel_loop3A_631 : i32 to index
      %parallel_loop3A_635 = tpu.vector_load %arg7[%parallel_loop3A_633, %parallel_loop3A_634] {strides = array<i32>} : memref<48x512xf32, #tpu.memory_space<vmem>>, vector<16xf32>,
      tpu.vector_store %arg7[%parallel_loop3A_633, %parallel_loop3A_634], %parallel_loop3A_629 {strides = array<i32>} : memref<48x512xf32, #tpu.memory_space<vmem>>, vector<16xf32>,
      %parallel_loop3A_636 = arith.constant 7 : i32
      %parallel_loop3A_637 = vector.broadcast %parallel_loop3A_636 : i32 to vector<16xi32>
      %parallel_loop3A_638 = arith.addi %parallel_loop3A_565, %parallel_loop3A_637 : vector<16xi32>
      %parallel_loop3A_639 = tpu.vector_load_idx %arg6[%parallel_loop3A_638] : memref<832xf32, #tpu.memory_space<vmem>>[vector<16xi32>], vector<16xf32>,
      %parallel_loop3A_640 = arith.constant 16 : i32
      %parallel_loop3A_641 = arith.muli %parallel_loop3A_137, %parallel_loop3A_640 : i32
      %parallel_loop3A_642 = arith.constant 39 : i32
      %parallel_loop3A_643 = arith.index_cast %parallel_loop3A_642 : i32 to index
      %parallel_loop3A_644 = arith.index_cast %parallel_loop3A_641 : i32 to index
      %parallel_loop3A_645 = tpu.vector_load %arg7[%parallel_loop3A_643, %parallel_loop3A_644] {strides = array<i32>} : memref<48x512xf32, #tpu.memory_space<vmem>>, vector<16xf32>,
      tpu.vector_store %arg7[%parallel_loop3A_643, %parallel_loop3A_644], %parallel_loop3A_639 {strides = array<i32>} : memref<48x512xf32, #tpu.memory_space<vmem>>, vector<16xf32>,
      %parallel_loop3A_646 = arith.constant 8 : i32
      %parallel_loop3A_647 = vector.broadcast %parallel_loop3A_646 : i32 to vector<16xi32>
      %parallel_loop3A_648 = arith.addi %parallel_loop3A_565, %parallel_loop3A_647 : vector<16xi32>
      %parallel_loop3A_649 = tpu.vector_load_idx %arg6[%parallel_loop3A_648] : memref<832xf32, #tpu.memory_space<vmem>>[vector<16xi32>], vector<16xf32>,
      %parallel_loop3A_650 = arith.constant 16 : i32
      %parallel_loop3A_651 = arith.muli %parallel_loop3A_137, %parallel_loop3A_650 : i32
      %parallel_loop3A_652 = arith.constant 40 : i32
      %parallel_loop3A_653 = arith.index_cast %parallel_loop3A_652 : i32 to index
      %parallel_loop3A_654 = arith.index_cast %parallel_loop3A_651 : i32 to index
      %parallel_loop3A_655 = tpu.vector_load %arg7[%parallel_loop3A_653, %parallel_loop3A_654] {strides = array<i32>} : memref<48x512xf32, #tpu.memory_space<vmem>>, vector<16xf32>,
      tpu.vector_store %arg7[%parallel_loop3A_653, %parallel_loop3A_654], %parallel_loop3A_649 {strides = array<i32>} : memref<48x512xf32, #tpu.memory_space<vmem>>, vector<16xf32>,
      %parallel_loop3A_656 = arith.constant 9 : i32
      %parallel_loop3A_657 = vector.broadcast %parallel_loop3A_656 : i32 to vector<16xi32>
      %parallel_loop3A_658 = arith.addi %parallel_loop3A_565, %parallel_loop3A_657 : vector<16xi32>
      %parallel_loop3A_659 = tpu.vector_load_idx %arg6[%parallel_loop3A_658] : memref<832xf32, #tpu.memory_space<vmem>>[vector<16xi32>], vector<16xf32>,
      %parallel_loop3A_660 = arith.constant 16 : i32
      %parallel_loop3A_661 = arith.muli %parallel_loop3A_137, %parallel_loop3A_660 : i32
      %parallel_loop3A_662 = arith.constant 41 : i32
      %parallel_loop3A_663 = arith.index_cast %parallel_loop3A_662 : i32 to index
      %parallel_loop3A_664 = arith.index_cast %parallel_loop3A_661 : i32 to index
      %parallel_loop3A_665 = tpu.vector_load %arg7[%parallel_loop3A_663, %parallel_loop3A_664] {strides = array<i32>} : memref<48x512xf32, #tpu.memory_space<vmem>>, vector<16xf32>,
      tpu.vector_store %arg7[%parallel_loop3A_663, %parallel_loop3A_664], %parallel_loop3A_659 {strides = array<i32>} : memref<48x512xf32, #tpu.memory_space<vmem>>, vector<16xf32>,
    } {sc.loop_unroll_factor = 2 : i64, sc.parallel_access}
    %dma_start3A_129 = arith.constant 0 : i32
    %dma_start3A_130 = tpu.memref_slice %arg4[%dma_start3A_129, %mul3A_2] : memref<48x16384xf32, #tpu.memory_space<hbm>> -> memref<48x512xf32, #tpu.memory_space<hbm>>
    %dma_start3A_131 = arith.constant 0 : i32
    %dma_start3A_132 = tpu.memref_slice %arg4[%dma_start3A_131, %mul3A_2] : memref<48x16384xf32, #tpu.memory_space<hbm>> -> memref<48x512xf32, #tpu.memory_space<hbm>>
    tpu.enqueue_dma source(%arg7 : memref<48x512xf32, #tpu.memory_space<vmem>>) target(%dma_start3A_132 : memref<48x512xf32, #tpu.memory_space<hbm>>) target_semaphore(%arg9 : memref<!tpu.dma_semaphore, #tpu.memory_space<semaphore_mem>>)
    %dma_wait3A_133 = arith.constant 0 : i32
    %dma_wait3A_134 = tpu.memref_slice %arg4[%dma_wait3A_133, %mul3A_2] : memref<48x16384xf32, #tpu.memory_space<hbm>> -> memref<48x512xf32, #tpu.memory_space<hbm>>
    %dma_wait3A_135 = arith.constant 0 : i32
    %dma_wait3A_136 = tpu.memref_slice %arg4[%dma_wait3A_135, %mul3A_2] : memref<48x16384xf32, #tpu.memory_space<hbm>> -> memref<48x512xf32, #tpu.memory_space<hbm>>
    tpu.wait_dma2 semaphore(%arg9 : memref<!tpu.dma_semaphore, #tpu.memory_space<semaphore_mem>>) src(%arg7 : memref<48x512xf32, #tpu.memory_space<vmem>>) dst(%dma_wait3A_136 : memref<48x512xf32, #tpu.memory_space<hbm>>)
    return
  }
}

module attributes {stable_mosaic.version = 14 : i64} {
  func.func @_tc_body(%arg0: i32, %arg1: memref<48x4096xf32, #tpu.memory_space<vmem>>, %arg2: memref<1x4096xf32, #tpu.memory_space<vmem>>, %arg3: memref<128x128xf32, #tpu.memory_space<vmem>>, %arg4: memref<256x43xf32, #tpu.memory_space<vmem>>, %arg5: memref<1x256xf32, #tpu.memory_space<vmem>>, %arg6: memref<1x1xf32, #tpu.memory_space<vmem>>, %arg7: memref<1x1xf32, #tpu.memory_space<vmem>>, %arg8: memref<4096x256xf32, #tpu.memory_space<vmem>>) attributes {dimension_semantics = [#tpu.dimension_semantics<arbitrary>], iteration_bounds = array<i64: 4>, scalar_prefetch = 0 : i64, scratch_operands = 0 : i64, tpu.core_type = #tpu.core_type<tc>, window_params = [{transform_indices = @transform_0, window_bounds = array<i64: 48, 4096>}, {transform_indices = @transform_1, window_bounds = array<i64: 1, 4096>}, {pipeline_mode = #tpu.pipeline_mode<synchronous>, transform_indices = @transform_2, window_bounds = array<i64: 128, 128>}, {pipeline_mode = #tpu.pipeline_mode<synchronous>, transform_indices = @transform_3, window_bounds = array<i64: 256, 43>}, {pipeline_mode = #tpu.pipeline_mode<synchronous>, transform_indices = @transform_4, window_bounds = array<i64: 1, 256>}, {pipeline_mode = #tpu.pipeline_mode<synchronous>, transform_indices = @transform_5, window_bounds = array<i64: 1, 1>}, {pipeline_mode = #tpu.pipeline_mode<synchronous>, transform_indices = @transform_6, window_bounds = array<i64: 1, 1>}, {transform_indices = @transform_7, window_bounds = array<i64: 4096, 256>}]} {
    %get3A = arith.constant 0 : index
    %get3A_0 = arith.constant 0 : index
    %get3A_1 = vector.load %arg3[%get3A, %get3A_0] : memref<128x128xf32, #tpu.memory_space<vmem>>, vector<128x128xf32>
    %reduce_sum3A = vector.shape_cast %get3A_1 : vector<128x128xf32> to vector<1x128x128xf32>
    %reduce_sum3A_2 = arith.constant dense<0.000000e+00> : vector<1xf32>
    %reduce_sum3A_3 = vector.multi_reduction <add>, %reduce_sum3A, %reduce_sum3A_2 [1, 2] : vector<1x128x128xf32> to vector<1xf32>
    %reduce_sum3A_4 = vector.shape_cast %reduce_sum3A_3 : vector<1xf32> to vector<1x1x1xf32>
    %reduce_sum3A_5 = vector.extract %reduce_sum3A_4[0, 0, 0] : f32 from vector<1x1x1xf32>
    %mul3A = arith.constant 6.10351563E-5 : f32
    %mul3A_6 = arith.mulf %reduce_sum3A_5, %mul3A : f32
    %sub3A = vector.broadcast %mul3A_6 : f32 to vector<128x128xf32>
    %sub3A_7 = arith.subf %get3A_1, %sub3A : vector<128x128xf32>
    %integer_pow3A = arith.mulf %sub3A_7, %sub3A_7 : vector<128x128xf32>
    %reduce_sum3A_8 = vector.shape_cast %integer_pow3A : vector<128x128xf32> to vector<1x128x128xf32>
    %reduce_sum3A_9 = arith.constant dense<0.000000e+00> : vector<1xf32>
    %reduce_sum3A_10 = vector.multi_reduction <add>, %reduce_sum3A_8, %reduce_sum3A_9 [1, 2] : vector<1x128x128xf32> to vector<1xf32>
    %reduce_sum3A_11 = vector.shape_cast %reduce_sum3A_10 : vector<1xf32> to vector<1x1x1xf32>
    %reduce_sum3A_12 = vector.extract %reduce_sum3A_11[0, 0, 0] : f32 from vector<1x1x1xf32>
    %mul3A_13 = arith.constant 6.10351563E-5 : f32
    %mul3A_14 = arith.mulf %reduce_sum3A_12, %mul3A_13 : f32
    %get3A_15 = arith.constant 0 : index
    %get3A_16 = arith.constant 0 : index
    %get3A_17 = vector.load %arg6[%get3A_15, %get3A_16] : memref<1x1xf32, #tpu.memory_space<vmem>>, vector<1x1xf32>
    %get3A_18 = vector.extract %get3A_17[0, 0] : f32 from vector<1x1xf32>
    %add3A = arith.constant 9.99999974E-6 : f32
    %add3A_19 = arith.addf %mul3A_14, %add3A : f32
    %rsqrt3A = math.rsqrt %add3A_19 : f32
    %mul3A_20 = arith.mulf %get3A_18, %rsqrt3A : f32
    %get3A_21 = arith.constant 0 : index
    %get3A_22 = arith.constant 0 : index
    %get3A_23 = vector.load %arg7[%get3A_21, %get3A_22] : memref<1x1xf32, #tpu.memory_space<vmem>>, vector<1x1xf32>
    %get3A_24 = vector.extract %get3A_23[0, 0] : f32 from vector<1x1xf32>
    %mul3A_25 = arith.mulf %mul3A_6, %mul3A_20 : f32
    %sub3A_26 = arith.subf %get3A_24, %mul3A_25 : f32
    %get3A_27 = arith.constant 0 : index
    %get3A_28 = arith.constant 0 : index
    %get3A_29 = vector.load %arg2[%get3A_27, %get3A_28] : memref<1x4096xf32, #tpu.memory_space<vmem>>, vector<1x4096xf32>
    %mul3A_30 = vector.broadcast %mul3A_20 : f32 to vector<1x4096xf32>
    %mul3A_31 = arith.mulf %get3A_29, %mul3A_30 : vector<1x4096xf32>
    %add3A_32 = vector.broadcast %sub3A_26 : f32 to vector<1x4096xf32>
    %add3A_33 = arith.addf %mul3A_31, %add3A_32 : vector<1x4096xf32>
    %iota3A = tpu.iota {dimensions = array<i32: 0>} : vector<48x4096xi32>
    %eq3A = arith.constant 42 : i32
    %eq3A_34 = vector.broadcast %eq3A : i32 to vector<48x4096xi32>
    %eq3A_35 = arith.cmpi eq, %iota3A, %eq3A_34 : vector<48x4096xi32>
    %gt3A = arith.constant 42 : i32
    %gt3A_36 = vector.broadcast %gt3A : i32 to vector<48x4096xi32>
    %gt3A_37 = arith.cmpi sgt, %iota3A, %gt3A_36 : vector<48x4096xi32>
    %get3A_38 = arith.constant 0 : index
    %get3A_39 = arith.constant 0 : index
    %get3A_40 = vector.load %arg1[%get3A_38, %get3A_39] : memref<48x4096xf32, #tpu.memory_space<vmem>>, vector<48x4096xf32>
    %jit3A = arith.constant 0.000000e+00 : f32
    %broadcast_in_dim3A = vector.broadcast %jit3A : f32 to vector<48x4096xf32>
    %select_n3A = arith.select %gt3A_37, %broadcast_in_dim3A, %get3A_40 : vector<48x4096xi1>, vector<48x4096xf32>
    %broadcast_in_dim3A_41 = vector.shape_cast %add3A_33 : vector<1x4096xf32> to vector<1x4096xf32>
    %broadcast_in_dim3A_42 = vector.broadcast %broadcast_in_dim3A_41 : vector<1x4096xf32> to vector<48x4096xf32>
    %select_n3A_43 = arith.select %eq3A_35, %broadcast_in_dim3A_42, %select_n3A : vector<48x4096xi1>, vector<48x4096xf32>
    %get3A_44 = arith.constant 0 : index
    %get3A_45 = arith.constant 0 : index
    %get3A_46 = vector.load %arg4[%get3A_44, %get3A_45] : memref<256x43xf32, #tpu.memory_space<vmem>>, vector<256x43xf32>
    %broadcast_in_dim3A_47 = arith.constant 0.000000e+00 : f32
    %broadcast_in_dim3A_48 = vector.broadcast %broadcast_in_dim3A_47 : f32 to vector<256x5xf32>
    %concatenate3A = tpu.concatenate %get3A_46, %broadcast_in_dim3A_48 in 1 : vector<256x43xf32>, vector<256x5xf32> -> vector<256x48xf32>
    %dot_general3A = arith.constant dense<0.000000e+00> : vector<4096x256xf32>
    %dot_general3A_49 = tpu.matmul %select_n3A_43, %concatenate3A, %dot_general3A {dimension_numbers = #tpu.dot_dimension_numbers<[0], [1], [1], [0], [0, 1, 1, 0], [], []>, transpose_lhs_hint = false} : vector<48x4096xf32>, vector<256x48xf32>, vector<4096x256xf32> -> vector<4096x256xf32>
    %get3A_50 = arith.constant 0 : index
    %get3A_51 = arith.constant 0 : index
    %get3A_52 = vector.load %arg5[%get3A_50, %get3A_51] : memref<1x256xf32, #tpu.memory_space<vmem>>, vector<1x256xf32>
    %add3A_53 = vector.broadcast %get3A_52 : vector<1x256xf32> to vector<4096x256xf32>
    %add3A_54 = arith.addf %dot_general3A_49, %add3A_53 : vector<4096x256xf32>
    %reduce_max3A = arith.constant dense<0xFF800000> : vector<4096xf32>
    %reduce_max3A_55 = vector.multi_reduction <maximumf>, %add3A_54, %reduce_max3A [1] : vector<4096x256xf32> to vector<4096xf32>
    %broadcast_in_dim3A_56 = vector.shape_cast %reduce_max3A_55 : vector<4096xf32> to vector<4096x1xf32>
    %sub3A_57 = vector.broadcast %broadcast_in_dim3A_56 : vector<4096x1xf32> to vector<4096x256xf32>
    %sub3A_58 = arith.subf %add3A_54, %sub3A_57 : vector<4096x256xf32>
    %exp3A = math.exp %sub3A_58 : vector<4096x256xf32>
    %reduce_sum3A_59 = arith.constant dense<0.000000e+00> : vector<4096xf32>
    %reduce_sum3A_60 = vector.multi_reduction <add>, %exp3A, %reduce_sum3A_59 [1] : vector<4096x256xf32> to vector<4096xf32>
    %broadcast_in_dim3A_61 = vector.shape_cast %reduce_sum3A_60 : vector<4096xf32> to vector<4096x1xf32>
    %div3A = vector.broadcast %broadcast_in_dim3A_61 : vector<4096x1xf32> to vector<4096x256xf32>
    %div3A_62 = arith.divf %exp3A, %div3A : vector<4096x256xf32>
    %swap3A = arith.constant 0 : index
    %swap3A_63 = arith.constant 0 : index
    %swap3A_64 = vector.load %arg8[%swap3A, %swap3A_63] : memref<4096x256xf32, #tpu.memory_space<vmem>>, vector<4096x256xf32>
    tpu.vector_store %arg8[%swap3A, %swap3A_63], %div3A_62 {strides = array<i32>} : memref<4096x256xf32, #tpu.memory_space<vmem>>, vector<4096x256xf32>,
    return
  }
  func.func @transform_0(%arg0: i32) -> (i32, i32) {
    %c0_i32 = arith.constant 0 : i32
    %c0_i32_0 = arith.constant 0 : i32
    return %c0_i32, %arg0 : i32, i32
  }
  func.func @transform_1(%arg0: i32) -> (i32, i32) {
    %c0_i32 = arith.constant 0 : i32
    %c0_i32_0 = arith.constant 0 : i32
    return %c0_i32, %arg0 : i32, i32
  }
  func.func @transform_2(%arg0: i32) -> (i32, i32) {
    %c0_i32 = arith.constant 0 : i32
    %c0_i32_0 = arith.constant 0 : i32
    %c0_i32_1 = arith.constant 0 : i32
    return %c0_i32, %c0_i32_0 : i32, i32
  }
  func.func @transform_3(%arg0: i32) -> (i32, i32) {
    %c0_i32 = arith.constant 0 : i32
    %c0_i32_0 = arith.constant 0 : i32
    %c0_i32_1 = arith.constant 0 : i32
    return %c0_i32, %c0_i32_0 : i32, i32
  }
  func.func @transform_4(%arg0: i32) -> (i32, i32) {
    %c0_i32 = arith.constant 0 : i32
    %c0_i32_0 = arith.constant 0 : i32
    %c0_i32_1 = arith.constant 0 : i32
    return %c0_i32, %c0_i32_0 : i32, i32
  }
  func.func @transform_5(%arg0: i32) -> (i32, i32) {
    %c0_i32 = arith.constant 0 : i32
    %c0_i32_0 = arith.constant 0 : i32
    %c0_i32_1 = arith.constant 0 : i32
    return %c0_i32, %c0_i32_0 : i32, i32
  }
  func.func @transform_6(%arg0: i32) -> (i32, i32) {
    %c0_i32 = arith.constant 0 : i32
    %c0_i32_0 = arith.constant 0 : i32
    %c0_i32_1 = arith.constant 0 : i32
    return %c0_i32, %c0_i32_0 : i32, i32
  }
  func.func @transform_7(%arg0: i32) -> (i32, i32) {
    %c0_i32 = arith.constant 0 : i32
    %c0_i32_0 = arith.constant 0 : i32
    return %arg0, %c0_i32 : i32, i32
  }
}

</mosaic_0001>

<sc_bundles>
// kernel: kernel.4.cloned.1.call-start
scs
__scs_entry_jumppad:
0x0: {  	(pc) =	sbr.rel $0x88, $3  }
0x1: {  	(tag) =	ssettag $0x0;
	lr =	simm.s32 $0x1  }
0x2: {  	[smem:$0x3F93] =	sst lr;
	_ =	strace $0xD0000000  }
0x3: {  	_ = 	snop  }
0x4: {  	_ = 	snop  }
0x5: {  	_ = 	snop  }
0x6: {  	_ = 	snop  }
0x7: {  	_ = 	snop  }
__scs_overlays_trampoline_lowered:
0x8: {  	[smem:$0x3FA2] =	sst s0  }
0x9: {  	[smem:$0x3FA3] =	sst s1  }
0xa: {  	[smem:$0x3FA4] =	sst s2  }
0xb: {  	[smem:$0x3FA5] =	sst s3  }
0xc: {  	[smem:$0x3FA6] =	sst s4  }
0xd: {  	[smem:$0x3FA7] =	sst s5  }
0xe: {  	[smem:$0x3FA8] =	sst s6  }
0xf: {  	[smem:$0x3FA9] =	sst s7  }
0x10: {  	[smem:$0x3FAA] =	sst s8  }
0x11: {  	[smem:$0x3FAB] =	sst s9;
	s0 =	simm.s32 @!p0 $0x0  }
0x12: {  	s1 =	sld [smem:$0x3F91];
	s0 =	simm.s32 @p0 $0x1  }
0x13: {  	[smem:$0x3FAC] =	sst s0;
	s0 =	simm.s32 @!p1 $0x0  }
0x14: {  	s2 =	sld [smem:$0x3F90];
	s0 =	simm.s32 @p1 $0x1  }
0x15: {  	[smem:$0x3FAD] =	sst s0;
	s0 =	simm.s32 @!p2 $0x0  }
0x16: {  	s3 =	sld [smem:$0x3FDB];
	s0 =	simm.s32 @p2 $0x1  }
0x17: {  	s4 =	simm.s32 $0x1BF5;
	[smem:$0x3FAF] =	sst s0  }
0x18: {  	s0 =	sld [smem:$0x3F92];
	_ =	swait.ge [sflag:s4], $0x0  }
0x19: {  	s7 =	sld [smem:$0x3F93]  }
0x1a: {  	s8 =	sadd.s32 $0xFFFFE003, lr  }
0x1b: {  	s9 =	sadd.s32 $0xFFFFFEF7, lr;
	s5 =	simm.s32 $0xFFFFFFFF;
	p2 =	slt.u32 s8, $0xFFFFF086  }
0x1c: {  	p1 =	slt.u32 s9, $0xF7A;
	s5 =	simm.s32 @!p2 $0x0  }
0x1d: {  	s5 =	simm.s32 @p1 $0x1;
	p0 =	seq.s32 s7, s2  }
0x1e: {  	s7 =	smul.u32 @!p0 $0xF7A, s2;
	p2 =	seq.s32 @!p0 s5, $0x0  }
0x1f: {  	s9 =	smul.u32 $0xF7A, s1;
	s8 =	simm.s32 @!p0 $0x1BF5;
	p2 =	por !p2, p0  }
0x20: {  	[sflag:s8] =	ssyncset.s32 @!p0 $0xFFFFF086;
	s6 =	sadd.s32 @!p0 s3, s7;
	s7 =	simm.s32 @!p0 $0x108  }
0x21: {  	s3 =	sadd.s32 s3, s9;
	s6 =	sadd.s32 @!p0 $0x88, s6;
	s7 =	simm.s32 @p2 $0x1082  }
0x22: {  	[simem:s7], [sflag:s8] =	dma.local @!p0 [hbm:s6], $0xF7A  }
0x23: {  	s9 =	sor.u32 $0xD0000000, s2;
	s6 =	simm.s32 $0x108;
	_ =	swait.ge @!p0 [sflag:s8], $0x0  }
0x24: {  	s3 =	sadd.s32 $0x88, s3;
	s6 =	simm.s32 @!p1 $0x1082;
	[sflag:s4] =	ssyncset.s32 $0xFFFFF086  }
0x25: {  	[simem:s6], [sflag:s4] =	dma.local [hbm:s3], $0xF7A  }
0x26: {  	[smem:$0x3F93] =	sst s1;
	(tag) =	ssettag s2;
	_ =	strace s9  }
0x27: {  	s1 =	sld [smem:$0x3FA3]  }
0x28: {  	s2 =	sld [smem:$0x3FA4]  }
0x29: {  	s4 =	sld [smem:$0x3FA6]  }
0x2a: {  	p0 =	seq.s32 s5, $0x0;
	s5 =	sld [smem:$0x3FA7]  }
0x2b: {  	s6 =	sld [smem:$0x3FA8]  }
0x2c: {  	s7 =	sld [smem:$0x3FA9]  }
0x2d: {  	s3 =	simm.s32 $0x108;
	s8 =	sld [smem:$0x3FAA]  }
0x2e: {  	s3 =	simm.s32 @!p0 $0x1082;
	s9 =	sld [smem:$0x3FAB]  }
0x2f: {  	lr =	sadd.s32 s0, s3;
	s0 =	sld [smem:$0x3FA2]  }
0x30: {  	s3 =	sld [smem:$0x3FA5]  }
0x31: {  	[smem:$0x3FAE] =	sst s10  }
0x32: {  	s10 =	sld [smem:$0x3FAC];
	_ =	sdelay $0x3  }
0x33: {  	p0 =	seq.s32 s10, $0x1;
	s10 =	sld [smem:$0x3FAE];
	_ =	sdelay $0x3  }
0x34: {  	[smem:$0x3FAE] =	sst s10  }
0x35: {  	s10 =	sld [smem:$0x3FAD];
	_ =	sdelay $0x3  }
0x36: {  	p1 =	seq.s32 s10, $0x1;
	s10 =	sld [smem:$0x3FAE];
	_ =	sdelay $0x3  }
0x37: {  	[smem:$0x3FAE] =	sst s10  }
0x38: {  	s10 =	sld [smem:$0x3FAF]  }
0x39: {  	_ = 	snop;
	(pc) =	sbr.ind lr, $3  }
0x3a: {  	_ = 	snop  }
0x3b: {  	_ = 	snop  }
0x3c: {  	p2 =	seq.s32 s10, $0x1;
	s10 =	sld [smem:$0x3FAE]  }
0x3d: {  	_ =	shalt  }
0x3e: {  	_ =	shalt  }
0x3f: {  	_ =	shalt  }
0x40: {  	_ =	shalt  }
0x41: {  	_ =	shalt  }
0x42: {  	_ =	shalt  }
0x43: {  	_ =	shalt  }
0x44: {  	_ =	shalt  }
0x45: {  	_ =	shalt  }
0x46: {  	_ =	shalt  }
0x47: {  	_ =	shalt  }
0x48: {  	_ =	shalt  }
0x49: {  	_ =	shalt  }
0x4a: {  	_ =	shalt  }
0x4b: {  	_ =	shalt  }
0x4c: {  	_ =	shalt  }
0x4d: {  	_ =	shalt  }
0x4e: {  	_ =	shalt  }
0x4f: {  	_ =	shalt  }
0x50: {  	_ =	shalt  }
0x51: {  	_ =	shalt  }
0x52: {  	_ =	shalt  }
0x53: {  	_ =	shalt  }
0x54: {  	_ =	shalt  }
0x55: {  	_ =	shalt  }
0x56: {  	_ =	shalt  }
0x57: {  	_ =	shalt  }
0x58: {  	_ =	shalt  }
0x59: {  	_ =	shalt  }
0x5a: {  	_ =	shalt  }
0x5b: {  	_ =	shalt  }
0x5c: {  	_ =	shalt  }
0x5d: {  	_ =	shalt  }
0x5e: {  	_ =	shalt  }
0x5f: {  	_ =	shalt  }
0x60: {  	_ =	shalt  }
0x61: {  	_ =	shalt  }
0x62: {  	_ =	shalt  }
0x63: {  	_ =	shalt  }
0x64: {  	_ =	shalt  }
0x65: {  	_ =	shalt  }
0x66: {  	_ =	shalt  }
0x67: {  	_ =	shalt  }
0x68: {  	_ =	shalt  }
0x69: {  	_ =	shalt  }
0x6a: {  	_ =	shalt  }
0x6b: {  	_ =	shalt  }
0x6c: {  	_ =	shalt  }
0x6d: {  	_ =	shalt  }
0x6e: {  	_ =	shalt  }
0x6f: {  	_ =	shalt  }
0x70: {  	_ =	shalt  }
0x71: {  	_ =	shalt  }
0x72: {  	_ =	shalt  }
0x73: {  	_ =	shalt  }
0x74: {  	_ =	shalt  }
0x75: {  	_ =	shalt  }
0x76: {  	_ =	shalt  }
0x77: {  	_ =	shalt  }
0x78: {  	_ =	shalt  }
0x79: {  	_ =	shalt  }
0x7a: {  	_ =	shalt  }
0x7b: {  	_ =	shalt  }
0x7c: {  	_ =	shalt  }
0x7d: {  	_ =	shalt  }
0x7e: {  	_ =	shalt  }
0x7f: {  	_ =	shalt  }
0x80: {  	_ =	shalt  }
0x81: {  	_ =	shalt  }
0x82: {  	_ =	shalt  }
0x83: {  	_ =	shalt  }
0x84: {  	_ =	shalt  }
0x85: {  	_ =	shalt  }
0x86: {  	_ =	shalt  }
0x87: {  	_ =	shalt  }
.Lfunc_end0:
.L_simem_size_0:
called_computation_lowered:
.L_overlay_start_0:
0x88: {  	s2 =	sld [smem:$0x3FD9]  }
0x89: {  	s3 =	sld [smem:$0x3FFE];
	_ =	sdelay $0x1  }
0x8a: {  	s1 =	srdreg.scid  }
0x8b: {  	s0 =	sand.u32 $0x1, s1  }
0x8c: {  	s17 =	sshll.u32 s0, $0xA;
	s2 =	sadd.s32 s3, s2  }
0x8d: {  	s2 =	sadd.s32 s2, s17  }
0x8e: {  	[smem:$0x3FBA] =	sst s2  }
0x8f: {  	_ = 	snop  }
0x90: {  	s2 =	sld [smem:$0x3FD0];
	(tm) =	ssettm $0x1  }
0x91: {  	s18 =	sld [smem:$0x3FFB];
	_ =	sdelay $0x3  }
0x92: {  	_ =	strace s18  }
0x93: {  	s3 =	sld [smem:$0x3FFC];
	_ =	sdelay $0x3  }
0x94: {  	_ =	strace s3  }
0x95: {  	s3 =	sld [smem:$0x3FFD];
	_ =	sdelay $0x3  }
0x96: {  	_ =	strace s3  }
0x97: {  	_ =	strace $0x8FFFFFFF  }
0x98: {  	s19 =	sld [smem:$0x3FDB];
	_ =	sdelay $0x1  }
0x99: {  	s4 =	simm.s32 $_scs_section_size  }
0x9a: {  	s5 =	simm.s32 $_size__tile_overlayer_lowered;
	s6 =	simm.s32 $_tile_overlayer_lowered  }
0x9b: {  	s22 =	simm.s32 $0x1BFF;
	s21 =	sshll.u32 s6, $0x1;
	s3 =	sadd.s32 s4, s19  }
0x9c: {  	s7 =	simm.s32 $0x0;
	s20 =	sshll.u32 s5, $0x1;
	s5 =	sadd.s32 s21, s3  }
0x9d: {  	[timem:s7], [sflag:s22] =	dma.local [hbm:s5], s20  }
0x9e: {  	_ =	swait.ge [sflag:s22], s20  }
0x9f: {  	s4 =	ssub.s32 $0x0, s20;
	[sflag:s22] =	ssyncset.done $0x0  }
0xa0: {  	[sflag:s22] =	ssyncadd.s32 s4;
	_ =	sdelay $0x1  }
0xa1: {  	s23 =	simm.s32 $0x1B8B  }
0xa2: {  	_ =	swait.ge [sflag:s23], $0x1  }
0xa3: {  	[sflag:s23] =	ssyncset.done $0x0  }
0xa4: {  	s25 =	simm.s32 $0x1B8E;
	s24 =	sld [smem:$0x3FFE];
	[sflag:s23] =	ssyncadd.s32 $0xFFFFFFFF  }
0xa5: {  	s26 =	simm.s32 $execute0_lowered;
	[smem:$0x3FD2] =	sst s25  }
0xa6: {  	s5 =	sshll.u32 s26, $0x1;
	_ =	strace $0x80000046;
	[dreg:$0x1] =	wrdreg $0xFFFFFFFF  }
0xa7: {  	s28 =	simm.s32 $_size_execute0_lowered;
	s3 =	sadd.s32 s3, s5;
	[dreg:$0x0] =	wrdreg $0x0  }
0xa8: {  	s5 =	sshll.u32 s28, $0x1;
	[dreg:$0x2] =	wrdreg s3  }
0xa9: {  	[dreg:$0x3] =	wrdreg s5  }
0xaa: {  	[dreg:$0x4] =	wrdreg $0xC0  }
0xab: {  	_ =	task [dreg:s7], $0x5FFFF  }
0xac: {  	[dreg:$0x1] =	wrdreg $0xFFFFFFFF  }
0xad: {  	[dreg:$0x0] =	wrdreg $0x60  }
0xae: {  	[dreg:$0x2] =	wrdreg s24  }
0xaf: {  	[dreg:$0x3] =	wrdreg s2  }
0xb0: {  	[dreg:$0x4] =	wrdreg $0x9  }
0xb1: {  	_ =	task.clear_ibuf [dreg:s7], $0x5FFFF;
	_ =	strace $0x90000046  }
0xb2: {  	s29 =	simm.s32 $0x9;
	_ =	strace $0x80000048  }
0xb3: {  	_ =	swait.ge [sflag:s29], $0x1  }
0xb4: {  	[sflag:s29] =	ssyncadd.s32 $0xFFFFFFFF  }
0xb5: {  	_ =	strace $0x90000048  }
0xb6: {  	_ =	sfence  }
0xb7: {  	s30 =	sld [smem:$0x0];
	_ =	sdelay $0x2  }
0xb8: {  	s31 =	sshll.u32 s1, $0xD;
	s1 =	sshrl.u32 s1, $0x2  }
0xb9: {  	s3 =	sand.u32 $0x4000, s31;
	s1 =	sadd.s32 s1, s30  }
0xba: {  	s0 =	sor.u32 s3, s0;
	s1 =	sshll.u32 s1, $0x11  }
0xbb: {  	s0 =	sor.u32 s1, s0  }
0xbc: {  	s0 =	sadd.s32 $0x8F2B, s0  }
0xbd: {  	[sflag:s0] =	ssyncadd.remote.s32 $0x1  }
0xbe: {  	_ =	sfence.sel $0xFFFF  }
0xbf: {  	[dreg:$0x0] =	wrdreg $0xFFFFFFFF;
	(pc) =	sbr.abs _section_cstart, $3  }
0xc0: {  	[dreg:$0x1] =	wrdreg $0xFFFFFFFF  }
0xc1: {  	_ =	task.clear_ibuf [dreg:s7], $0x2FFFF;
	_ =	strace $0x9FFFFFFF  }
0xc2: {  	(tm) =	ssettm $0x7FFFFFFF  }
0xc3: {  	_ =	shalt  }
tec
execute0_lowered:
.L_overlay_start_1:
0x0: {  	(tag) =	ssettag $0x1  }
0x1: {  	s0 =	srdreg.scid;
	s1 =	rddreg [dreg:$0x0]  }
0x2: {  	s3 =	stileid.u32;
	s2 =	rddreg [dreg:$0x1]  }
0x3: {  	s5 =	simm.s32 $0x0;
	s0 =	sand.u32 $0x1, s0;
	s3 =	sshll.u32 s3, $0xA  }
0x4: {  	[smem:$0x7FF] =	sst s5;
	s4 =	sshll.u32 s0, $0x9;
	s0 =	ssub.s32 $0x2, s0  }
0x5: {  	_ =	strace $0x80000047;
	s3 =	sor.u32 s4, s3;
	s20 =	sshrl.u32 s0, $0x1  }
0x6: {  	s4 =	sshrl.u32 s3, $0x3;
	s0 =	ssub.s32 s0, s20;
	s31 =	sadd.s32 s2, s3  }
0x7: {  	s4 =	sadd.s32 s4, s1;
	s1 =	sadd.s32 $0x5400, s1;
	[smem:$0x7FC] =	sst s31  }
0x8: {  	s0 =	smax.u32 s0, $0x1;
	[dreg:$0x17] =	wrdreg s1  }
0x9: {  	s21 =	sadd.s32 $0xC00, s4;
	[smem:$0x7FD] =	sst s0  }
0xa: {  	s22 =	sadd.s32 $0x1400, s4;
	[dreg:$0x18] =	wrdreg s21  }
0xb: {  	s23 =	sadd.s32 $0x1C00, s4;
	[dreg:$0x19] =	wrdreg s22  }
0xc: {  	s24 =	sadd.s32 $0x2400, s4;
	[dreg:$0x1a] =	wrdreg s23  }
0xd: {  	s25 =	sadd.s32 $0x2C00, s4;
	[dreg:$0x1b] =	wrdreg s24  }
0xe: {  	s26 =	sadd.s32 $0x3400, s4;
	[dreg:$0x1c] =	wrdreg s25  }
0xf: {  	s28 =	sadd.s32 $0x3C00, s4;
	[dreg:$0x1d] =	wrdreg s26  }
0x10: {  	s29 =	sadd.s32 $0x4400, s4;
	[dreg:$0x1e] =	wrdreg s28  }
0x11: {  	s15 =	simm.s32 $0x1200;
	s30 =	sadd.s32 $0x4C00, s4;
	[dreg:$0x1f] =	wrdreg s29  }
0x12: {  	s2 =	simm.s32 $0x1000;
	s3 =	simm.s32 $0x0;
	[smem:$0x7FB] =	sst s30  }
.LBB2_1:
0x13: {  	s0 =	rddreg [dreg:$0x17]  }
0x14: {  	s13 =	simm.s32 $0x0;
	s8 =	rddreg [dreg:$0x18]  }
0x15: {  	[tilespmem:s15], [sflag:$0x1] =	stream.linear.gather [hbm4b:s0+s13], $0x380, $0x38;
	[tilespmem:$0x7580] =	vst v63  }
0x16: {  	s9 =	rddreg [dreg:$0x19]  }
0x17: {  	[tilespmem:s13], [sflag:$0x1] =	stream.linear.gather [hbm4b:s8+s13], $0x200, $0x38;
	[tilespmem:$0x7580] =	vst v63  }
0x18: {  	s1 =	simm.s32 $0x200;
	s10 =	rddreg [dreg:$0x1a]  }
0x19: {  	[tilespmem:s1], [sflag:$0x1] =	stream.linear.gather [hbm4b:s9+s13], $0x200, $0x38;
	[tilespmem:$0x7580] =	vst v63  }
0x1a: {  	s11 =	simm.s32 $0x400;
	s12 =	rddreg [dreg:$0x1b]  }
0x1b: {  	[tilespmem:s11], [sflag:$0x1] =	stream.linear.gather [hbm4b:s10+s13], $0x200, $0x38;
	[tilespmem:$0x7580] =	vst v63  }
0x1c: {  	s14 =	simm.s32 $0x600;
	s16 =	rddreg [dreg:$0x1c]  }
0x1d: {  	[tilespmem:s14], [sflag:$0x1] =	stream.linear.gather [hbm4b:s12+s13], $0x200, $0x38;
	[tilespmem:$0x7580] =	vst v63  }
0x1e: {  	s17 =	simm.s32 $0x800;
	s18 =	rddreg [dreg:$0x1d]  }
0x1f: {  	[tilespmem:s17], [sflag:$0x1] =	stream.linear.gather [hbm4b:s16+s13], $0x200, $0x38;
	[tilespmem:$0x7580] =	vst v63  }
0x20: {  	s19 =	simm.s32 $0xA00;
	s20 =	rddreg [dreg:$0x1e]  }
0x21: {  	[tilespmem:s19], [sflag:$0x1] =	stream.linear.gather [hbm4b:s18+s13], $0x200, $0x38;
	[tilespmem:$0x7580] =	vst v63  }
0x22: {  	s21 =	simm.s32 $0xC00;
	s22 =	rddreg [dreg:$0x1f]  }
0x23: {  	[tilespmem:s21], [sflag:$0x1] =	stream.linear.gather [hbm4b:s20+s13], $0x200, $0x38;
	[tilespmem:$0x7580] =	vst v63  }
0x24: {  	s23 =	simm.s32 $0xE00;
	s24 =	sld [smem:$0x7FB]  }
0x25: {  	[tilespmem:s23], [sflag:$0x1] =	stream.linear.gather [hbm4b:s22+s13], $0x200, $0x38;
	[tilespmem:$0x7580] =	vst v63  }
0x26: {  	[smem:$0x7EB] =	sst s3;
	s25 =	simm.s32 $0x1  }
0x27: {  	[tilespmem:s2], [sflag:$0x1] =	stream.linear.gather [hbm4b:s24+s13], $0x200, $0x38;
	[tilespmem:$0x7580] =	vst v63  }
0x28: {  	_ =	swait.ge [sflag:s25], $0x380  }
0x29: {  	[sflag:s25] =	ssyncset.done $0x0  }
0x2a: {  	[sflag:s25] =	ssyncadd.s32 $0xFFFFFC80  }
0x2b: {  	_ =	swait.ge [sflag:s25], $0x200  }
0x2c: {  	[sflag:s25] =	ssyncset.done $0x0  }
0x2d: {  	[sflag:s25] =	ssyncadd.s32 $0xFFFFFE00  }
0x2e: {  	_ =	swait.ge [sflag:s25], $0x200  }
0x2f: {  	[sflag:s25] =	ssyncset.done $0x0  }
0x30: {  	[sflag:s25] =	ssyncadd.s32 $0xFFFFFE00  }
0x31: {  	_ =	swait.ge [sflag:s25], $0x200  }
0x32: {  	[sflag:s25] =	ssyncset.done $0x0  }
0x33: {  	[sflag:s25] =	ssyncadd.s32 $0xFFFFFE00  }
0x34: {  	_ =	swait.ge [sflag:s25], $0x200  }
0x35: {  	[sflag:s25] =	ssyncset.done $0x0  }
0x36: {  	[sflag:s25] =	ssyncadd.s32 $0xFFFFFE00  }
0x37: {  	_ =	swait.ge [sflag:s25], $0x200  }
0x38: {  	[sflag:s25] =	ssyncset.done $0x0  }
0x39: {  	[sflag:s25] =	ssyncadd.s32 $0xFFFFFE00  }
0x3a: {  	_ =	swait.ge [sflag:s25], $0x200  }
0x3b: {  	[sflag:s25] =	ssyncset.done $0x0  }
0x3c: {  	[sflag:s25] =	ssyncadd.s32 $0xFFFFFE00  }
0x3d: {  	_ =	swait.ge [sflag:s25], $0x200  }
0x3e: {  	[sflag:s25] =	ssyncset.done $0x0  }
0x3f: {  	[sflag:s25] =	ssyncadd.s32 $0xFFFFFE00  }
0x40: {  	_ =	swait.ge [sflag:s25], $0x200  }
0x41: {  	[sflag:s25] =	ssyncset.done $0x0  }
0x42: {  	[sflag:s25] =	ssyncadd.s32 $0xFFFFFE00  }
0x43: {  	_ =	swait.ge [sflag:s25], $0x200  }
0x44: {  	[sflag:s25] =	ssyncset.done $0x0  }
0x45: {  	s1 =	simm.s32 $0x810;
	[sflag:s25] =	ssyncadd.s32 $0xFFFFFE00  }
0x46: {  	v0 =	vld [tilespmem:s1+$0xFFFFF800];
	_ =	sdelay $0x4  }
0x47: {  	v3 =	vmul.u32 $0x11, v0;
	_ =	sdelay $0x5  }
0x48: {  	v0 =	vld.idx.msk [tilespmem:v3+s15+$0x0], $0xffff  }
0x49: {  	v1 =	vadd.s32 $0x1, v3  }
0x4a: {  	s26 =	simm.s32 $0x10;
	s19 =	sand.u32 $0xC00, s13;
	v2 =	vld [tilespmem:s1+$0xFFFFF7F0]  }
0x4b: {  	s4 =	sadd.s32 $0x1580, s19;
	s21 =	sand.u32 $0x70, s26  }
0x4c: {  	s5 =	sor.u32 s21, s4  }
0x4d: {  	[tilespmem:s5+$0x0] =	vst v0  }
0x4e: {  	v0 =	vld.idx.msk [tilespmem:v1+s15+$0x0], $0xffff  }
0x4f: {  	v2 =	vmul.u32 $0x11, v2;
	v1 =	vadd.s32 $0x2, v3;
	_ =	sdelay $0x3  }
0x50: {  	[tilespmem:s5+$0x80] =	vst v0  }
0x51: {  	v0 =	vld.idx.msk [tilespmem:v1+s15+$0x0], $0xffff  }
0x52: {  	v4 =	vadd.s32 $0x3, v3;
	v1 =	vld.idx.msk [tilespmem:v2+s15+$0x0], $0xffff  }
0x53: {  	v5 =	vadd.s32 $0x1, v2;
	_ =	sdelay $0x1  }
0x54: {  	s31 =	sand.u32 $0x60, s13  }
0x55: {  	s2 =	sor.u32 s31, s4;
	[tilespmem:s5+$0x100] =	vst v0  }
0x56: {  	[tilespmem:s2+$0x0] =	vst v1;
	v0 =	vld.idx.msk [tilespmem:v4+s15+$0x0], $0xffff  }
0x57: {  	v1 =	vld.idx.msk [tilespmem:v5+s15+$0x0], $0xffff;
	v4 =	vadd.s32 $0x4, v3  }
0x58: {  	v5 =	vadd.s32 $0x2, v2;
	_ =	sdelay $0x2  }
0x59: {  	[tilespmem:s5+$0x180] =	vst v0  }
0x5a: {  	[tilespmem:s2+$0x80] =	vst v1;
	v0 =	vld.idx.msk [tilespmem:v4+s15+$0x0], $0xffff  }
0x5b: {  	v1 =	vld.idx.msk [tilespmem:v5+s15+$0x0], $0xffff;
	v4 =	vadd.s32 $0x5, v3  }
0x5c: {  	v5 =	vadd.s32 $0x3, v2;
	_ =	sdelay $0x2  }
0x5d: {  	[tilespmem:s5+$0x200] =	vst v0  }
0x5e: {  	[tilespmem:s2+$0x100] =	vst v1;
	v0 =	vld.idx.msk [tilespmem:v4+s15+$0x0], $0xffff  }
0x5f: {  	v1 =	vld.idx.msk [tilespmem:v5+s15+$0x0], $0xffff;
	v4 =	vadd.s32 $0x6, v3  }
0x60: {  	v5 =	vadd.s32 $0x4, v2;
	_ =	sdelay $0x2  }
0x61: {  	[tilespmem:s5+$0x280] =	vst v0  }
0x62: {  	s6 =	sand.u32 $0x7, s13;
	[tilespmem:s2+$0x180] =	vst v1;
	v0 =	vld.idx.msk [tilespmem:v4+s15+$0x0], $0xffff  }
0x63: {  	s3 =	sshll.u32 s6, $0x4;
	v1 =	vld.idx.msk [tilespmem:v5+s15+$0x0], $0xffff;
	v4 =	vadd.s32 $0x7, v3  }
0x64: {  	s3 =	sadd.s32 $0x0, s3;
	v5 =	vadd.s32 $0x5, v2  }
0x65: {  	s3 =	sadd.s32 $0x10, s3  }
0x66: {  	s3 =	sor.u32 $0x300, s3  }
0x67: {  	[tilespmem:s3+$0x1580] =	vst v0  }
0x68: {  	[tilespmem:s2+$0x200] =	vst v1;
	v0 =	vld.idx.msk [tilespmem:v4+s15+$0x0], $0xffff  }
0x69: {  	v1 =	vld.idx.msk [tilespmem:v5+s15+$0x0], $0xffff;
	v4 =	vadd.s32 $0x8, v3  }
0x6a: {  	v5 =	vadd.s32 $0x6, v2  }
0x6b: {  	s0 =	sor.u32 s26, s13  }
0x6c: {  	s0 =	sor.u32 $0x380, s0  }
0x6d: {  	[tilespmem:s0+$0x1580] =	vst v0  }
0x6e: {  	[tilespmem:s2+$0x280] =	vst v1;
	v0 =	vld.idx.msk [tilespmem:v4+s15+$0x0], $0xffff  }
0x6f: {  	v1 =	vld.idx.msk [tilespmem:v5+s15+$0x0], $0xffff;
	v4 =	vadd.s32 $0x9, v3  }
0x70: {  	s7 =	sand.u32 $0x3, s13;
	v5 =	vadd.s32 $0x7, v2  }
0x71: {  	s8 =	sadd.s32 $0x2580, s19;
	s0 =	sshll.u32 s7, $0x5  }
0x72: {  	s9 =	sor.u32 s21, s8;
	s0 =	sadd.s32 $0x0, s0  }
0x73: {  	s0 =	sor.u32 $0x300, s0;
	[tilespmem:s9+$0x0] =	vst v0  }
0x74: {  	[tilespmem:s0+$0x1580] =	vst v1;
	v0 =	vld.idx.msk [tilespmem:v4+s15+$0x0], $0xffff  }
0x75: {  	v1 =	vld.idx.msk [tilespmem:v5+s15+$0x0], $0xffff;
	v4 =	vadd.s32 $0xA, v3  }
0x76: {  	v5 =	vadd.s32 $0x8, v2  }
0x77: {  	s10 =	sadd.s32 $0x2600, s19  }
0x78: {  	s11 =	sor.u32 s13, s13;
	s4 =	sor.u32 s21, s10  }
0x79: {  	s3 =	sor.u32 $0x380, s11;
	[tilespmem:s4+$0x0] =	vst v0  }
0x7a: {  	[tilespmem:s3+$0x1580] =	vst v1;
	v0 =	vld.idx.msk [tilespmem:v4+s15+$0x0], $0xffff  }
0x7b: {  	v1 =	vld.idx.msk [tilespmem:v5+s15+$0x0], $0xffff;
	v4 =	vadd.s32 $0xB, v3  }
0x7c: {  	v5 =	vadd.s32 $0x9, v2  }
0x7d: {  	s12 =	sadd.s32 $0x2680, s19  }
0x7e: {  	s14 =	sor.u32 s21, s12  }
0x7f: {  	s2 =	sor.u32 s31, s8;
	[tilespmem:s14+$0x0] =	vst v0  }
0x80: {  	[tilespmem:s2+$0x0] =	vst v1;
	v0 =	vld.idx.msk [tilespmem:v4+s15+$0x0], $0xffff  }
0x81: {  	v1 =	vld.idx.msk [tilespmem:v5+s15+$0x0], $0xffff;
	v4 =	vadd.s32 $0xC, v3  }
0x82: {  	v5 =	vadd.s32 $0xA, v2  }
0x83: {  	s16 =	sadd.s32 $0x2700, s19  }
0x84: {  	s17 =	sor.u32 s21, s16  }
0x85: {  	s0 =	sor.u32 s31, s10;
	[tilespmem:s17+$0x0] =	vst v0  }
0x86: {  	[tilespmem:s0+$0x0] =	vst v1;
	v0 =	vld.idx.msk [tilespmem:v4+s15+$0x0], $0xffff  }
0x87: {  	v1 =	vld.idx.msk [tilespmem:v5+s15+$0x0], $0xffff;
	v4 =	vadd.s32 $0xD, v3  }
0x88: {  	v5 =	vadd.s32 $0xB, v2  }
0x89: {  	s18 =	sadd.s32 $0x2780, s19  }
0x8a: {  	s20 =	sor.u32 s21, s18  }
0x8b: {  	s3 =	sor.u32 s31, s12;
	[tilespmem:s20+$0x0] =	vst v0  }
0x8c: {  	[tilespmem:s3+$0x0] =	vst v1;
	v0 =	vld.idx.msk [tilespmem:v4+s15+$0x0], $0xffff  }
0x8d: {  	v1 =	vld.idx.msk [tilespmem:v5+s15+$0x0], $0xffff;
	v4 =	vadd.s32 $0xE, v3  }
0x8e: {  	v5 =	vadd.s32 $0xC, v2  }
0x8f: {  	s22 =	sadd.s32 $0x2800, s19;
	s3 =	simm.s32 $0x830  }
0x90: {  	s5 =	sor.u32 s21, s22;
	v6 =	vld [tilespmem:s3+$0xFFFFF800]  }
0x91: {  	s2 =	sor.u32 s31, s16;
	v7 =	vld [tilespmem:s3+$0xFFFFF7F0];
	[tilespmem:s5+$0x0] =	vst v0  }
0x92: {  	[tilespmem:s2+$0x0] =	vst v1;
	v4 =	vld.idx.msk [tilespmem:v4+s15+$0x0], $0xffff  }
0x93: {  	v8 =	vadd.s32 $0xF, v3;
	v5 =	vld.idx.msk [tilespmem:v5+s15+$0x0], $0xffff  }
0x94: {  	v9 =	vadd.s32 $0xD, v2  }
0x95: {  	s9 =	sadd.s32 $0x2880, s19;
	v0 =	vmul.u32 $0x11, v6  }
0x96: {  	s23 =	sor.u32 s21, s9  }
0x97: {  	s0 =	sor.u32 s31, s18;
	v1 =	vmul.u32 $0x11, v7;
	[tilespmem:s23+$0x0] =	vst v4  }
0x98: {  	[tilespmem:s0+$0x0] =	vst v5;
	v4 =	vld.idx.msk [tilespmem:v8+s15+$0x0], $0xffff  }
0x99: {  	v3 =	vadd.s32 $0x10, v3;
	v5 =	vld.idx.msk [tilespmem:v9+s15+$0x0], $0xffff  }
0x9a: {  	v6 =	vadd.s32 $0xE, v2  }
0x9b: {  	s10 =	sadd.s32 $0x2900, s19;
	v7 =	vld.idx.msk [tilespmem:v0+s15+$0x0], $0xffff  }
0x9c: {  	s24 =	sor.u32 s21, s10;
	s2 =	simm.s32 $0x100;
	v8 =	vadd.s32 $0x1, v0  }
0x9d: {  	s4 =	sor.u32 s31, s22;
	s5 =	simm.s32 $0x30;
	s6 =	sand.u32 $0xC00, s2;
	v9 =	vld.idx.msk [tilespmem:v1+s15+$0x0], $0xffff;
	[tilespmem:s24+$0x0] =	vst v4  }
0x9e: {  	s8 =	sand.u32 $0x70, s5;
	s25 =	sadd.s32 $0x1580, s6;
	v4 =	vadd.s32 $0x1, v1;
	[tilespmem:s4+$0x0] =	vst v5;
	v3 =	vld.idx.msk [tilespmem:v3+s15+$0x0], $0xffff  }
0x9f: {  	s11 =	sor.u32 s8, s25;
	s0 =	simm.s32 $0x20;
	v5 =	vld.idx.msk [tilespmem:v6+s15+$0x0], $0xffff  }
0xa0: {  	s20 =	sand.u32 $0x60, s0;
	[tilespmem:s11+$0x0] =	vst v7;
	v6 =	vadd.s32 $0xF, v2  }
0xa1: {  	s26 =	sadd.s32 $0x3580, s19;
	s7 =	sor.u32 s20, s25;
	v7 =	vld.idx.msk [tilespmem:v8+s15+$0x0], $0xffff  }
0xa2: {  	s12 =	sor.u32 s21, s26;
	[tilespmem:s7+$0x0] =	vst v9;
	v8 =	vadd.s32 $0x2, v0  }
0xa3: {  	s9 =	sor.u32 s31, s9;
	v4 =	vld.idx.msk [tilespmem:v4+s15+$0x0], $0xffff;
	[tilespmem:s12+$0x0] =	vst v3  }
0xa4: {  	[tilespmem:s9+$0x0] =	vst v5;
	v3 =	vld [tilespmem:s1+$0xFFFFFA00]  }
0xa5: {  	v5 =	vadd.s32 $0x2, v1;
	v6 =	vld.idx.msk [tilespmem:v6+s15+$0x0], $0xffff  }
0xa6: {  	v2 =	vadd.s32 $0x10, v2;
	[tilespmem:s11+$0x80] =	vst v7  }
0xa7: {  	v7 =	vld.idx.msk [tilespmem:v8+s15+$0x0], $0xffff  }
0xa8: {  	v8 =	vadd.s32 $0x3, v0  }
0xa9: {  	s10 =	sor.u32 s31, s10;
	[tilespmem:s7+$0x80] =	vst v4;
	v3 =	vadd.s32 $0x231, v3  }
0xaa: {  	v4 =	vld.idx.msk [tilespmem:v5+s15+$0x0], $0xffff;
	[tilespmem:s10+$0x0] =	vst v6  }
0xab: {  	v5 =	vadd.s32 $0x3, v1;
	v2 =	vld.idx.msk [tilespmem:v2+s15+$0x0], $0xffff  }
0xac: {  	[tilespmem:s11+$0x100] =	vst v7  }
0xad: {  	v6 =	vld.idx.msk [tilespmem:v8+s15+$0x0], $0xffff  }
0xae: {  	v7 =	vadd.s32 $0x4, v0;
	v3 =	vld.idx.msk [tilespmem:v3+s15+$0x0], $0xffff  }
0xaf: {  	s12 =	sor.u32 s31, s26;
	[tilespmem:s7+$0x100] =	vst v4  }
0xb0: {  	s4 =	sand.u32 $0x1E0, s13;
	v4 =	vld.idx.msk [tilespmem:v5+s15+$0x0], $0xffff;
	[tilespmem:s12+$0x0] =	vst v2  }
0xb1: {  	s13 =	sadd.s32 $0x3600, s19;
	v2 =	vadd.s32 $0x4, v1;
	v5 =	vld [tilespmem:s4+$0x200]  }
0xb2: {  	s14 =	sor.u32 s21, s13;
	[tilespmem:s11+$0x180] =	vst v6  }
0xb3: {  	v6 =	vld.idx.msk [tilespmem:v7+s15+$0x0], $0xffff;
	[tilespmem:s14+$0x0] =	vst v3  }
0xb4: {  	v3 =	vld [tilespmem:s1+$0xFFFFFC00]  }
0xb5: {  	[tilespmem:s7+$0x180] =	vst v4;
	v4 =	vadd.s32 $0x5, v0  }
0xb6: {  	v2 =	vld.idx.msk [tilespmem:v2+s15+$0x0], $0xffff;
	v5 =	vadd.s32 $0x231, v5  }
0xb7: {  	v7 =	vadd.s32 $0x5, v1;
	_ =	sdelay $0x1  }
0xb8: {  	[tilespmem:s11+$0x200] =	vst v6;
	v3 =	vshll.u32 v3, $0x2  }
0xb9: {  	v4 =	vld.idx.msk [tilespmem:v4+s15+$0x0], $0xffff;
	v6 =	vadd.s32 $0x233, v3  }
0xba: {  	[tilespmem:s7+$0x200] =	vst v2;
	v2 =	vadd.s32 $0x6, v0;
	v5 =	vld.idx.msk [tilespmem:v5+s15+$0x0], $0xffff  }
0xbb: {  	v7 =	vld.idx.msk [tilespmem:v7+s15+$0x0], $0xffff  }
0xbc: {  	v8 =	vadd.s32 $0x6, v1;
	_ =	sdelay $0x1  }
0xbd: {  	s16 =	simm.s32 $0x2;
	s9 =	sor.u32 s31, s13;
	[tilespmem:s11+$0x280] =	vst v4;
	v4 =	vld.idx.msk [tilespmem:v6+s15+$0x0], $0xffff  }
0xbe: {  	s17 =	sand.u32 $0x7, s16;
	v2 =	vld.idx.msk [tilespmem:v2+s15+$0x0], $0xffff;
	[tilespmem:s9+$0x0] =	vst v5;
	v5 =	vadd.s32 $0x234, v3  }
0xbf: {  	s18 =	sshll.u32 s17, $0x4;
	[tilespmem:s7+$0x280] =	vst v7;
	v7 =	vadd.s32 $0x7, v0;
	v6 =	vld [tilespmem:s4+$0x400]  }
0xc0: {  	s22 =	simm.s32 $0x1;
	s23 =	sadd.s32 $0x3680, s19;
	s7 =	sadd.s32 $0x100, s18;
	v8 =	vld.idx.msk [tilespmem:v8+s15+$0x0], $0xffff  }
0xc1: {  	v9 =	vadd.s32 $0x7, v1;
	s24 =	sor.u32 s21, s23;
	s9 =	sand.u32 $0x3, s22;
	s7 =	sadd.s32 $0x10, s7  }
0xc2: {  	s9 =	sshll.u32 s9, $0x5;
	s7 =	sor.u32 $0x300, s7;
	[tilespmem:s24+$0x0] =	vst v4  }
0xc3: {  	s9 =	sadd.s32 $0x100, s9;
	[tilespmem:s7+$0x1580] =	vst v2;
	v2 =	vld.idx.msk [tilespmem:v5+s15+$0x0], $0xffff  }
0xc4: {  	s25 =	sor.u32 $0x300, s9;
	v4 =	vld.idx.msk [tilespmem:v7+s15+$0x0], $0xffff;
	v5 =	vadd.s32 $0x235, v3  }
0xc5: {  	v7 =	vadd.s32 $0x8, v0;
	v6 =	vshll.u32 v6, $0x2;
	[tilespmem:s25+$0x1580] =	vst v8  }
0xc6: {  	s26 =	sadd.s32 $0x3700, s19;
	v8 =	vadd.s32 $0x233, v6;
	v9 =	vld.idx.msk [tilespmem:v9+s15+$0x0], $0xffff  }
0xc7: {  	s5 =	sor.u32 s5, s2;
	v10 =	vadd.s32 $0x8, v1;
	s11 =	sor.u32 s21, s26  }
0xc8: {  	s5 =	sor.u32 $0x380, s5;
	[tilespmem:s11+$0x0] =	vst v2  }
0xc9: {  	s2 =	sor.u32 s0, s2;
	[tilespmem:s5+$0x1580] =	vst v4;
	v2 =	vld.idx.msk [tilespmem:v5+s15+$0x0], $0xffff  }
0xca: {  	s2 =	sor.u32 $0x380, s2;
	v3 =	vadd.s32 $0x236, v3;
	v4 =	vld.idx.msk [tilespmem:v7+s15+$0x0], $0xffff  }
0xcb: {  	v7 =	vadd.s32 $0x9, v0;
	v5 =	vld.idx.msk [tilespmem:v8+s15+$0x0], $0xffff;
	[tilespmem:s2+$0x1580] =	vst v9  }
0xcc: {  	s12 =	sadd.s32 $0x3780, s19;
	v8 =	vadd.s32 $0x234, v6;
	v9 =	vld.idx.msk [tilespmem:v10+s15+$0x0], $0xffff  }
0xcd: {  	s13 =	sadd.s32 $0x2580, s6;
	s14 =	sor.u32 s21, s12;
	v10 =	vadd.s32 $0x9, v1  }
0xce: {  	s16 =	sor.u32 s8, s13;
	[tilespmem:s14+$0x0] =	vst v2  }
0xcf: {  	s17 =	sor.u32 s31, s23;
	[tilespmem:s16+$0x0] =	vst v4;
	v2 =	vld.idx.msk [tilespmem:v3+s15+$0x0], $0xffff  }
0xd0: {  	s5 =	sor.u32 s20, s13;
	[tilespmem:s17+$0x0] =	vst v5;
	v3 =	vld.idx.msk [tilespmem:v7+s15+$0x0], $0xffff  }
0xd1: {  	v5 =	vadd.s32 $0xA, v0;
	v4 =	vld.idx.msk [tilespmem:v8+s15+$0x0], $0xffff;
	[tilespmem:s5+$0x0] =	vst v9  }
0xd2: {  	s18 =	sadd.s32 $0x3800, s19;
	v7 =	vadd.s32 $0x235, v6;
	v8 =	vld.idx.msk [tilespmem:v10+s15+$0x0], $0xffff  }
0xd3: {  	s22 =	sadd.s32 $0x2600, s6;
	s23 =	sor.u32 s21, s18;
	v9 =	vadd.s32 $0xA, v1  }
0xd4: {  	s24 =	sor.u32 s8, s22;
	[tilespmem:s23+$0x0] =	vst v2  }
0xd5: {  	s7 =	sor.u32 s31, s26;
	[tilespmem:s24+$0x0] =	vst v3;
	v2 =	vld [tilespmem:s1+$0xFFFFFE00]  }
0xd6: {  	s25 =	sor.u32 s20, s22;
	[tilespmem:s7+$0x0] =	vst v4;
	v3 =	vld.idx.msk [tilespmem:v5+s15+$0x0], $0xffff  }
0xd7: {  	v4 =	vld.idx.msk [tilespmem:v7+s15+$0x0], $0xffff;
	[tilespmem:s25+$0x0] =	vst v8;
	v5 =	vadd.s32 $0xB, v0  }
0xd8: {  	v6 =	vadd.s32 $0x236, v6;
	v7 =	vld.idx.msk [tilespmem:v9+s15+$0x0], $0xffff  }
0xd9: {  	s26 =	sadd.s32 $0x2680, s6;
	v8 =	vadd.s32 $0xB, v1  }
0xda: {  	s10 =	sor.u32 s8, s26;
	v2 =	vshll.u32 v2, $0x1  }
0xdb: {  	s2 =	sor.u32 s31, s12;
	[tilespmem:s10+$0x0] =	vst v3;
	v3 =	vadd.s32 $0x253, v2  }
0xdc: {  	s11 =	sor.u32 s20, s26;
	[tilespmem:s2+$0x0] =	vst v4;
	v4 =	vld.idx.msk [tilespmem:v5+s15+$0x0], $0xffff  }
0xdd: {  	v5 =	vld.idx.msk [tilespmem:v6+s15+$0x0], $0xffff;
	[tilespmem:s11+$0x0] =	vst v7;
	v6 =	vadd.s32 $0xC, v0  }
0xde: {  	v7 =	vld.idx.msk [tilespmem:v8+s15+$0x0], $0xffff  }
0xdf: {  	s12 =	sadd.s32 $0x2700, s6;
	v8 =	vadd.s32 $0xC, v1  }
0xe0: {  	s13 =	sor.u32 s8, s12;
	v3 =	vld.idx.msk [tilespmem:v3+s15+$0x0], $0xffff  }
0xe1: {  	s5 =	sor.u32 s31, s18;
	v2 =	vadd.s32 $0x254, v2;
	[tilespmem:s13+$0x0] =	vst v4  }
0xe2: {  	s2 =	sor.u32 s20, s12;
	[tilespmem:s5+$0x0] =	vst v5;
	v4 =	vld.idx.msk [tilespmem:v6+s15+$0x0], $0xffff  }
0xe3: {  	s14 =	sadd.s32 $0x3880, s19;
	v5 =	vld [tilespmem:s4+$0x600];
	[tilespmem:s2+$0x0] =	vst v7;
	v6 =	vadd.s32 $0xD, v0  }
0xe4: {  	s22 =	sor.u32 s21, s14;
	s2 =	simm.s32 $0x850;
	v7 =	vld.idx.msk [tilespmem:v8+s15+$0x0], $0xffff  }
0xe5: {  	s23 =	sadd.s32 $0x2780, s6;
	v8 =	vadd.s32 $0xD, v1;
	v9 =	vld [tilespmem:s2+$0xFFFFF800];
	[tilespmem:s22+$0x0] =	vst v3  }
0xe6: {  	s24 =	sor.u32 s8, s23;
	v2 =	vld.idx.msk [tilespmem:v2+s15+$0x0], $0xffff  }
0xe7: {  	v10 =	vld [tilespmem:s2+$0xFFFFF7F0];
	[tilespmem:s24+$0x0] =	vst v4  }
0xe8: {  	s25 =	sor.u32 s20, s23;
	v4 =	vld.idx.msk [tilespmem:v6+s15+$0x0], $0xffff  }
0xe9: {  	s26 =	sadd.s32 $0x3900, s19;
	v5 =	vshll.u32 v5, $0x1;
	[tilespmem:s25+$0x0] =	vst v7;
	v6 =	vadd.s32 $0xE, v0  }
0xea: {  	s16 =	sor.u32 s21, s26;
	v7 =	vadd.s32 $0x253, v5;
	v8 =	vld.idx.msk [tilespmem:v8+s15+$0x0], $0xffff  }
0xeb: {  	v11 =	vadd.s32 $0xE, v1;
	s17 =	sadd.s32 $0x2800, s6;
	[tilespmem:s16+$0x0] =	vst v2  }
0xec: {  	s18 =	sor.u32 s8, s17;
	v3 =	vmul.u32 $0x11, v9;
	v9 =	vld [tilespmem:s1+$0x0]  }
0xed: {  	v2 =	vmul.u32 $0x11, v10;
	[tilespmem:s18+$0x0] =	vst v4  }
0xee: {  	s22 =	sor.u32 s20, s17;
	v4 =	vld.idx.msk [tilespmem:v6+s15+$0x0], $0xffff  }
0xef: {  	v6 =	vld.idx.msk [tilespmem:v7+s15+$0x0], $0xffff;
	[tilespmem:s22+$0x0] =	vst v8;
	v7 =	vadd.s32 $0xF, v0  }
0xf0: {  	v5 =	vadd.s32 $0x254, v5;
	v8 =	vld.idx.msk [tilespmem:v11+s15+$0x0], $0xffff  }
0xf1: {  	s23 =	sadd.s32 $0x2880, s6;
	v10 =	vadd.s32 $0xF, v1;
	v9 =	vshll.u32 v9, $0x1  }
0xf2: {  	s24 =	sor.u32 s8, s23;
	v11 =	vld.idx.msk [tilespmem:v3+s15+$0x0], $0xffff;
	v12 =	vadd.s32 $0x259, v9  }
0xf3: {  	s11 =	simm.s32 $0x200;
	s5 =	sor.u32 s31, s14;
	v14 =	vadd.s32 $0x1, v3;
	v13 =	vld.idx.msk [tilespmem:v2+s15+$0x0], $0xffff;
	[tilespmem:s24+$0x0] =	vst v4  }
0xf4: {  	s7 =	sor.u32 s20, s23;
	s12 =	simm.s32 $0x50;
	s28 =	sand.u32 $0xC00, s11;
	v4 =	vadd.s32 $0x1, v2;
	[tilespmem:s5+$0x0] =	vst v6;
	v6 =	vld.idx.msk [tilespmem:v7+s15+$0x0], $0xffff  }
0xf5: {  	s10 =	simm.s32 $0x40;
	s29 =	sand.u32 $0x70, s12;
	s25 =	sadd.s32 $0x1580, s28;
	v0 =	vadd.s32 $0x10, v0;
	v5 =	vld.idx.msk [tilespmem:v5+s15+$0x0], $0xffff;
	[tilespmem:s7+$0x0] =	vst v8  }
0xf6: {  	s14 =	sor.u32 s29, s25;
	s7 =	sand.u32 $0x60, s10;
	v7 =	vld.idx.msk [tilespmem:v10+s15+$0x0], $0xffff  }
0xf7: {  	v1 =	vadd.s32 $0x10, v1;
	s16 =	sadd.s32 $0x2900, s6;
	[tilespmem:s14+$0x0] =	vst v11;
	s13 =	sor.u32 s7, s25;
	v8 =	vld.idx.msk [tilespmem:v12+s15+$0x0], $0xffff  }
0xf8: {  	s17 =	sor.u32 s8, s16;
	v9 =	vadd.s32 $0x25A, v9;
	v10 =	vld.idx.msk [tilespmem:v14+s15+$0x0], $0xffff;
	[tilespmem:s13+$0x0] =	vst v13  }
0xf9: {  	s9 =	sor.u32 s31, s26;
	v11 =	vadd.s32 $0x2, v3;
	v4 =	vld.idx.msk [tilespmem:v4+s15+$0x0], $0xffff;
	[tilespmem:s17+$0x0] =	vst v6  }
0xfa: {  	s26 =	sor.u32 s20, s16;
	s5 =	sadd.s32 $0x4580, s19;
	v6 =	vadd.s32 $0x2, v2;
	[tilespmem:s9+$0x0] =	vst v5;
	v0 =	vld.idx.msk [tilespmem:v0+s15+$0x0], $0xffff  }
0xfb: {  	s18 =	sor.u32 s21, s5;
	v5 =	vld [tilespmem:s4+$0x800];
	[tilespmem:s26+$0x0] =	vst v7  }
0xfc: {  	v1 =	vld.idx.msk [tilespmem:v1+s15+$0x0], $0xffff;
	[tilespmem:s18+$0x0] =	vst v8  }
0xfd: {  	s22 =	sadd.s32 $0x3580, s6;
	[tilespmem:s14+$0x80] =	vst v10;
	v7 =	vld.idx.msk [tilespmem:v9+s15+$0x0], $0xffff  }
0xfe: {  	s23 =	sor.u32 s8, s22;
	[tilespmem:s13+$0x80] =	vst v4;
	v4 =	vld.idx.msk [tilespmem:v11+s15+$0x0], $0xffff  }
0xff: {  	v6 =	vld.idx.msk [tilespmem:v6+s15+$0x0], $0xffff;
	[tilespmem:s23+$0x0] =	vst v0  }
0x100: {  	s24 =	sor.u32 s20, s22;
	s18 =	sadd.s32 $0x4600, s19;
	v0 =	vadd.s32 $0x3, v3;
	v8 =	vld [tilespmem:s3+$0xFFFFFA00]  }
0x101: {  	s9 =	sand.u32 $0x1E0, s0;
	v9 =	vadd.s32 $0x3, v2;
	s25 =	sor.u32 s21, s18;
	[tilespmem:s24+$0x0] =	vst v1  }
0x102: {  	v1 =	vld [tilespmem:s9+$0x200];
	[tilespmem:s25+$0x0] =	vst v7  }
0x103: {  	v5 =	vshll.u32 v5, $0x1;
	v7 =	vld [tilespmem:s1+$0x200]  }
0x104: {  	v10 =	vadd.s32 $0x259, v5;
	[tilespmem:s14+$0x100] =	vst v4  }
0x105: {  	[tilespmem:s13+$0x100] =	vst v6;
	v0 =	vld.idx.msk [tilespmem:v0+s15+$0x0], $0xffff;
	v4 =	vadd.s32 $0x231, v8  }
0x106: {  	v6 =	vld.idx.msk [tilespmem:v9+s15+$0x0], $0xffff;
	v8 =	vadd.s32 $0x4, v3  }
0x107: {  	v9 =	vadd.s32 $0x4, v2  }
0x108: {  	v1 =	vadd.s32 $0x231, v1;
	v7 =	vshll.u32 v7, $0x1  }
0x109: {  	v10 =	vld.idx.msk [tilespmem:v10+s15+$0x0], $0xffff;
	v11 =	vadd.s32 $0x25F, v7  }
0x10a: {  	v5 =	vadd.s32 $0x25A, v5;
	[tilespmem:s14+$0x180] =	vst v0;
	v0 =	vld.idx.msk [tilespmem:v4+s15+$0x0], $0xffff  }
0x10b: {  	[tilespmem:s13+$0x180] =	vst v6;
	v4 =	vld.idx.msk [tilespmem:v8+s15+$0x0], $0xffff  }
0x10c: {  	v6 =	vld.idx.msk [tilespmem:v9+s15+$0x0], $0xffff;
	v8 =	vadd.s32 $0x5, v3  }
0x10d: {  	s26 =	sor.u32 s31, s5;
	s5 =	sadd.s32 $0x3600, s6;
	v9 =	vadd.s32 $0x5, v2;
	v1 =	vld.idx.msk [tilespmem:v1+s15+$0x0], $0xffff  }
0x10e: {  	s16 =	sor.u32 s8, s5;
	[tilespmem:s26+$0x0] =	vst v10;
	v10 =	vld.idx.msk [tilespmem:v11+s15+$0x0], $0xffff  }
0x10f: {  	v5 =	vld.idx.msk [tilespmem:v5+s15+$0x0], $0xffff;
	[tilespmem:s16+$0x0] =	vst v0;
	v0 =	vadd.s32 $0x260, v7  }
0x110: {  	[tilespmem:s14+$0x200] =	vst v4;
	v4 =	vld [tilespmem:s3+$0xFFFFFC00]  }
0x111: {  	s17 =	sor.u32 s20, s5;
	[tilespmem:s13+$0x200] =	vst v6;
	s16 =	sadd.s32 $0x4680, s19;
	v6 =	vld.idx.msk [tilespmem:v8+s15+$0x0], $0xffff  }
0x112: {  	v7 =	vld.idx.msk [tilespmem:v9+s15+$0x0], $0xffff;
	v8 =	vadd.s32 $0x6, v3;
	s22 =	sor.u32 s21, s16;
	[tilespmem:s17+$0x0] =	vst v1  }
0x113: {  	s23 =	sor.u32 s31, s18;
	v9 =	vadd.s32 $0x6, v2;
	v1 =	vld [tilespmem:s9+$0x400];
	[tilespmem:s22+$0x0] =	vst v10  }
0x114: {  	[tilespmem:s23+$0x0] =	vst v5;
	v0 =	vld.idx.msk [tilespmem:v0+s15+$0x0], $0xffff  }
0x115: {  	v5 =	vld [tilespmem:s4+$0xA00];
	v4 =	vshll.u32 v4, $0x2  }
0x116: {  	s24 =	simm.s32 $0x4;
	[tilespmem:s14+$0x280] =	vst v6;
	v6 =	vadd.s32 $0x233, v4  }
0x117: {  	s0 =	sadd.s32 $0x4700, s19;
	s25 =	sand.u32 $0x7, s24;
	[tilespmem:s13+$0x280] =	vst v7;
	v8 =	vld.idx.msk [tilespmem:v8+s15+$0x0], $0xffff  }
0x118: {  	s5 =	sor.u32 s21, s0;
	s26 =	simm.s32 $0x2;
	s14 =	sshll.u32 s25, $0x4;
	v7 =	vld.idx.msk [tilespmem:v9+s15+$0x0], $0xffff;
	v9 =	vadd.s32 $0x7, v3  }
0x119: {  	v10 =	vadd.s32 $0x7, v2;
	s13 =	sand.u32 $0x3, s26;
	s14 =	sadd.s32 $0x200, s14;
	[tilespmem:s5+$0x0] =	vst v0  }
0x11a: {  	s13 =	sshll.u32 s13, $0x5;
	v5 =	vshll.u32 v5, $0x1;
	s14 =	sadd.s32 $0x10, s14;
	v0 =	vshll.u32 v1, $0x2;
	v1 =	vld [tilespmem:s1+$0x400]  }
0x11b: {  	s13 =	sadd.s32 $0x200, s13;
	v12 =	vadd.s32 $0x25F, v5;
	s14 =	sor.u32 $0x300, s14;
	v6 =	vld.idx.msk [tilespmem:v6+s15+$0x0], $0xffff  }
0x11c: {  	s13 =	sor.u32 $0x300, s13;
	v11 =	vadd.s32 $0x233, v0;
	[tilespmem:s14+$0x1580] =	vst v8  }
0x11d: {  	v8 =	vadd.s32 $0x234, v4;
	[tilespmem:s13+$0x1580] =	vst v7;
	v9 =	vld.idx.msk [tilespmem:v9+s15+$0x0], $0xffff  }
0x11e: {  	s18 =	sadd.s32 $0x3680, s6;
	v7 =	vld.idx.msk [tilespmem:v10+s15+$0x0], $0xffff;
	v10 =	vadd.s32 $0x8, v3  }
0x11f: {  	v13 =	vadd.s32 $0x8, v2;
	s22 =	sor.u32 s8, s18;
	v1 =	vshll.u32 v1, $0x1  }
0x120: {  	s12 =	sor.u32 s12, s11;
	v12 =	vld.idx.msk [tilespmem:v12+s15+$0x0], $0xffff;
	[tilespmem:s22+$0x0] =	vst v6;
	v6 =	vadd.s32 $0x265, v1  }
0x121: {  	s11 =	sor.u32 s10, s11;
	s12 =	sor.u32 $0x380, s12;
	v11 =	vld.idx.msk [tilespmem:v11+s15+$0x0], $0xffff  }
0x122: {  	s11 =	sor.u32 $0x380, s11;
	v5 =	vadd.s32 $0x260, v5;
	v8 =	vld.idx.msk [tilespmem:v8+s15+$0x0], $0xffff;
	[tilespmem:s12+$0x1580] =	vst v9  }
0x123: {  	v9 =	vadd.s32 $0x235, v4;
	[tilespmem:s11+$0x1580] =	vst v7;
	v10 =	vld.idx.msk [tilespmem:v10+s15+$0x0], $0xffff  }
0x124: {  	v14 =	vadd.s32 $0x234, v0;
	v7 =	vld.idx.msk [tilespmem:v13+s15+$0x0], $0xffff  }
0x125: {  	s24 =	sadd.s32 $0x3700, s6;
	s26 =	sor.u32 s31, s16;
	v13 =	vadd.s32 $0x9, v3;
	v6 =	vld.idx.msk [tilespmem:v6+s15+$0x0], $0xffff  }
0x126: {  	s25 =	sor.u32 s8, s24;
	v1 =	vadd.s32 $0x266, v1;
	[tilespmem:s26+$0x0] =	vst v12  }
0x127: {  	v15 =	vadd.s32 $0x9, v2;
	s23 =	sor.u32 s20, s18;
	s5 =	sadd.s32 $0x2580, s28;
	v5 =	vld.idx.msk [tilespmem:v5+s15+$0x0], $0xffff;
	[tilespmem:s25+$0x0] =	vst v8  }
0x128: {  	s16 =	sor.u32 s29, s5;
	s11 =	sadd.s32 $0x4780, s19;
	[tilespmem:s23+$0x0] =	vst v11;
	v9 =	vld.idx.msk [tilespmem:v9+s15+$0x0], $0xffff  }
0x129: {  	s18 =	sor.u32 s21, s11;
	v11 =	vld.idx.msk [tilespmem:v14+s15+$0x0], $0xffff;
	[tilespmem:s16+$0x0] =	vst v10  }
0x12a: {  	s17 =	sor.u32 s7, s5;
	v8 =	vadd.s32 $0x235, v0;
	v10 =	vld.idx.msk [tilespmem:v13+s15+$0x0], $0xffff;
	[tilespmem:s18+$0x0] =	vst v6  }
0x12b: {  	s0 =	sor.u32 s31, s0;
	s22 =	sadd.s32 $0x3780, s6;
	[tilespmem:s17+$0x0] =	vst v7;
	v6 =	vadd.s32 $0xA, v3;
	v1 =	vld.idx.msk [tilespmem:v1+s15+$0x0], $0xffff  }
0x12c: {  	s23 =	sor.u32 s8, s22;
	[tilespmem:s0+$0x0] =	vst v5;
	v7 =	vld.idx.msk [tilespmem:v15+s15+$0x0], $0xffff  }
0x12d: {  	s12 =	sor.u32 s20, s24;
	s24 =	sadd.s32 $0x2600, s28;
	[tilespmem:s23+$0x0] =	vst v9;
	v9 =	vadd.s32 $0xA, v2  }
0x12e: {  	s25 =	sor.u32 s29, s24;
	s0 =	sadd.s32 $0x4800, s19;
	v5 =	vld [tilespmem:s4+$0xC00];
	[tilespmem:s12+$0x0] =	vst v11  }
0x12f: {  	v4 =	vadd.s32 $0x236, v4;
	s26 =	sor.u32 s21, s0;
	v8 =	vld.idx.msk [tilespmem:v8+s15+$0x0], $0xffff;
	[tilespmem:s25+$0x0] =	vst v10  }
0x130: {  	s12 =	sor.u32 s7, s24;
	v6 =	vld.idx.msk [tilespmem:v6+s15+$0x0], $0xffff;
	[tilespmem:s26+$0x0] =	vst v1  }
0x131: {  	v0 =	vadd.s32 $0x236, v0;
	[tilespmem:s12+$0x0] =	vst v7;
	v1 =	vld [tilespmem:s1+$0x600]  }
0x132: {  	v7 =	vld.idx.msk [tilespmem:v9+s15+$0x0], $0xffff;
	v9 =	vadd.s32 $0xB, v3;
	_ =	sdelay $0x1  }
0x133: {  	s18 =	sor.u32 s20, s22;
	s22 =	sadd.s32 $0x2680, s28;
	v4 =	vld.idx.msk [tilespmem:v4+s15+$0x0], $0xffff  }
0x134: {  	s23 =	sor.u32 s29, s22;
	v5 =	vshll.u32 v5, $0x1;
	[tilespmem:s18+$0x0] =	vst v8  }
0x135: {  	s12 =	sor.u32 s7, s22;
	v10 =	vadd.s32 $0x265, v5;
	v0 =	vld.idx.msk [tilespmem:v0+s15+$0x0], $0xffff;
	[tilespmem:s23+$0x0] =	vst v6;
	v1 =	vshll.u32 v1, $0x1  }
0x136: {  	s5 =	sadd.s32 $0x3800, s6;
	[tilespmem:s12+$0x0] =	vst v7;
	v6 =	vld.idx.msk [tilespmem:v9+s15+$0x0], $0xffff;
	v7 =	vadd.s32 $0x26B, v1  }
0x137: {  	s17 =	sor.u32 s8, s5;
	v9 =	vadd.s32 $0xC, v3  }
0x138: {  	[tilespmem:s17+$0x0] =	vst v4  }
0x139: {  	s24 =	sor.u32 s20, s5;
	s25 =	sadd.s32 $0x2700, s28;
	v8 =	vld [tilespmem:s3+$0xFFFFFE00]  }
0x13a: {  	s5 =	sor.u32 s29, s25;
	[tilespmem:s24+$0x0] =	vst v0;
	v0 =	vld.idx.msk [tilespmem:v10+s15+$0x0], $0xffff  }
0x13b: {  	v4 =	vadd.s32 $0xB, v2;
	[tilespmem:s5+$0x0] =	vst v6;
	v6 =	vld.idx.msk [tilespmem:v7+s15+$0x0], $0xffff  }
0x13c: {  	v5 =	vadd.s32 $0x266, v5;
	v7 =	vld.idx.msk [tilespmem:v9+s15+$0x0], $0xffff  }
0x13d: {  	v14 =	vadd.s32 $0xD, v3  }
0x13e: {  	v9 =	vadd.s32 $0x26C, v1  }
0x13f: {  	s11 =	sor.u32 s31, s11;
	s16 =	sadd.s32 $0x2780, s28  }
0x140: {  	s13 =	sadd.s32 $0x4880, s19;
	s18 =	sor.u32 s29, s16;
	v4 =	vld.idx.msk [tilespmem:v4+s15+$0x0], $0xffff;
	[tilespmem:s11+$0x0] =	vst v0  }
0x141: {  	s17 =	sor.u32 s21, s13;
	v8 =	vshll.u32 v8, $0x1;
	v5 =	vld.idx.msk [tilespmem:v5+s15+$0x0], $0xffff;
	[tilespmem:s18+$0x0] =	vst v7  }
0x142: {  	v10 =	vadd.s32 $0x253, v8;
	[tilespmem:s17+$0x0] =	vst v6;
	v7 =	vld.idx.msk [tilespmem:v14+s15+$0x0], $0xffff  }
0x143: {  	s26 =	simm.s32 $0x870;
	v6 =	vld.idx.msk [tilespmem:v9+s15+$0x0], $0xffff;
	v9 =	vadd.s32 $0xE, v3  }
0x144: {  	v13 =	vld [tilespmem:s26+$0xFFFFF800];
	s12 =	sor.u32 s7, s25  }
0x145: {  	s0 =	sor.u32 s31, s0;
	s24 =	sadd.s32 $0x2800, s28;
	v11 =	vld [tilespmem:s9+$0x600];
	[tilespmem:s12+$0x0] =	vst v4  }
0x146: {  	v12 =	vadd.s32 $0xC, v2;
	s25 =	sor.u32 s29, s24;
	v4 =	vld [tilespmem:s26+$0xFFFFF7F0];
	[tilespmem:s0+$0x0] =	vst v5;
	s0 =	sadd.s32 $0x4900, s19  }
0x147: {  	v10 =	vld.idx.msk [tilespmem:v10+s15+$0x0], $0xffff;
	s26 =	sor.u32 s21, s0;
	[tilespmem:s25+$0x0] =	vst v7  }
0x148: {  	[tilespmem:s26+$0x0] =	vst v6;
	v6 =	vld.idx.msk [tilespmem:v9+s15+$0x0], $0xffff  }
0x149: {  	v9 =	vadd.s32 $0xF, v3  }
0x14a: {  	s22 =	sadd.s32 $0x3880, s6  }
0x14b: {  	s23 =	sor.u32 s8, s22;
	v12 =	vld.idx.msk [tilespmem:v12+s15+$0x0], $0xffff;
	s18 =	sadd.s32 $0x2880, s28  }
0x14c: {  	v15 =	vadd.s32 $0xD, v2;
	v11 =	vshll.u32 v11, $0x1;
	[tilespmem:s23+$0x0] =	vst v10;
	s23 =	sor.u32 s29, s18  }
0x14d: {  	v0 =	vadd.s32 $0x253, v11;
	[tilespmem:s23+$0x0] =	vst v6  }
0x14e: {  	v6 =	vld.idx.msk [tilespmem:v9+s15+$0x0], $0xffff  }
0x14f: {  	s11 =	sor.u32 s7, s16;
	v3 =	vadd.s32 $0x10, v3  }
0x150: {  	[tilespmem:s11+$0x0] =	vst v12  }
0x151: {  	s17 =	sor.u32 s20, s22;
	s22 =	sadd.s32 $0x2900, s28;
	v12 =	vld.idx.msk [tilespmem:v15+s15+$0x0], $0xffff  }
0x152: {  	s12 =	sor.u32 s7, s24;
	v1 =	vmul.u32 $0x11, v13;
	v13 =	vadd.s32 $0xE, v2;
	v10 =	vld.idx.msk [tilespmem:v0+s15+$0x0], $0xffff;
	s24 =	sor.u32 s29, s22  }
0x153: {  	[tilespmem:s24+$0x0] =	vst v6  }
0x154: {  	v3 =	vld.idx.msk [tilespmem:v3+s15+$0x0], $0xffff;
	_ =	sdelay $0x1  }
0x155: {  	[tilespmem:s12+$0x0] =	vst v12  }
0x156: {  	[tilespmem:s17+$0x0] =	vst v10;
	s26 =	sadd.s32 $0x3580, s28;
	v10 =	vld.idx.msk [tilespmem:v13+s15+$0x0], $0xffff  }
0x157: {  	s25 =	sor.u32 s29, s26;
	v6 =	vadd.s32 $0xF, v2  }
0x158: {  	[tilespmem:s25+$0x0] =	vst v3  }
0x159: {  	v3 =	vld [tilespmem:s2+$0xFFFFFA00]  }
0x15a: {  	s18 =	sor.u32 s7, s18  }
0x15b: {  	[tilespmem:s18+$0x0] =	vst v10  }
0x15c: {  	v6 =	vld.idx.msk [tilespmem:v6+s15+$0x0], $0xffff  }
0x15d: {  	v2 =	vadd.s32 $0x10, v2  }
0x15e: {  	v3 =	vadd.s32 $0x231, v3;
	_ =	sdelay $0x1  }
0x15f: {  	s22 =	sor.u32 s7, s22  }
0x160: {  	[tilespmem:s22+$0x0] =	vst v6  }
0x161: {  	v2 =	vld.idx.msk [tilespmem:v2+s15+$0x0], $0xffff  }
0x162: {  	v3 =	vld.idx.msk [tilespmem:v3+s15+$0x0], $0xffff;
	_ =	sdelay $0x2  }
0x163: {  	s23 =	sor.u32 s7, s26;
	s24 =	sadd.s32 $0x3600, s28  }
0x164: {  	s25 =	sor.u32 s29, s24;
	s22 =	sand.u32 $0x1E0, s10;
	[tilespmem:s23+$0x0] =	vst v2  }
0x165: {  	v2 =	vld [tilespmem:s22+$0x200];
	[tilespmem:s25+$0x0] =	vst v3  }
0x166: {  	v3 =	vld [tilespmem:s2+$0xFFFFFC00];
	_ =	sdelay $0x4  }
0x167: {  	v2 =	vadd.s32 $0x231, v2;
	v3 =	vshll.u32 v3, $0x2  }
0x168: {  	v6 =	vadd.s32 $0x233, v3;
	_ =	sdelay $0x3  }
0x169: {  	v2 =	vld.idx.msk [tilespmem:v2+s15+$0x0], $0xffff  }
0x16a: {  	v6 =	vld.idx.msk [tilespmem:v6+s15+$0x0], $0xffff  }
0x16b: {  	v9 =	vadd.s32 $0x234, v3;
	_ =	sdelay $0x1  }
0x16c: {  	s26 =	sor.u32 s7, s24;
	s10 =	sadd.s32 $0x3680, s28  }
0x16d: {  	s24 =	sor.u32 s29, s10;
	[tilespmem:s26+$0x0] =	vst v2  }
0x16e: {  	v2 =	vld [tilespmem:s22+$0x400];
	[tilespmem:s24+$0x0] =	vst v6  }
0x16f: {  	v6 =	vld.idx.msk [tilespmem:v9+s15+$0x0], $0xffff  }
0x170: {  	v9 =	vadd.s32 $0x235, v3;
	_ =	sdelay $0x1  }
0x171: {  	s18 =	sadd.s32 $0x3700, s28  }
0x172: {  	s25 =	sor.u32 s29, s18  }
0x173: {  	v2 =	vshll.u32 v2, $0x2;
	[tilespmem:s25+$0x0] =	vst v6  }
0x174: {  	v6 =	vadd.s32 $0x233, v2;
	v9 =	vld.idx.msk [tilespmem:v9+s15+$0x0], $0xffff  }
0x175: {  	v3 =	vadd.s32 $0x236, v3;
	_ =	sdelay $0x1  }
0x176: {  	s24 =	sadd.s32 $0x3780, s28  }
0x177: {  	s26 =	sor.u32 s29, s24  }
0x178: {  	v6 =	vld.idx.msk [tilespmem:v6+s15+$0x0], $0xffff;
	[tilespmem:s26+$0x0] =	vst v9  }
0x179: {  	v9 =	vadd.s32 $0x234, v2;
	v3 =	vld.idx.msk [tilespmem:v3+s15+$0x0], $0xffff;
	_ =	sdelay $0x2  }
0x17a: {  	s23 =	sor.u32 s7, s10;
	s25 =	sadd.s32 $0x3800, s28  }
0x17b: {  	s10 =	sor.u32 s29, s25;
	[tilespmem:s23+$0x0] =	vst v6  }
0x17c: {  	v8 =	vadd.s32 $0x254, v8;
	[tilespmem:s10+$0x0] =	vst v3;
	v3 =	vld.idx.msk [tilespmem:v9+s15+$0x0], $0xffff  }
0x17d: {  	v6 =	vld [tilespmem:s2+$0xFFFFFE00]  }
0x17e: {  	v9 =	vadd.s32 $0x235, v2;
	_ =	sdelay $0x2  }
0x17f: {  	v8 =	vld.idx.msk [tilespmem:v8+s15+$0x0], $0xffff;
	s18 =	sor.u32 s7, s18  }
0x180: {  	[tilespmem:s18+$0x0] =	vst v3;
	v3 =	vshll.u32 v6, $0x1  }
0x181: {  	v6 =	vld.idx.msk [tilespmem:v9+s15+$0x0], $0xffff;
	v9 =	vadd.s32 $0x253, v3  }
0x182: {  	s11 =	sadd.s32 $0x3900, s6;
	v2 =	vadd.s32 $0x236, v2  }
0x183: {  	s5 =	sor.u32 s8, s11  }
0x184: {  	v7 =	vadd.s32 $0x254, v11;
	[tilespmem:s5+$0x0] =	vst v8  }
0x185: {  	v8 =	vld [tilespmem:s3+$0x0];
	s24 =	sor.u32 s7, s24  }
0x186: {  	[tilespmem:s24+$0x0] =	vst v6;
	v6 =	vld.idx.msk [tilespmem:v9+s15+$0x0], $0xffff  }
0x187: {  	v0 =	vmul.u32 $0x11, v4;
	v3 =	vadd.s32 $0x254, v3;
	v2 =	vld.idx.msk [tilespmem:v2+s15+$0x0], $0xffff;
	_ =	sdelay $0x1  }
0x188: {  	v7 =	vld.idx.msk [tilespmem:v7+s15+$0x0], $0xffff;
	s18 =	sadd.s32 $0x3880, s28  }
0x189: {  	v14 =	vld.idx.msk [tilespmem:v1+s15+$0x0], $0xffff;
	s26 =	sor.u32 s29, s18  }
0x18a: {  	s14 =	simm.s32 $0x300;
	v5 =	vld [tilespmem:s1+$0x800];
	v8 =	vshll.u32 v8, $0x1;
	s24 =	sor.u32 s7, s25;
	v9 =	vadd.s32 $0x1, v1;
	[tilespmem:s26+$0x0] =	vst v6  }
0x18b: {  	s16 =	simm.s32 $0x70;
	s5 =	sand.u32 $0xC00, s14;
	v6 =	vadd.s32 $0x259, v8;
	[tilespmem:s24+$0x0] =	vst v2;
	v2 =	vld.idx.msk [tilespmem:v3+s15+$0x0], $0xffff  }
0x18c: {  	s11 =	sor.u32 s20, s11;
	v11 =	vld.idx.msk [tilespmem:v0+s15+$0x0], $0xffff;
	s1 =	sand.u32 $0x70, s16;
	s17 =	sadd.s32 $0x1580, s5  }
0x18d: {  	s12 =	sor.u32 s1, s17;
	[tilespmem:s11+$0x0] =	vst v7;
	v3 =	vld [tilespmem:s22+$0x600]  }
0x18e: {  	[tilespmem:s12+$0x0] =	vst v14;
	v10 =	vadd.s32 $0x1, v0;
	s11 =	simm.s32 $0x60;
	v7 =	vld [tilespmem:s9+$0x800];
	s24 =	sadd.s32 $0x3900, s28  }
0x18f: {  	s30 =	sand.u32 $0x60, s11;
	v9 =	vld.idx.msk [tilespmem:v9+s15+$0x0], $0xffff;
	s25 =	sor.u32 s29, s24  }
0x190: {  	v12 =	vadd.s32 $0x2, v1;
	s17 =	sor.u32 s30, s17;
	v6 =	vld.idx.msk [tilespmem:v6+s15+$0x0], $0xffff;
	[tilespmem:s25+$0x0] =	vst v2  }
0x191: {  	v4 =	vld [tilespmem:s4+$0xE00];
	v2 =	vadd.s32 $0x25A, v8;
	[tilespmem:s17+$0x0] =	vst v11  }
0x192: {  	v3 =	vshll.u32 v3, $0x1;
	v8 =	vld [tilespmem:s2+$0x0]  }
0x193: {  	s23 =	sadd.s32 $0x4580, s6;
	v10 =	vld.idx.msk [tilespmem:v10+s15+$0x0], $0xffff;
	v11 =	vadd.s32 $0x253, v3  }
0x194: {  	v13 =	vadd.s32 $0x2, v0;
	v7 =	vshll.u32 v7, $0x1;
	s26 =	sor.u32 s8, s23;
	[tilespmem:s12+$0x80] =	vst v9  }
0x195: {  	v9 =	vadd.s32 $0x259, v7;
	[tilespmem:s26+$0x0] =	vst v6;
	v6 =	vld.idx.msk [tilespmem:v12+s15+$0x0], $0xffff  }
0x196: {  	v12 =	vadd.s32 $0x3, v1;
	v2 =	vld.idx.msk [tilespmem:v2+s15+$0x0], $0xffff  }
0x197: {  	v8 =	vshll.u32 v8, $0x1  }
0x198: {  	[tilespmem:s17+$0x80] =	vst v10;
	v10 =	vld.idx.msk [tilespmem:v11+s15+$0x0], $0xffff;
	v11 =	vadd.s32 $0x259, v8  }
0x199: {  	s25 =	sadd.s32 $0x4600, s6;
	v3 =	vadd.s32 $0x254, v3;
	v13 =	vld.idx.msk [tilespmem:v13+s15+$0x0], $0xffff  }
0x19a: {  	v14 =	vadd.s32 $0x3, v0;
	s26 =	sor.u32 s8, s25;
	[tilespmem:s12+$0x100] =	vst v6;
	v6 =	vld.idx.msk [tilespmem:v9+s15+$0x0], $0xffff  }
0x19b: {  	[tilespmem:s26+$0x0] =	vst v2;
	v2 =	vadd.s32 $0x25A, v7;
	v7 =	vld.idx.msk [tilespmem:v12+s15+$0x0], $0xffff  }
0x19c: {  	s18 =	sor.u32 s7, s18;
	v9 =	vld [tilespmem:s3+$0x200]  }
0x19d: {  	[tilespmem:s18+$0x0] =	vst v10;
	v10 =	vadd.s32 $0x4, v1;
	v11 =	vld.idx.msk [tilespmem:v11+s15+$0x0], $0xffff  }
0x19e: {  	s23 =	sor.u32 s20, s23;
	v8 =	vadd.s32 $0x25A, v8;
	[tilespmem:s17+$0x100] =	vst v13;
	v3 =	vld.idx.msk [tilespmem:v3+s15+$0x0], $0xffff  }
0x19f: {  	[tilespmem:s23+$0x0] =	vst v6;
	v6 =	vld.idx.msk [tilespmem:v14+s15+$0x0], $0xffff  }
0x1a0: {  	v12 =	vadd.s32 $0x4, v0;
	s23 =	sadd.s32 $0x4580, s28;
	v2 =	vld.idx.msk [tilespmem:v2+s15+$0x0], $0xffff  }
0x1a1: {  	[tilespmem:s12+$0x180] =	vst v7;
	s26 =	sor.u32 s29, s23;
	v7 =	vshll.u32 v9, $0x1  }
0x1a2: {  	v9 =	vld.idx.msk [tilespmem:v10+s15+$0x0], $0xffff;
	[tilespmem:s26+$0x0] =	vst v11;
	v10 =	vadd.s32 $0x25F, v7;
	s26 =	sor.u32 s7, s24  }
0x1a3: {  	[tilespmem:s26+$0x0] =	vst v3;
	v3 =	vld.idx.msk [tilespmem:v8+s15+$0x0], $0xffff  }
0x1a4: {  	s24 =	sor.u32 s20, s25;
	v11 =	vadd.s32 $0x5, v1;
	[tilespmem:s17+$0x180] =	vst v6;
	v6 =	vld [tilespmem:s22+$0x800]  }
0x1a5: {  	[tilespmem:s24+$0x0] =	vst v2;
	v8 =	vld.idx.msk [tilespmem:v12+s15+$0x0], $0xffff  }
0x1a6: {  	v12 =	vld [tilespmem:s9+$0xA00]  }
0x1a7: {  	s18 =	sadd.s32 $0x4600, s28;
	v13 =	vadd.s32 $0x5, v0;
	v2 =	vmul.u32 $0xA, v5;
	v5 =	vld.idx.msk [tilespmem:v10+s15+$0x0], $0xffff  }
0x1a8: {  	s25 =	sor.u32 s29, s18;
	[tilespmem:s12+$0x200] =	vst v9  }
0x1a9: {  	v10 =	vld.idx.msk [tilespmem:v11+s15+$0x0], $0xffff;
	[tilespmem:s25+$0x0] =	vst v3;
	v3 =	vadd.s32 $0x260, v7;
	v6 =	vshll.u32 v6, $0x1  }
0x1aa: {  	s24 =	sadd.s32 $0x4680, s6;
	v9 =	vld [tilespmem:s2+$0x200];
	v11 =	vadd.s32 $0x259, v6  }
0x1ab: {  	s26 =	sor.u32 s8, s24;
	[tilespmem:s17+$0x200] =	vst v8;
	v8 =	vadd.s32 $0x6, v1;
	v12 =	vshll.u32 v12, $0x1  }
0x1ac: {  	[tilespmem:s26+$0x0] =	vst v5;
	v5 =	vld.idx.msk [tilespmem:v13+s15+$0x0], $0xffff;
	v13 =	vadd.s32 $0x25F, v12  }
0x1ad: {  	v7 =	vadd.s32 $0x271, v2  }
0x1ae: {  	v14 =	vadd.s32 $0x6, v0;
	v3 =	vld.idx.msk [tilespmem:v3+s15+$0x0], $0xffff  }
0x1af: {  	s25 =	simm.s32 $0x6;
	[tilespmem:s12+$0x280] =	vst v10;
	v9 =	vshll.u32 v9, $0x1;
	v10 =	vld.idx.msk [tilespmem:v11+s15+$0x0], $0xffff  }
0x1b0: {  	s12 =	sand.u32 $0x7, s25;
	v11 =	vadd.s32 $0x25F, v9;
	v8 =	vld.idx.msk [tilespmem:v8+s15+$0x0], $0xffff  }
0x1b1: {  	v6 =	vadd.s32 $0x25A, v6;
	s25 =	sadd.s32 $0x4700, s6;
	s12 =	sshll.u32 s12, $0x4;
	v13 =	vld.idx.msk [tilespmem:v13+s15+$0x0], $0xffff  }
0x1b2: {  	v7 =	vld.idx.msk [tilespmem:v7+s15+$0x0], $0xffff;
	s26 =	sor.u32 s8, s25;
	s12 =	sadd.s32 $0x300, s12;
	[tilespmem:s17+$0x280] =	vst v5;
	v5 =	vadd.s32 $0x7, v1  }
0x1b3: {  	s23 =	sor.u32 s7, s23;
	v12 =	vadd.s32 $0x260, v12;
	s12 =	sadd.s32 $0x10, s12;
	[tilespmem:s26+$0x0] =	vst v3;
	v3 =	vld.idx.msk [tilespmem:v14+s15+$0x0], $0xffff;
	s26 =	simm.s32 $0x3  }
0x1b4: {  	s12 =	sor.u32 $0x300, s12;
	v14 =	vadd.s32 $0x7, v0;
	s17 =	sand.u32 $0x3, s26;
	v15 =	vld [tilespmem:s3+$0x400];
	[tilespmem:s23+$0x0] =	vst v10  }
0x1b5: {  	s17 =	sshll.u32 s17, $0x5;
	v10 =	vadd.s32 $0x272, v2;
	v11 =	vld.idx.msk [tilespmem:v11+s15+$0x0], $0xffff;
	[tilespmem:s12+$0x1580] =	vst v8;
	s23 =	sor.u32 s20, s24  }
0x1b6: {  	s10 =	smov.u32 s7;
	s26 =	sadd.s32 $0x5580, s19;
	v8 =	vadd.s32 $0x260, v9;
	s7 =	sadd.s32 $0x300, s17;
	v6 =	vld.idx.msk [tilespmem:v6+s15+$0x0], $0xffff;
	[tilespmem:s23+$0x0] =	vst v13  }
0x1b7: {  	s24 =	sor.u32 $0x300, s7;
	v5 =	vld.idx.msk [tilespmem:v5+s15+$0x0], $0xffff;
	[smem:$0x7ED] =	sst s26  }
0x1b8: {  	s12 =	sor.u32 s21, s26;
	s17 =	sadd.s32 $0x4680, s28;
	[tilespmem:s24+$0x1580] =	vst v3;
	v3 =	vadd.s32 $0x8, v1;
	v9 =	vld.idx.msk [tilespmem:v12+s15+$0x0], $0xffff  }
0x1b9: {  	[tilespmem:s12+$0x0] =	vst v7;
	s24 =	sor.u32 s29, s17;
	v7 =	vld.idx.msk [tilespmem:v14+s15+$0x0], $0xffff  }
0x1ba: {  	v4 =	vshll.u32 v4, $0x1;
	s16 =	sor.u32 s16, s14;
	s18 =	sor.u32 s10, s18;
	[tilespmem:s24+$0x0] =	vst v11;
	v11 =	vadd.s32 $0x8, v0;
	v10 =	vld.idx.msk [tilespmem:v10+s15+$0x0], $0xffff  }
0x1bb: {  	s16 =	sor.u32 $0x380, s16;
	[tilespmem:s18+$0x0] =	vst v6;
	v6 =	vadd.s32 $0x26B, v4;
	v8 =	vld.idx.msk [tilespmem:v8+s15+$0x0], $0xffff  }
0x1bc: {  	s14 =	sor.u32 s11, s14;
	s25 =	sor.u32 s20, s25;
	v12 =	vshll.u32 v15, $0x1;
	[tilespmem:s16+$0x1580] =	vst v5;
	v5 =	vld [tilespmem:s22+$0xA00]  }
0x1bd: {  	s14 =	sor.u32 $0x380, s14;
	v13 =	vadd.s32 $0x265, v12;
	v3 =	vld.idx.msk [tilespmem:v3+s15+$0x0], $0xffff;
	[tilespmem:s25+$0x0] =	vst v9  }
0x1be: {  	s16 =	sadd.s32 $0x4700, s28;
	v9 =	vadd.s32 $0x273, v2;
	[tilespmem:s14+$0x1580] =	vst v7;
	v7 =	vld [tilespmem:s9+$0xC00]  }
0x1bf: {  	v14 =	vadd.s32 $0x9, v1;
	s26 =	sor.u32 s29, s16;
	s14 =	sadd.s32 $0x5600, s19;
	v11 =	vld.idx.msk [tilespmem:v11+s15+$0x0], $0xffff  }
0x1c0: {  	v15 =	vadd.s32 $0x9, v0;
	s12 =	sadd.s32 $0x2580, s5;
	v6 =	vld.idx.msk [tilespmem:v6+s15+$0x0], $0xffff;
	[tilespmem:s26+$0x0] =	vst v8;
	s7 =	sor.u32 s21, s14  }
0x1c1: {  	s24 =	sor.u32 s1, s12;
	v4 =	vadd.s32 $0x26C, v4;
	v5 =	vshll.u32 v5, $0x1;
	v8 =	vld [tilespmem:s2+$0x400];
	[tilespmem:s7+$0x0] =	vst v10  }
0x1c2: {  	v10 =	vld.idx.msk [tilespmem:v13+s15+$0x0], $0xffff;
	v13 =	vadd.s32 $0x25F, v5;
	[tilespmem:s24+$0x0] =	vst v3  }
0x1c3: {  	s25 =	sor.u32 s30, s12;
	v3 =	vld.idx.msk [tilespmem:v9+s15+$0x0], $0xffff;
	v9 =	vadd.s32 $0x266, v12;
	v7 =	vshll.u32 v7, $0x1;
	[smem:$0x7EC] =	sst s31  }
0x1c4: {  	s13 =	sor.u32 s31, s13;
	v12 =	vld.idx.msk [tilespmem:v14+s15+$0x0], $0xffff;
	[tilespmem:s25+$0x0] =	vst v11;
	v11 =	vadd.s32 $0x265, v7  }
0x1c5: {  	s26 =	sadd.s32 $0x4780, s6;
	[tilespmem:s13+$0x0] =	vst v6;
	v14 =	vadd.s32 $0xA, v1;
	v6 =	vld.idx.msk [tilespmem:v15+s15+$0x0], $0xffff  }
0x1c6: {  	s7 =	sor.u32 s8, s26;
	v15 =	vadd.s32 $0xA, v0;
	v4 =	vld.idx.msk [tilespmem:v4+s15+$0x0], $0xffff;
	v8 =	vshll.u32 v8, $0x1  }
0x1c7: {  	s12 =	sadd.s32 $0x2600, s5;
	[tilespmem:s7+$0x0] =	vst v10;
	v10 =	vld.idx.msk [tilespmem:v13+s15+$0x0], $0xffff;
	v13 =	vadd.s32 $0x265, v8  }
0x1c8: {  	v5 =	vadd.s32 $0x260, v5;
	s24 =	sor.u32 s1, s12;
	v9 =	vld.idx.msk [tilespmem:v9+s15+$0x0], $0xffff  }
0x1c9: {  	s18 =	sor.u32 s30, s12;
	[tilespmem:s24+$0x0] =	vst v12;
	v11 =	vld.idx.msk [tilespmem:v11+s15+$0x0], $0xffff  }
0x1ca: {  	v12 =	vld.idx.msk [tilespmem:v14+s15+$0x0], $0xffff;
	[tilespmem:s18+$0x0] =	vst v6;
	v6 =	vadd.s32 $0x266, v7  }
0x1cb: {  	s17 =	sor.u32 s10, s17;
	s18 =	sadd.s32 $0x4800, s6;
	v14 =	vadd.s32 $0xB, v1;
	v7 =	vld.idx.msk [tilespmem:v15+s15+$0x0], $0xffff  }
0x1cc: {  	v15 =	vadd.s32 $0x274, v2;
	[tilespmem:s17+$0x0] =	vst v10;
	s25 =	sor.u32 s8, s18;
	v10 =	vld.idx.msk [tilespmem:v13+s15+$0x0], $0xffff  }
0x1cd: {  	s13 =	sor.u32 s20, s26;
	v8 =	vadd.s32 $0x266, v8;
	s17 =	sadd.s32 $0x2680, s5;
	[tilespmem:s25+$0x0] =	vst v9;
	v5 =	vld.idx.msk [tilespmem:v5+s15+$0x0], $0xffff  }
0x1ce: {  	s23 =	sadd.s32 $0x5680, s19;
	s26 =	sor.u32 s1, s17;
	v9 =	vld [tilespmem:s3+$0x600];
	[tilespmem:s13+$0x0] =	vst v11  }
0x1cf: {  	s7 =	sor.u32 s21, s23;
	v11 =	vadd.s32 $0xB, v0;
	s13 =	sadd.s32 $0x4780, s28;
	[tilespmem:s26+$0x0] =	vst v12;
	v6 =	vld.idx.msk [tilespmem:v6+s15+$0x0], $0xffff  }
0x1d0: {  	[tilespmem:s7+$0x0] =	vst v3;
	s12 =	sor.u32 s29, s13;
	v3 =	vld.idx.msk [tilespmem:v14+s15+$0x0], $0xffff  }
0x1d1: {  	s16 =	sor.u32 s10, s16;
	v12 =	vadd.s32 $0xC, v1;
	[tilespmem:s12+$0x0] =	vst v10;
	v10 =	vld.idx.msk [tilespmem:v15+s15+$0x0], $0xffff  }
0x1d2: {  	s26 =	sor.u32 s30, s17;
	[tilespmem:s16+$0x0] =	vst v5;
	v8 =	vld.idx.msk [tilespmem:v8+s15+$0x0], $0xffff  }
0x1d3: {  	s7 =	sor.u32 s20, s18;
	[tilespmem:s26+$0x0] =	vst v7;
	s12 =	sadd.s32 $0x2700, s5;
	v7 =	vshll.u32 v9, $0x1;
	v9 =	vld [tilespmem:s22+$0xC00]  }
0x1d4: {  	s17 =	sor.u32 s1, s12;
	v11 =	vld.idx.msk [tilespmem:v11+s15+$0x0], $0xffff;
	v13 =	vadd.s32 $0x26B, v7;
	[tilespmem:s7+$0x0] =	vst v6  }
0x1d5: {  	s0 =	sor.u32 s31, s0;
	s16 =	sadd.s32 $0x4800, s28;
	[tilespmem:s17+$0x0] =	vst v3;
	v3 =	vld [tilespmem:s9+$0xE00]  }
0x1d6: {  	[tilespmem:s0+$0x0] =	vst v4;
	s24 =	sor.u32 s29, s16;
	v6 =	vadd.s32 $0xC, v0;
	v4 =	vld.idx.msk [tilespmem:v12+s15+$0x0], $0xffff  }
0x1d7: {  	v5 =	vld [tilespmem:s4+$0x1000];
	v12 =	vadd.s32 $0xD, v1;
	[tilespmem:s24+$0x0] =	vst v8  }
0x1d8: {  	v8 =	vld [tilespmem:s2+$0x600];
	v9 =	vshll.u32 v9, $0x1  }
0x1d9: {  	s26 =	simm.s32 $0x890;
	s4 =	sor.u32 s30, s12;
	s12 =	sadd.s32 $0x2780, s5;
	v13 =	vld.idx.msk [tilespmem:v13+s15+$0x0], $0xffff;
	v14 =	vadd.s32 $0x265, v9  }
0x1da: {  	v15 =	vld [tilespmem:s26+$0xFFFFF800];
	v7 =	vadd.s32 $0x26C, v7;
	s17 =	sor.u32 s1, s12;
	[tilespmem:s4+$0x0] =	vst v11;
	v11 =	vshll.u32 v3, $0x1  }
0x1db: {  	v3 =	vld.idx.msk [tilespmem:v6+s15+$0x0], $0xffff;
	[tilespmem:s17+$0x0] =	vst v4;
	v4 =	vadd.s32 $0x26B, v11  }
0x1dc: {  	s18 =	sadd.s32 $0x4880, s6;
	v6 =	vadd.s32 $0xD, v0;
	v12 =	vld.idx.msk [tilespmem:v12+s15+$0x0], $0xffff  }
0x1dd: {  	v17 =	vadd.s32 $0xE, v1;
	v16 =	vld [tilespmem:s26+$0xFFFFF7F0];
	s24 =	sor.u32 s8, s18;
	v8 =	vshll.u32 v8, $0x1  }
0x1de: {  	[tilespmem:s24+$0x0] =	vst v13;
	v13 =	vadd.s32 $0x26B, v8;
	v14 =	vld.idx.msk [tilespmem:v14+s15+$0x0], $0xffff  }
0x1df: {  	s4 =	sor.u32 s30, s12;
	v9 =	vadd.s32 $0x266, v9;
	s17 =	sadd.s32 $0x2800, s5;
	v7 =	vld.idx.msk [tilespmem:v7+s15+$0x0], $0xffff  }
0x1e0: {  	s26 =	sor.u32 s1, s17;
	[tilespmem:s4+$0x0] =	vst v3;
	v4 =	vld.idx.msk [tilespmem:v4+s15+$0x0], $0xffff  }
0x1e1: {  	v11 =	vadd.s32 $0x26C, v11;
	v3 =	vmul.u32 $0x11, v15;
	v6 =	vld.idx.msk [tilespmem:v6+s15+$0x0], $0xffff;
	[tilespmem:s26+$0x0] =	vst v12  }
0x1e2: {  	s7 =	sor.u32 s10, s13;
	s13 =	sadd.s32 $0x4900, s6;
	v12 =	vld.idx.msk [tilespmem:v17+s15+$0x0], $0xffff  }
0x1e3: {  	s12 =	sor.u32 s8, s13;
	[tilespmem:s7+$0x0] =	vst v14;
	v14 =	vadd.s32 $0xF, v1;
	v13 =	vld.idx.msk [tilespmem:v13+s15+$0x0], $0xffff  }
0x1e4: {  	s0 =	sor.u32 s20, s18;
	[tilespmem:s12+$0x0] =	vst v7;
	v7 =	vadd.s32 $0x26C, v8;
	v8 =	vld.idx.msk [tilespmem:v9+s15+$0x0], $0xffff  }
0x1e5: {  	s4 =	sadd.s32 $0x2880, s5;
	v9 =	vld [tilespmem:s3+$0x800];
	[tilespmem:s0+$0x0] =	vst v4  }
0x1e6: {  	v15 =	vadd.s32 $0xE, v0;
	s18 =	sor.u32 s1, s4;
	s0 =	sadd.s32 $0x4880, s28;
	v4 =	vmul.u32 $0x11, v16;
	v11 =	vld.idx.msk [tilespmem:v11+s15+$0x0], $0xffff  }
0x1e7: {  	s24 =	sor.u32 s29, s0;
	[tilespmem:s18+$0x0] =	vst v12;
	v12 =	vld.idx.msk [tilespmem:v3+s15+$0x0], $0xffff  }
0x1e8: {  	s26 =	sor.u32 s10, s16;
	[tilespmem:s24+$0x0] =	vst v13;
	v13 =	vld.idx.msk [tilespmem:v14+s15+$0x0], $0xffff  }
0x1e9: {  	s7 =	sor.u32 s30, s17;
	v1 =	vadd.s32 $0x10, v1;
	v14 =	vld.idx.msk [tilespmem:v7+s15+$0x0], $0xffff;
	[tilespmem:s26+$0x0] =	vst v8  }
0x1ea: {  	s16 =	simm.s32 $0x90;
	[tilespmem:s7+$0x0] =	vst v6;
	v6 =	vld [tilespmem:s22+$0xE00]  }
0x1eb: {  	s12 =	sor.u32 s20, s13;
	s13 =	simm.s32 $0x400;
	v16 =	vadd.s32 $0x1, v3;
	v15 =	vld.idx.msk [tilespmem:v15+s15+$0x0], $0xffff;
	s24 =	sadd.s32 $0x2900, s5  }
0x1ec: {  	s3 =	sadd.s32 $0x4900, s28;
	s7 =	sand.u32 $0xC00, s13;
	s17 =	sor.u32 s1, s24;
	[tilespmem:s12+$0x0] =	vst v11;
	v11 =	vadd.s32 $0xF, v0;
	v17 =	vld.idx.msk [tilespmem:v4+s15+$0x0], $0xffff  }
0x1ed: {  	s31 =	sand.u32 $0x70, s16;
	s26 =	sor.u32 s29, s3;
	v7 =	vld [tilespmem:s9+$0x1000];
	s9 =	sadd.s32 $0x1580, s7;
	[tilespmem:s17+$0x0] =	vst v13;
	v13 =	vadd.s32 $0x275, v2  }
0x1ee: {  	s25 =	smov.u32 s28;
	[tilespmem:s26+$0x0] =	vst v14;
	v14 =	vadd.s32 $0x1, v4;
	s28 =	sor.u32 s31, s9;
	v1 =	vld.idx.msk [tilespmem:v1+s15+$0x0], $0xffff  }
0x1ef: {  	s4 =	sor.u32 s30, s4;
	s16 =	sadd.s32 $0x5700, s19;
	s12 =	simm.s32 $0x80;
	v8 =	vld [tilespmem:s2+$0x800];
	[tilespmem:s28+$0x0] =	vst v12;
	v12 =	vshll.u32 v6, $0x1  }
0x1f0: {  	[tilespmem:s4+$0x0] =	vst v15;
	s17 =	sor.u32 s21, s16;
	s26 =	sand.u32 $0x60, s12;
	v15 =	vld.idx.msk [tilespmem:v16+s15+$0x0], $0xffff;
	v16 =	vadd.s32 $0x26B, v12  }
0x1f1: {  	s4 =	sadd.s32 $0x3580, s5;
	[tilespmem:s17+$0x0] =	vst v10;
	s9 =	sor.u32 s26, s9;
	v10 =	vadd.s32 $0x2, v3;
	v11 =	vld.idx.msk [tilespmem:v11+s15+$0x0], $0xffff  }
0x1f2: {  	v0 =	vadd.s32 $0x10, v0;
	s12 =	sor.u32 s1, s4;
	v6 =	vmul.u32 $0xA, v9;
	[tilespmem:s9+$0x0] =	vst v17;
	v13 =	vld.idx.msk [tilespmem:v13+s15+$0x0], $0xffff  }
0x1f3: {  	s18 =	simm.s32 $0x870;
	v9 =	vld.idx.msk [tilespmem:v14+s15+$0x0], $0xffff;
	[tilespmem:s12+$0x0] =	vst v1;
	v1 =	vadd.s32 $0x276, v2  }
0x1f4: {  	v14 =	vadd.s32 $0x271, v6;
	v17 =	vld [tilespmem:s18+$0xFFFFFA00]  }
0x1f5: {  	v18 =	vadd.s32 $0x2, v4;
	s24 =	sor.u32 s30, s24;
	s2 =	sadd.s32 $0x5780, s19;
	[tilespmem:s28+$0x80] =	vst v15;
	v15 =	vld.idx.msk [tilespmem:v16+s15+$0x0], $0xffff  }
0x1f6: {  	s17 =	sor.u32 s21, s2;
	[tilespmem:s24+$0x0] =	vst v11;
	v10 =	vld.idx.msk [tilespmem:v10+s15+$0x0], $0xffff;
	v11 =	vadd.s32 $0x26C, v12  }
0x1f7: {  	v12 =	vadd.s32 $0x3, v3;
	v0 =	vld.idx.msk [tilespmem:v0+s15+$0x0], $0xffff;
	[tilespmem:s17+$0x0] =	vst v13  }
0x1f8: {  	[tilespmem:s9+$0x80] =	vst v9;
	v1 =	vld.idx.msk [tilespmem:v1+s15+$0x0], $0xffff  }
0x1f9: {  	s0 =	sor.u32 s10, s0;
	v13 =	vadd.s32 $0x277, v2;
	v14 =	vld.idx.msk [tilespmem:v14+s15+$0x0], $0xffff;
	[smem:$0x7F3] =	sst s10  }
0x1fa: {  	[tilespmem:s0+$0x0] =	vst v15;
	v9 =	vld.idx.msk [tilespmem:v18+s15+$0x0], $0xffff;
	v15 =	vadd.s32 $0x231, v17  }
0x1fb: {  	s4 =	sor.u32 s30, s4;
	v16 =	vadd.s32 $0x3, v4;
	s17 =	sadd.s32 $0x5800, s19;
	[tilespmem:s28+$0x100] =	vst v10;
	v10 =	vld.idx.msk [tilespmem:v11+s15+$0x0], $0xffff  }
0x1fc: {  	s24 =	sand.u32 $0x1E0, s11;
	s18 =	sor.u32 s21, s17;
	[tilespmem:s4+$0x0] =	vst v0;
	v0 =	vld.idx.msk [tilespmem:v12+s15+$0x0], $0xffff  }
0x1fd: {  	v11 =	vadd.s32 $0x4, v3;
	v12 =	vld [tilespmem:s24+$0x200];
	[tilespmem:s18+$0x0] =	vst v1  }
0x1fe: {  	v17 =	vadd.s32 $0x272, v6;
	v13 =	vld.idx.msk [tilespmem:v13+s15+$0x0], $0xffff  }
0x1ff: {  	s3 =	sor.u32 s10, s3;
	[tilespmem:s9+$0x100] =	vst v9;
	v9 =	vld.idx.msk [tilespmem:v15+s15+$0x0], $0xffff  }
0x200: {  	s11 =	sadd.s32 $0x5580, s6;
	v18 =	vadd.s32 $0x278, v2;
	[tilespmem:s3+$0x0] =	vst v10;
	v10 =	vld.idx.msk [tilespmem:v16+s15+$0x0], $0xffff  }
0x201: {  	v1 =	vld [tilespmem:s22+$0x1000];
	[tilespmem:s28+$0x180] =	vst v0;
	s22 =	sor.u32 s8, s11  }
0x202: {  	s18 =	sadd.s32 $0x5880, s19;
	v15 =	vadd.s32 $0x4, v4;
	[tilespmem:s22+$0x0] =	vst v14;
	v11 =	vld.idx.msk [tilespmem:v11+s15+$0x0], $0xffff  }
0x203: {  	s10 =	sadd.s32 $0x3600, s5;
	s0 =	sor.u32 s21, s18;
	v0 =	vmul.u32 $0xA, v5;
	v12 =	vadd.s32 $0x231, v12;
	v5 =	vld.idx.msk [tilespmem:v17+s15+$0x0], $0xffff  }
0x204: {  	s4 =	sor.u32 s1, s10;
	[tilespmem:s0+$0x0] =	vst v13;
	v13 =	vadd.s32 $0x5, v3  }
0x205: {  	s12 =	simm.s32 $0x870;
	v14 =	vadd.s32 $0x273, v6;
	[tilespmem:s4+$0x0] =	vst v9;
	v9 =	vld.idx.msk [tilespmem:v18+s15+$0x0], $0xffff  }
0x206: {  	s4 =	sadd.s32 $0x5600, s6;
	[tilespmem:s9+$0x180] =	vst v10;
	v10 =	vld [tilespmem:s12+$0xFFFFFC00]  }
0x207: {  	s12 =	sor.u32 s8, s4;
	v15 =	vld.idx.msk [tilespmem:v15+s15+$0x0], $0xffff;
	[tilespmem:s28+$0x200] =	vst v11  }
0x208: {  	s22 =	sadd.s32 $0x5900, s19;
	v16 =	vadd.s32 $0x271, v0;
	v12 =	vld.idx.msk [tilespmem:v12+s15+$0x0], $0xffff;
	[tilespmem:s12+$0x0] =	vst v5  }
0x209: {  	v17 =	vadd.s32 $0x279, v2;
	v5 =	vld.idx.msk [tilespmem:v13+s15+$0x0], $0xffff;
	[smem:$0x7EF] =	sst s22  }
0x20a: {  	s0 =	sor.u32 s21, s22;
	v18 =	vadd.s32 $0x5, v4;
	v11 =	vld.idx.msk [tilespmem:v14+s15+$0x0], $0xffff  }
0x20b: {  	[tilespmem:s0+$0x0] =	vst v9  }
0x20c: {  	s10 =	sor.u32 s30, s10;
	[tilespmem:s9+$0x200] =	vst v15  }
0x20d: {  	s3 =	sadd.s32 $0x5680, s6;
	v9 =	vld.idx.msk [tilespmem:v16+s15+$0x0], $0xffff;
	[tilespmem:s10+$0x0] =	vst v12  }
0x20e: {  	s12 =	sor.u32 s8, s3;
	v16 =	vld.idx.msk [tilespmem:v17+s15+$0x0], $0xffff;
	[tilespmem:s28+$0x280] =	vst v5  }
0x20f: {  	v13 =	vadd.s32 $0x6, v3;
	v17 =	vld.idx.msk [tilespmem:v18+s15+$0x0], $0xffff;
	[tilespmem:s12+$0x0] =	vst v11  }
0x210: {  	v14 =	vadd.s32 $0x274, v6;
	v10 =	vshll.u32 v10, $0x2;
	s0 =	smov.u32 s24;
	v18 =	vld [tilespmem:s24+$0x400];
	s24 =	sld [smem:$0x7EC]  }
0x211: {  	v15 =	vadd.s32 $0x233, v10;
	s22 =	sld [smem:$0x7ED]  }
0x212: {  	v12 =	vadd.s32 $0x272, v0  }
0x213: {  	v5 =	vadd.s32 $0x6, v4;
	s28 =	simm.s32 $0x8  }
0x214: {  	v2 =	vadd.s32 $0x27A, v2;
	v11 =	vld.idx.msk [tilespmem:v13+s15+$0x0], $0xffff;
	s10 =	sand.u32 $0x7, s28;
	s12 =	sor.u32 s24, s22  }
0x215: {  	v13 =	vld.idx.msk [tilespmem:v14+s15+$0x0], $0xffff;
	s10 =	sshll.u32 s10, $0x4;
	v14 =	vadd.s32 $0x7, v3;
	s22 =	sadd.s32 $0x6580, s19;
	[tilespmem:s12+$0x0] =	vst v9  }
0x216: {  	v15 =	vld.idx.msk [tilespmem:v15+s15+$0x0], $0xffff;
	s10 =	sadd.s32 $0x400, s10;
	v9 =	vadd.s32 $0x275, v6;
	[smem:$0x7F0] =	sst s22  }
0x217: {  	s22 =	sor.u32 s21, s22;
	[tilespmem:s9+$0x280] =	vst v17;
	v12 =	vld.idx.msk [tilespmem:v12+s15+$0x0], $0xffff;
	s9 =	sadd.s32 $0x10, s10;
	v17 =	vadd.s32 $0x234, v10  }
0x218: {  	[tilespmem:s22+$0x0] =	vst v16;
	v16 =	vadd.s32 $0x273, v0;
	s22 =	simm.s32 $0x4;
	v19 =	vld.idx.msk [tilespmem:v5+s15+$0x0], $0xffff;
	s12 =	sor.u32 $0x300, s9;
	s9 =	sadd.s32 $0x5700, s6  }
0x219: {  	s28 =	sadd.s32 $0x3680, s5;
	v5 =	vld.idx.msk [tilespmem:v2+s15+$0x0], $0xffff;
	v2 =	vadd.s32 $0x7, v4;
	s10 =	sand.u32 $0x3, s22;
	[tilespmem:s12+$0x1580] =	vst v11;
	v11 =	vshll.u32 v18, $0x2;
	s22 =	sor.u32 s8, s9  }
0x21a: {  	s10 =	sshll.u32 s10, $0x5;
	[tilespmem:s22+$0x0] =	vst v13;
	v13 =	vadd.s32 $0x233, v11;
	v14 =	vld.idx.msk [tilespmem:v14+s15+$0x0], $0xffff;
	s22 =	sor.u32 s1, s28  }
0x21b: {  	s10 =	sadd.s32 $0x400, s10;
	[tilespmem:s22+$0x0] =	vst v15;
	s22 =	sor.u32 s24, s14;
	v9 =	vld.idx.msk [tilespmem:v9+s15+$0x0], $0xffff  }
0x21c: {  	s12 =	simm.s32 $0x90;
	v15 =	vadd.s32 $0x8, v3;
	s10 =	sor.u32 $0x300, s10;
	[tilespmem:s22+$0x0] =	vst v12;
	v17 =	vld.idx.msk [tilespmem:v17+s15+$0x0], $0xffff  }
0x21d: {  	s14 =	sadd.s32 $0x5780, s6;
	v12 =	vadd.s32 $0x276, v6;
	[tilespmem:s10+$0x1580] =	vst v19;
	v16 =	vld.idx.msk [tilespmem:v16+s15+$0x0], $0xffff;
	s10 =	sor.u32 s12, s13  }
0x21e: {  	v18 =	vadd.s32 $0x235, v10;
	v2 =	vld.idx.msk [tilespmem:v2+s15+$0x0], $0xffff;
	s10 =	sor.u32 $0x380, s10;
	[smem:$0x7EE] =	sst s14  }
0x21f: {  	s22 =	sor.u32 s8, s14;
	v19 =	vadd.s32 $0x274, v0;
	s12 =	sadd.s32 $0x3700, s5;
	[tilespmem:s10+$0x1580] =	vst v14;
	v13 =	vld.idx.msk [tilespmem:v13+s15+$0x0], $0xffff  }
0x220: {  	s14 =	sor.u32 s1, s12;
	v14 =	vadd.s32 $0x8, v4;
	[tilespmem:s22+$0x0] =	vst v9;
	s22 =	sor.u32 s24, s23;
	s23 =	simm.s32 $0x80  }
0x221: {  	v9 =	vadd.s32 $0x234, v11;
	v15 =	vld.idx.msk [tilespmem:v15+s15+$0x0], $0xffff;
	[tilespmem:s14+$0x0] =	vst v17;
	s13 =	sor.u32 s23, s13  }
0x222: {  	v12 =	vld.idx.msk [tilespmem:v12+s15+$0x0], $0xffff;
	[tilespmem:s22+$0x0] =	vst v16;
	s14 =	sor.u32 $0x380, s13  }
0x223: {  	v17 =	vadd.s32 $0x9, v3;
	v18 =	vld.idx.msk [tilespmem:v18+s15+$0x0], $0xffff;
	s22 =	sor.u32 s30, s28;
	[tilespmem:s14+$0x1580] =	vst v2  }
0x224: {  	s23 =	sadd.s32 $0x5800, s6;
	v16 =	vadd.s32 $0x277, v6;
	s13 =	sadd.s32 $0x2580, s7;
	v2 =	vld.idx.msk [tilespmem:v19+s15+$0x0], $0xffff;
	[tilespmem:s22+$0x0] =	vst v13  }
0x225: {  	v10 =	vadd.s32 $0x236, v10;
	v14 =	vld.idx.msk [tilespmem:v14+s15+$0x0], $0xffff;
	s22 =	sor.u32 s31, s13;
	[smem:$0x7F1] =	sst s23  }
0x226: {  	s14 =	sadd.s32 $0x3780, s5;
	v13 =	vadd.s32 $0x275, v0;
	s23 =	sor.u32 s8, s23;
	[tilespmem:s22+$0x0] =	vst v15;
	v9 =	vld.idx.msk [tilespmem:v9+s15+$0x0], $0xffff  }
0x227: {  	v15 =	vadd.s32 $0x9, v4;
	[tilespmem:s23+$0x0] =	vst v12;
	s22 =	sor.u32 s1, s14  }
0x228: {  	v12 =	vadd.s32 $0x235, v11;
	s23 =	sor.u32 s24, s16;
	v17 =	vld.idx.msk [tilespmem:v17+s15+$0x0], $0xffff;
	[tilespmem:s22+$0x0] =	vst v18  }
0x229: {  	s16 =	sor.u32 s26, s13;
	v16 =	vld.idx.msk [tilespmem:v16+s15+$0x0], $0xffff;
	v18 =	vadd.s32 $0xA, v3;
	[tilespmem:s23+$0x0] =	vst v2  }
0x22a: {  	s22 =	sor.u32 s30, s12;
	v10 =	vld.idx.msk [tilespmem:v10+s15+$0x0], $0xffff;
	[tilespmem:s16+$0x0] =	vst v14  }
0x22b: {  	s12 =	sadd.s32 $0x2600, s7;
	v2 =	vmul.u32 $0xA, v7;
	v7 =	vadd.s32 $0x278, v6;
	s23 =	sadd.s32 $0x5880, s6;
	v13 =	vld.idx.msk [tilespmem:v13+s15+$0x0], $0xffff;
	[tilespmem:s22+$0x0] =	vst v9  }
0x22c: {  	s16 =	sor.u32 s31, s12;
	v14 =	vld.idx.msk [tilespmem:v15+s15+$0x0], $0xffff;
	[smem:$0x7F2] =	sst s23  }
0x22d: {  	v9 =	vadd.s32 $0x271, v2;
	s22 =	sor.u32 s8, s23;
	[tilespmem:s16+$0x0] =	vst v17;
	v12 =	vld.idx.msk [tilespmem:v12+s15+$0x0], $0xffff  }
0x22e: {  	s13 =	sadd.s32 $0x3800, s5;
	v15 =	vadd.s32 $0xA, v4;
	[tilespmem:s22+$0x0] =	vst v16;
	v16 =	vld.idx.msk [tilespmem:v18+s15+$0x0], $0xffff  }
0x22f: {  	v11 =	vadd.s32 $0x236, v11;
	s23 =	sor.u32 s1, s13  }
0x230: {  	s12 =	sor.u32 s26, s12;
	[tilespmem:s23+$0x0] =	vst v10;
	v10 =	vadd.s32 $0xB, v3;
	s16 =	simm.s32 $0x870;
	v7 =	vld.idx.msk [tilespmem:v7+s15+$0x0], $0xffff  }
0x231: {  	v17 =	vadd.s32 $0x276, v0;
	s23 =	sor.u32 s30, s14;
	v18 =	vld [tilespmem:s16+$0xFFFFFE00];
	[tilespmem:s12+$0x0] =	vst v14;
	s12 =	sadd.s32 $0x2680, s7  }
0x232: {  	v9 =	vld.idx.msk [tilespmem:v9+s15+$0x0], $0xffff;
	v14 =	vadd.s32 $0x279, v6;
	s14 =	sor.u32 s31, s12;
	[tilespmem:s23+$0x0] =	vst v12  }
0x233: {  	v15 =	vld.idx.msk [tilespmem:v15+s15+$0x0], $0xffff;
	v12 =	vadd.s32 $0x272, v2;
	s23 =	sadd.s32 $0x5900, s6;
	[tilespmem:s14+$0x0] =	vst v16  }
0x234: {  	s2 =	sor.u32 s24, s2;
	v16 =	vadd.s32 $0xB, v4;
	v11 =	vld.idx.msk [tilespmem:v11+s15+$0x0], $0xffff;
	[smem:$0x7F5] =	sst s23  }
0x235: {  	s10 =	sor.u32 s8, s23;
	[tilespmem:s2+$0x0] =	vst v13;
	v10 =	vld.idx.msk [tilespmem:v10+s15+$0x0], $0xffff  }
0x236: {  	s11 =	sor.u32 s20, s11;
	[tilespmem:s10+$0x0] =	vst v7;
	v7 =	vld.idx.msk [tilespmem:v17+s15+$0x0], $0xffff  }
0x237: {  	s12 =	sor.u32 s26, s12;
	v13 =	vadd.s32 $0xC, v3;
	[tilespmem:s11+$0x0] =	vst v9;
	v17 =	vshll.u32 v18, $0x1;
	v9 =	vld.idx.msk [tilespmem:v14+s15+$0x0], $0xffff  }
0x238: {  	s14 =	sor.u32 s30, s13;
	[tilespmem:s12+$0x0] =	vst v15;
	v14 =	vadd.s32 $0x253, v17;
	v12 =	vld.idx.msk [tilespmem:v12+s15+$0x0], $0xffff  }
0x239: {  	s23 =	sadd.s32 $0x2700, s7;
	s12 =	simm.s32 $0x8B0;
	[tilespmem:s14+$0x0] =	vst v11;
	v11 =	vld.idx.msk [tilespmem:v16+s15+$0x0], $0xffff  }
0x23a: {  	s11 =	sor.u32 s31, s23;
	v18 =	vld [tilespmem:s12+$0xFFFFF800]  }
0x23b: {  	v15 =	vld [tilespmem:s0+$0x600];
	[tilespmem:s11+$0x0] =	vst v10  }
0x23c: {  	s13 =	sor.u32 s26, s23;
	s23 =	sadd.s32 $0x6580, s6;
	v10 =	vadd.s32 $0xC, v4;
	v13 =	vld.idx.msk [tilespmem:v13+s15+$0x0], $0xffff  }
0x23d: {  	v6 =	vadd.s32 $0x27A, v6;
	v14 =	vld.idx.msk [tilespmem:v14+s15+$0x0], $0xffff;
	[smem:$0x7F6] =	sst s23  }
0x23e: {  	s10 =	simm.s32 $0x8B0;
	v16 =	vadd.s32 $0xD, v3;
	[tilespmem:s13+$0x0] =	vst v11  }
0x23f: {  	v17 =	vadd.s32 $0x254, v17;
	[dreg:$0x3] =	wrdreg s10  }
0x240: {  	v11 =	vadd.s32 $0x277, v0;
	s13 =	sadd.s32 $0x2780, s7;
	v19 =	vld [tilespmem:s12+$0xFFFFF7F0];
	s12 =	sor.u32 s8, s23  }
0x241: {  	v20 =	vadd.s32 $0x273, v2;
	s11 =	sadd.s32 $0x3880, s5;
	v10 =	vld.idx.msk [tilespmem:v10+s15+$0x0], $0xffff;
	s23 =	sor.u32 s31, s13;
	[tilespmem:s12+$0x0] =	vst v9  }
0x242: {  	s14 =	smov.u32 s0;
	s0 =	sor.u32 s1, s11;
	v15 =	vshll.u32 v15, $0x1;
	[tilespmem:s23+$0x0] =	vst v13;
	v13 =	vadd.s32 $0xD, v4;
	v9 =	vld.idx.msk [tilespmem:v6+s15+$0x0], $0xffff  }
0x243: {  	s2 =	sor.u32 s24, s17;
	[tilespmem:s0+$0x0] =	vst v14;
	v14 =	vadd.s32 $0x253, v15;
	v16 =	vld.idx.msk [tilespmem:v16+s15+$0x0], $0xffff  }
0x244: {  	v21 =	vadd.s32 $0xE, v3;
	s4 =	sor.u32 s20, s4;
	[tilespmem:s2+$0x0] =	vst v7;
	v17 =	vld.idx.msk [tilespmem:v17+s15+$0x0], $0xffff  }
0x245: {  	s10 =	sor.u32 s26, s13;
	[tilespmem:s4+$0x0] =	vst v12;
	v6 =	vmul.u32 $0x11, v18;
	v11 =	vld.idx.msk [tilespmem:v11+s15+$0x0], $0xffff  }
0x246: {  	s12 =	sadd.s32 $0x2800, s7;
	[tilespmem:s10+$0x0] =	vst v10;
	v10 =	vld.idx.msk [tilespmem:v20+s15+$0x0], $0xffff;
	v7 =	vmul.u32 $0x11, v19  }
0x247: {  	s4 =	sadd.s32 $0x3900, s5;
	s13 =	sor.u32 s31, s12;
	v12 =	vld.idx.msk [tilespmem:v13+s15+$0x0], $0xffff  }
0x248: {  	s17 =	sor.u32 s1, s4;
	v13 =	vadd.s32 $0xE, v4;
	[tilespmem:s13+$0x0] =	vst v16;
	v14 =	vld.idx.msk [tilespmem:v14+s15+$0x0], $0xffff  }
0x249: {  	v15 =	vadd.s32 $0x254, v15;
	[tilespmem:s17+$0x0] =	vst v17;
	v16 =	vld.idx.msk [tilespmem:v21+s15+$0x0], $0xffff  }
0x24a: {  	v17 =	vadd.s32 $0x274, v2;
	v18 =	vld [tilespmem:s16+$0x0]  }
0x24b: {  	s22 =	smov.u32 s26;
	s11 =	sor.u32 s30, s11;
	s0 =	sor.u32 s26, s12;
	v20 =	vadd.s32 $0xF, v3;
	v19 =	vld.idx.msk [tilespmem:v6+s15+$0x0], $0xffff  }
0x24c: {  	s23 =	sor.u32 s20, s3;
	s3 =	simm.s32 $0xA0;
	s12 =	simm.s32 $0x500;
	v21 =	vadd.s32 $0x1, v6;
	[tilespmem:s0+$0x0] =	vst v12;
	v12 =	vld.idx.msk [tilespmem:v7+s15+$0x0], $0xffff  }
0x24d: {  	v8 =	vmul.u32 $0xA, v8;
	s26 =	sand.u32 $0xC00, s12;
	s17 =	sadd.s32 $0x2880, s7;
	s16 =	simm.s32 $0xB0;
	[tilespmem:s11+$0x0] =	vst v14;
	v14 =	vadd.s32 $0x1, v7;
	v13 =	vld.idx.msk [tilespmem:v13+s15+$0x0], $0xffff  }
0x24e: {  	s12 =	sor.u32 s31, s17;
	[tilespmem:s23+$0x0] =	vst v10;
	v10 =	vadd.s32 $0xF, v4;
	s23 =	sand.u32 $0x70, s16;
	s11 =	sadd.s32 $0x1580, s26;
	v15 =	vld.idx.msk [tilespmem:v15+s15+$0x0], $0xffff  }
0x24f: {  	s3 =	sand.u32 $0x60, s3;
	[tilespmem:s12+$0x0] =	vst v16;
	v16 =	vld.idx.msk [tilespmem:v17+s15+$0x0], $0xffff;
	s0 =	sor.u32 s23, s11;
	v17 =	vshll.u32 v18, $0x1;
	v18 =	vadd.s32 $0x271, v8  }
0x250: {  	s2 =	sor.u32 s3, s11;
	[tilespmem:s0+$0x0] =	vst v19;
	v19 =	vld.idx.msk [tilespmem:v20+s15+$0x0], $0xffff  }
0x251: {  	s10 =	sor.u32 s22, s17;
	v20 =	vadd.s32 $0x259, v17;
	[tilespmem:s2+$0x0] =	vst v12;
	v12 =	vld.idx.msk [tilespmem:v21+s15+$0x0], $0xffff  }
0x252: {  	v3 =	vadd.s32 $0x10, v3;
	[tilespmem:s10+$0x0] =	vst v13;
	v13 =	vld.idx.msk [tilespmem:v14+s15+$0x0], $0xffff  }
0x253: {  	s4 =	sor.u32 s30, s4;
	s16 =	sadd.s32 $0x2900, s7;
	v14 =	vadd.s32 $0x2, v6;
	v10 =	vld.idx.msk [tilespmem:v10+s15+$0x0], $0xffff  }
0x254: {  	s17 =	sor.u32 s31, s16;
	v21 =	vadd.s32 $0x2, v7;
	[tilespmem:s4+$0x0] =	vst v15;
	v18 =	vld.idx.msk [tilespmem:v18+s15+$0x0], $0xffff  }
0x255: {  	[tilespmem:s17+$0x0] =	vst v19;
	v19 =	vld [tilespmem:s14+$0x800]  }
0x256: {  	v4 =	vadd.s32 $0x10, v4;
	v15 =	vld.idx.msk [tilespmem:v20+s15+$0x0], $0xffff;
	[tilespmem:s0+$0x80] =	vst v12  }
0x257: {  	s11 =	sadd.s32 $0x5580, s25;
	v20 =	vadd.s32 $0x272, v8;
	v3 =	vld.idx.msk [tilespmem:v3+s15+$0x0], $0xffff;
	[tilespmem:s2+$0x80] =	vst v13  }
0x258: {  	s10 =	sor.u32 s22, s16;
	v12 =	vadd.s32 $0x25A, v17;
	v13 =	vld.idx.msk [tilespmem:v14+s15+$0x0], $0xffff;
	[smem:$0x7F4] =	sst s11  }
0x259: {  	s4 =	sadd.s32 $0x4580, s5;
	[tilespmem:s10+$0x0] =	vst v10;
	v10 =	vld.idx.msk [tilespmem:v21+s15+$0x0], $0xffff;
	s10 =	sor.u32 s29, s11  }
0x25a: {  	s16 =	sor.u32 s1, s4;
	s17 =	sadd.s32 $0x3580, s7;
	v14 =	vadd.s32 $0x3, v6;
	[tilespmem:s10+$0x0] =	vst v18  }
0x25b: {  	v4 =	vld.idx.msk [tilespmem:v4+s15+$0x0], $0xffff;
	[tilespmem:s16+$0x0] =	vst v15;
	s16 =	sor.u32 s31, s17  }
0x25c: {  	v17 =	vadd.s32 $0x3, v7;
	v15 =	vld.idx.msk [tilespmem:v20+s15+$0x0], $0xffff;
	[tilespmem:s16+$0x0] =	vst v3  }
0x25d: {  	v3 =	vld.idx.msk [tilespmem:v12+s15+$0x0], $0xffff;
	v12 =	vadd.s32 $0x273, v8;
	s16 =	simm.s32 $0x890;
	[tilespmem:s0+$0x100] =	vst v13  }
0x25e: {  	s11 =	sadd.s32 $0x5600, s25;
	v13 =	vld [tilespmem:s16+$0xFFFFFA00];
	[tilespmem:s2+$0x100] =	vst v10  }
0x25f: {  	s17 =	sor.u32 s22, s17;
	v10 =	vld.idx.msk [tilespmem:v14+s15+$0x0], $0xffff;
	[smem:$0x7F7] =	sst s11  }
0x260: {  	s11 =	sor.u32 s29, s11;
	[tilespmem:s17+$0x0] =	vst v4  }
0x261: {  	v19 =	vshll.u32 v19, $0x1;
	v18 =	vadd.s32 $0x278, v0;
	s10 =	sadd.s32 $0x4600, s5;
	s17 =	simm.s32 $0x80;
	v14 =	vld.idx.msk [tilespmem:v17+s15+$0x0], $0xffff;
	[tilespmem:s11+$0x0] =	vst v15  }
0x262: {  	v4 =	vadd.s32 $0x259, v19;
	s28 =	sand.u32 $0x1E0, s17;
	s17 =	sor.u32 s1, s10;
	v12 =	vld.idx.msk [tilespmem:v12+s15+$0x0], $0xffff  }
0x263: {  	s18 =	sor.u32 s24, s18;
	s13 =	simm.s32 $0x870;
	v15 =	vadd.s32 $0x4, v6;
	v17 =	vld [tilespmem:s28+$0x200];
	[tilespmem:s17+$0x0] =	vst v3  }
0x264: {  	[tilespmem:s18+$0x0] =	vst v11;
	v11 =	vadd.s32 $0x231, v13;
	v3 =	vadd.s32 $0x4, v7;
	v13 =	vld [tilespmem:s13+$0x200];
	_ =	sdelay $0x1  }
0x265: {  	v20 =	vadd.s32 $0x274, v8;
	v18 =	vld.idx.msk [tilespmem:v18+s15+$0x0], $0xffff;
	[tilespmem:s0+$0x180] =	vst v10  }
0x266: {  	v21 =	vadd.s32 $0x275, v2;
	s13 =	sadd.s32 $0x5680, s25;
	v4 =	vld.idx.msk [tilespmem:v4+s15+$0x0], $0xffff;
	[tilespmem:s2+$0x180] =	vst v14  }
0x267: {  	s11 =	sor.u32 s29, s13;
	v10 =	vld.idx.msk [tilespmem:v15+s15+$0x0], $0xffff;
	[smem:$0x7F8] =	sst s13;
	v14 =	vadd.s32 $0x231, v17  }
0x268: {  	s9 =	sor.u32 s20, s9;
	v15 =	vadd.s32 $0x25A, v19;
	v3 =	vld.idx.msk [tilespmem:v3+s15+$0x0], $0xffff;
	[tilespmem:s11+$0x0] =	vst v12;
	v13 =	vshll.u32 v13, $0x1  }
0x269: {  	v11 =	vld.idx.msk [tilespmem:v11+s15+$0x0], $0xffff;
	[tilespmem:s9+$0x0] =	vst v16;
	v16 =	vadd.s32 $0x25F, v13  }
0x26a: {  	v12 =	vadd.s32 $0x5, v6;
	v17 =	vld.idx.msk [tilespmem:v20+s15+$0x0], $0xffff  }
0x26b: {  	s4 =	sor.u32 s30, s4;
	v19 =	vld.idx.msk [tilespmem:v21+s15+$0x0], $0xffff  }
0x26c: {  	[tilespmem:s4+$0x0] =	vst v4;
	s4 =	sadd.s32 $0x3600, s7;
	v4 =	vld.idx.msk [tilespmem:v14+s15+$0x0], $0xffff;
	v14 =	vadd.s32 $0x275, v8  }
0x26d: {  	v20 =	vadd.s32 $0x5, v7;
	[tilespmem:s0+$0x200] =	vst v10;
	v10 =	vld.idx.msk [tilespmem:v15+s15+$0x0], $0xffff;
	s11 =	sor.u32 s31, s4  }
0x26e: {  	s13 =	sadd.s32 $0x5700, s25;
	[tilespmem:s11+$0x0] =	vst v11;
	v11 =	vld.idx.msk [tilespmem:v16+s15+$0x0], $0xffff  }
0x26f: {  	v12 =	vld.idx.msk [tilespmem:v12+s15+$0x0], $0xffff;
	s11 =	sor.u32 s29, s13;
	[tilespmem:s2+$0x200] =	vst v3  }
0x270: {  	s4 =	sor.u32 s22, s4;
	[tilespmem:s11+$0x0] =	vst v17;
	v15 =	vld [tilespmem:s16+$0xFFFFFC00]  }
0x271: {  	s10 =	sor.u32 s30, s10;
	v3 =	vld.idx.msk [tilespmem:v14+s15+$0x0], $0xffff;
	[tilespmem:s4+$0x0] =	vst v4;
	s4 =	sadd.s32 $0x4680, s5  }
0x272: {  	[tilespmem:s10+$0x0] =	vst v10;
	v4 =	vld.idx.msk [tilespmem:v20+s15+$0x0], $0xffff;
	s11 =	sor.u32 s1, s4  }
0x273: {  	s16 =	sadd.s32 $0x5780, s25;
	v20 =	vld [tilespmem:s14+$0xA00];
	[tilespmem:s11+$0x0] =	vst v11  }
0x274: {  	v13 =	vadd.s32 $0x260, v13;
	v17 =	vld [tilespmem:s28+$0x400];
	[smem:$0x7F9] =	sst s16  }
0x275: {  	s10 =	sor.u32 s29, s16;
	v14 =	vadd.s32 $0x6, v6;
	[tilespmem:s0+$0x280] =	vst v12  }
0x276: {  	v16 =	vadd.s32 $0x276, v8;
	[tilespmem:s10+$0x0] =	vst v3  }
0x277: {  	[tilespmem:s2+$0x280] =	vst v4  }
0x278: {  	s0 =	sld [smem:$0x7EE]  }
0x279: {  	v13 =	vld.idx.msk [tilespmem:v13+s15+$0x0], $0xffff  }
0x27a: {  	s16 =	simm.s32 $0xA;
	v14 =	vld.idx.msk [tilespmem:v14+s15+$0x0], $0xffff  }
0x27b: {  	v10 =	vadd.s32 $0x6, v7;
	v16 =	vld.idx.msk [tilespmem:v16+s15+$0x0], $0xffff;
	[dreg:$0xf] =	wrdreg s16;
	s0 =	sor.u32 s20, s0  }
0x27c: {  	v11 =	vadd.s32 $0x276, v2;
	[tilespmem:s0+$0x0] =	vst v19  }
0x27d: {  	v15 =	vshll.u32 v15, $0x2;
	v12 =	vadd.s32 $0x279, v0;
	s0 =	sld [smem:$0x7EF]  }
0x27e: {  	s12 =	smov.u32 s29;
	v21 =	vadd.s32 $0x233, v15;
	s11 =	simm.s32 $0xA  }
0x27f: {  	s17 =	simm.s32 $0x870;
	s9 =	sand.u32 $0x7, s11;
	s11 =	simm.s32 $0x5  }
0x280: {  	s2 =	sshll.u32 s9, $0x4;
	s9 =	sand.u32 $0x3, s11;
	v10 =	vld.idx.msk [tilespmem:v10+s15+$0x0], $0xffff;
	v19 =	vadd.s32 $0x7, v6;
	s0 =	sor.u32 s24, s0  }
0x281: {  	v22 =	vadd.s32 $0x277, v8;
	s10 =	sadd.s32 $0x500, s2;
	s2 =	sadd.s32 $0x4700, s5;
	s16 =	simm.s32 $0x5;
	v4 =	vld.idx.msk [tilespmem:v11+s15+$0x0], $0xffff;
	[tilespmem:s0+$0x0] =	vst v18  }
0x282: {  	v17 =	vshll.u32 v17, $0x2;
	s29 =	sor.u32 s1, s2;
	v11 =	vadd.s32 $0x7, v7;
	s0 =	sadd.s32 $0x10, s10;
	v3 =	vld.idx.msk [tilespmem:v12+s15+$0x0], $0xffff;
	[dreg:$0x10] =	wrdreg s16  }
0x283: {  	s16 =	sshll.u32 s9, $0x5;
	v12 =	vadd.s32 $0x233, v17;
	s0 =	sor.u32 $0x300, s0;
	[tilespmem:s29+$0x0] =	vst v13;
	v13 =	vshll.u32 v20, $0x1;
	v20 =	vld.idx.msk [tilespmem:v21+s15+$0x0], $0xffff;
	s29 =	sadd.s32 $0x5800, s25  }
0x284: {  	v18 =	vmul.u32 $0xA, v1;
	[tilespmem:s0+$0x1580] =	vst v14;
	s10 =	sadd.s32 $0x500, s16;
	v1 =	vadd.s32 $0x25F, v13;
	v14 =	vld [tilespmem:s17+$0x400];
	s11 =	sor.u32 s12, s29  }
0x285: {  	s0 =	sor.u32 $0x300, s10;
	[tilespmem:s11+$0x0] =	vst v16;
	v16 =	vld.idx.msk [tilespmem:v19+s15+$0x0], $0xffff;
	v19 =	vadd.s32 $0x234, v15  }
0x286: {  	s9 =	sadd.s32 $0x6600, s19;
	[tilespmem:s0+$0x1580] =	vst v10;
	v21 =	vld.idx.msk [tilespmem:v22+s15+$0x0], $0xffff  }
0x287: {  	s16 =	sadd.s32 $0x3680, s7;
	s19 =	sor.u32 s21, s9;
	v11 =	vld.idx.msk [tilespmem:v11+s15+$0x0], $0xffff  }
0x288: {  	s21 =	simm.s32 $0xB0;
	s17 =	sor.u32 s31, s16;
	s10 =	simm.s32 $0x500;
	[tilespmem:s19+$0x0] =	vst v5;
	v22 =	vadd.s32 $0x8, v6;
	v12 =	vld.idx.msk [tilespmem:v12+s15+$0x0], $0xffff  }
0x289: {  	v23 =	vadd.s32 $0x278, v8;
	s19 =	sadd.s32 $0x5880, s25;
	[tilespmem:s17+$0x0] =	vst v20;
	s17 =	sor.u32 s21, s10;
	v1 =	vld.idx.msk [tilespmem:v1+s15+$0x0], $0xffff  }
0x28a: {  	v20 =	vadd.s32 $0x8, v7;
	v14 =	vshll.u32 v14, $0x1;
	s21 =	sor.u32 $0x380, s17;
	v5 =	vld.idx.msk [tilespmem:v19+s15+$0x0], $0xffff;
	[smem:$0x7FA] =	sst s19  }
0x28b: {  	v19 =	vadd.s32 $0x265, v14;
	s19 =	sor.u32 s12, s19;
	[tilespmem:s21+$0x1580] =	vst v16;
	s21 =	simm.s32 $0xA0  }
0x28c: {  	s11 =	sor.u32 s22, s16;
	v16 =	vadd.s32 $0x234, v17;
	[tilespmem:s19+$0x0] =	vst v21;
	s0 =	sor.u32 s21, s10  }
0x28d: {  	s21 =	sadd.s32 $0x6600, s6;
	v21 =	vld.idx.msk [tilespmem:v22+s15+$0x0], $0xffff;
	v22 =	vadd.s32 $0x235, v15;
	[tilespmem:s11+$0x0] =	vst v12;
	s0 =	sor.u32 $0x380, s0  }
0x28e: {  	s10 =	sor.u32 s8, s21;
	[tilespmem:s0+$0x1580] =	vst v11;
	v11 =	vadd.s32 $0x260, v13;
	v13 =	vld.idx.msk [tilespmem:v23+s15+$0x0], $0xffff  }
0x28f: {  	s19 =	sor.u32 s30, s4;
	s8 =	sadd.s32 $0x3700, s7;
	[tilespmem:s10+$0x0] =	vst v9;
	v9 =	vld.idx.msk [tilespmem:v20+s15+$0x0], $0xffff;
	v20 =	vadd.s32 $0x9, v6  }
0x290: {  	s4 =	sadd.s32 $0x2580, s26;
	s16 =	sor.u32 s31, s8;
	[tilespmem:s19+$0x0] =	vst v1;
	v12 =	vld.idx.msk [tilespmem:v19+s15+$0x0], $0xffff;
	v19 =	vadd.s32 $0x279, v8  }
0x291: {  	s11 =	sadd.s32 $0x5900, s25;
	s10 =	sor.u32 s23, s4;
	[tilespmem:s16+$0x0] =	vst v5;
	v5 =	vadd.s32 $0x9, v7;
	v16 =	vld.idx.msk [tilespmem:v16+s15+$0x0], $0xffff  }
0x292: {  	v14 =	vadd.s32 $0x266, v14;
	s16 =	sor.u32 s12, s11;
	v1 =	vld.idx.msk [tilespmem:v22+s15+$0x0], $0xffff;
	[tilespmem:s10+$0x0] =	vst v21  }
0x293: {  	v15 =	vadd.s32 $0x236, v15;
	s6 =	sadd.s32 $0x4780, s5;
	s19 =	sor.u32 s3, s4;
	v11 =	vld.idx.msk [tilespmem:v11+s15+$0x0], $0xffff;
	[tilespmem:s16+$0x0] =	vst v13  }
0x294: {  	s4 =	sor.u32 s1, s6;
	v13 =	vld.idx.msk [tilespmem:v20+s15+$0x0], $0xffff;
	[tilespmem:s19+$0x0] =	vst v9  }
0x295: {  	s10 =	sor.u32 s22, s8;
	s16 =	sadd.s32 $0x3780, s7;
	v9 =	vld.idx.msk [tilespmem:v19+s15+$0x0], $0xffff;
	[tilespmem:s4+$0x0] =	vst v12  }
0x296: {  	v21 =	vadd.s32 $0x235, v17;
	s19 =	sor.u32 s31, s16;
	v5 =	vld.idx.msk [tilespmem:v5+s15+$0x0], $0xffff;
	[tilespmem:s10+$0x0] =	vst v16  }
0x297: {  	s2 =	sor.u32 s30, s2;
	s4 =	sadd.s32 $0x2600, s26;
	v14 =	vld.idx.msk [tilespmem:v14+s15+$0x0], $0xffff;
	[tilespmem:s19+$0x0] =	vst v1  }
0x298: {  	s8 =	sadd.s32 $0x6580, s25;
	s10 =	sor.u32 s23, s4;
	[tilespmem:s2+$0x0] =	vst v11;
	v11 =	vld.idx.msk [tilespmem:v15+s15+$0x0], $0xffff  }
0x299: {  	s18 =	smov.u32 s25;
	s25 =	smov.u32 s14;
	[tilespmem:s10+$0x0] =	vst v13;
	v15 =	vld [tilespmem:s14+$0xC00];
	s14 =	sor.u32 s12, s8  }
0x29a: {  	s19 =	sor.u32 s3, s4;
	s2 =	sadd.s32 $0x4800, s5;
	[tilespmem:s14+$0x0] =	vst v9  }
0x29b: {  	v16 =	vld.idx.msk [tilespmem:v21+s15+$0x0], $0xffff;
	s4 =	sor.u32 s1, s2;
	[tilespmem:s19+$0x0] =	vst v5  }
0x29c: {  	[tilespmem:s4+$0x0] =	vst v14  }
0x29d: {  	s14 =	sld [smem:$0x7F0]  }
0x29e: {  	v10 =	vadd.s32 $0x271, v18  }
0x29f: {  	s10 =	sor.u32 s22, s16;
	s16 =	sadd.s32 $0x3800, s7  }
0x2a0: {  	[tilespmem:s10+$0x0] =	vst v16;
	s4 =	sor.u32 s24, s14;
	s24 =	sor.u32 s24, s9;
	s9 =	sor.u32 s31, s16  }
0x2a1: {  	v12 =	vadd.s32 $0xA, v6;
	[tilespmem:s9+$0x0] =	vst v11  }
0x2a2: {  	v8 =	vadd.s32 $0x27A, v8;
	s14 =	sld [smem:$0x7F2]  }
0x2a3: {  	v10 =	vld.idx.msk [tilespmem:v10+s15+$0x0], $0xffff;
	v1 =	vadd.s32 $0xA, v7;
	s19 =	simm.s32 $0x870  }
0x2a4: {  	v22 =	vld [tilespmem:s19+$0x600];
	s19 =	sld [smem:$0x7F4]  }
0x2a5: {  	s9 =	sor.u32 s20, s14;
	s14 =	sld [smem:$0x7F3]  }
0x2a6: {  	v9 =	vld.idx.msk [tilespmem:v12+s15+$0x0], $0xffff  }
0x2a7: {  	v19 =	vld.idx.msk [tilespmem:v8+s15+$0x0], $0xffff  }
0x2a8: {  	v20 =	vld.idx.msk [tilespmem:v1+s15+$0x0], $0xffff;
	[dreg:$0x6] =	wrdreg s9;
	s9 =	sor.u32 s14, s19  }
0x2a9: {  	s0 =	sld [smem:$0x7F1];
	[tilespmem:s9+$0x0] =	vst v10  }
0x2aa: {  	s19 =	sld [smem:$0x7F5]  }
0x2ab: {  	v13 =	vadd.s32 $0x236, v17;
	_ =	sdelay $0x1  }
0x2ac: {  	s9 =	sor.u32 s20, s19;
	s19 =	sld [smem:$0x7F6];
	_ =	sdelay $0x2  }
0x2ad: {  	v12 =	vadd.s32 $0x272, v18;
	v24 =	vld.idx.msk [tilespmem:v13+s15+$0x0], $0xffff;
	[dreg:$0x5] =	wrdreg s9;
	s9 =	sor.u32 s20, s19  }
0x2ae: {  	s21 =	sor.u32 s20, s21;
	s19 =	simm.s32 $0x890;
	[dreg:$0x4] =	wrdreg s9  }
0x2af: {  	s0 =	sor.u32 s20, s0;
	v26 =	vld [tilespmem:s19+$0xFFFFFE00];
	s19 =	sadd.s32 $0x2680, s26;
	[dreg:$0xc] =	wrdreg s21  }
0x2b0: {  	[tilespmem:s0+$0x0] =	vst v4;
	s9 =	sor.u32 s23, s19  }
0x2b1: {  	s20 =	sor.u32 s14, s13;
	s0 =	sld [smem:$0x7F7];
	[tilespmem:s9+$0x0] =	vst v9  }
0x2b2: {  	v8 =	vadd.s32 $0x277, v2;
	v31 =	vld.idx.msk [tilespmem:v12+s15+$0x0], $0xffff;
	s9 =	sor.u32 s3, s19;
	[dreg:$0xe] =	wrdreg s20  }
0x2b3: {  	s21 =	sld [smem:$0x7F8];
	[tilespmem:s9+$0x0] =	vst v20  }
0x2b4: {  	s19 =	sld [smem:$0x7F9]  }
0x2b5: {  	v21 =	vadd.s32 $0xB, v6  }
0x2b6: {  	v23 =	vadd.s32 $0xB, v7;
	s20 =	sor.u32 s14, s29;
	s9 =	sld [smem:$0x7FA]  }
0x2b7: {  	v25 =	vshll.u32 v15, $0x1;
	s13 =	smov.u32 s5;
	v17 =	vld.idx.msk [tilespmem:v8+s15+$0x0], $0xffff;
	[dreg:$0x7] =	wrdreg s20;
	s5 =	sor.u32 s14, s19  }
0x2b8: {  	s17 =	simm.s32 $0x500;
	v29 =	vadd.s32 $0x265, v25;
	[dreg:$0x8] =	wrdreg s5  }
0x2b9: {  	v30 =	vadd.s32 $0x27A, v0;
	v0 =	vadd.s32 $0x27A, v18;
	s10 =	simm.s32 $0x870;
	s11 =	sor.u32 s14, s11;
	s20 =	sor.u32 s14, s9;
	[tilespmem:s4+$0x0] =	vst v3  }
0x2ba: {  	v5 =	vadd.s32 $0x278, v2;
	v14 =	vadd.s32 $0xD, v7;
	v1 =	vadd.s32 $0x27A, v2;
	s19 =	sor.u32 s22, s16;
	s9 =	sor.u32 s14, s8;
	v27 =	vld.idx.msk [tilespmem:v21+s15+$0x0], $0xffff;
	[dreg:$0xd] =	wrdreg s11  }
0x2bb: {  	v16 =	vadd.s32 $0xC, v7;
	v15 =	vadd.s32 $0x273, v18;
	v11 =	vadd.s32 $0xF, v7;
	s16 =	smov.u32 s22;
	s22 =	sadd.s32 $0x6600, s18;
	v28 =	vld.idx.msk [tilespmem:v23+s15+$0x0], $0xffff;
	[dreg:$0x9] =	wrdreg s9  }
0x2bc: {  	v13 =	vadd.s32 $0xE, v7;
	v10 =	vadd.s32 $0x274, v18;
	v4 =	vadd.s32 $0x279, v2;
	s29 =	simm.s32 $0x890;
	s0 =	sor.u32 s14, s0;
	s5 =	sor.u32 s12, s22;
	[tilespmem:s19+$0x0] =	vst v24  }
0x2bd: {  	v12 =	vadd.s32 $0x10, v7;
	v7 =	vadd.s32 $0x276, v18;
	v2 =	vadd.s32 $0x279, v18;
	s21 =	sor.u32 s14, s21;
	s18 =	simm.s32 $0xA0;
	s12 =	sor.u32 s30, s6;
	v21 =	vld.idx.msk [tilespmem:v29+s15+$0x0], $0xffff;
	[tilespmem:s5+$0x0] =	vst v19  }
0x2be: {  	v9 =	vadd.s32 $0x275, v18;
	v8 =	vadd.s32 $0x278, v18;
	v3 =	vadd.s32 $0x277, v18;
	s4 =	sor.u32 s14, s22;
	s22 =	sor.u32 s30, s2;
	[tilespmem:s0+$0x0] =	vst v31;
	v18 =	vld.idx.msk [tilespmem:v30+s15+$0x0], $0xffff;
	s19 =	simm.s32 $0xA0  }
0x2bf: {  	v20 =	vshll.u32 v22, $0x1;
	s14 =	simm.s32 $0xA;
	v19 =	vadd.s32 $0x266, v25;
	v24 =	vshll.u32 v26, $0x1;
	v25 =	vld [tilespmem:s28+$0x600];
	[dreg:$0xa] =	wrdreg s18;
	s0 =	sand.u32 $0x1E0, s19  }
0x2c0: {  	v22 =	vadd.s32 $0x26B, v20;
	v29 =	vadd.s32 $0xC, v6;
	v26 =	vadd.s32 $0x253, v24;
	s19 =	simm.s32 $0x8D0;
	[dreg:$0xb] =	wrdreg s0;
	s0 =	sadd.s32 $0x2700, s26  }
.LBB2_2:
0x2c1: {  	s6 =	rddreg [dreg:$0x6]  }
0x2c2: {  	s2 =	sor.u32 s3, s0;
	[tilespmem:s6+$0x0] =	vst v17  }
0x2c3: {  	s11 =	sor.u32 s23, s0;
	[tilespmem:s2+$0x0] =	vst v28  }
0x2c4: {  	v23 =	vld [tilespmem:s19+$0xFFFFF800];
	[tilespmem:s11+$0x0] =	vst v27  }
0x2c5: {  	[tilespmem:s12+$0x0] =	vst v21;
	v17 =	vld.idx.msk [tilespmem:v22+s15+$0x0], $0xffff  }
0x2c6: {  	v25 =	vshll.u32 v25, $0x1;
	v16 =	vld.idx.msk [tilespmem:v16+s15+$0x0], $0xffff  }
0x2c7: {  	v21 =	vld [tilespmem:s19+$0xFFFFF7F0];
	v28 =	vadd.s32 $0x253, v25  }
0x2c8: {  	s18 =	smov.u32 s20;
	s20 =	sadd.s32 $0x4880, s13;
	v22 =	vld.idx.msk [tilespmem:v29+s15+$0x0], $0xffff  }
0x2c9: {  	v20 =	vadd.s32 $0x26C, v20;
	s8 =	sadd.s32 $0x2780, s26;
	s0 =	sor.u32 s1, s20;
	[tilespmem:s24+$0x0] =	vst v18;
	v26 =	vld.idx.msk [tilespmem:v26+s15+$0x0], $0xffff  }
0x2ca: {  	v27 =	vadd.s32 $0xD, v6;
	s11 =	sor.u32 s3, s8;
	v18 =	vld.idx.msk [tilespmem:v19+s15+$0x0], $0xffff;
	[tilespmem:s0+$0x0] =	vst v17  }
0x2cb: {  	v17 =	vld.idx.msk [tilespmem:v15+s15+$0x0], $0xffff;
	[tilespmem:s11+$0x0] =	vst v16  }
0x2cc: {  	s2 =	sor.u32 s23, s8;
	v28 =	vld.idx.msk [tilespmem:v28+s15+$0x0], $0xffff  }
0x2cd: {  	v24 =	vadd.s32 $0x254, v24;
	[dreg:$0x15] =	wrdreg s25;
	v30 =	vmul.u32 $0x11, v23;
	[tilespmem:s2+$0x0] =	vst v22;
	v35 =	vld.idx.msk [tilespmem:v14+s15+$0x0], $0xffff  }
0x2ce: {  	[dreg:$0x6] =	wrdreg s18;
	s9 =	sor.u32 s30, s20;
	s12 =	sadd.s32 $0x3880, s7;
	v21 =	vmul.u32 $0x11, v21;
	v31 =	vld.idx.msk [tilespmem:v20+s15+$0x0], $0xffff  }
0x2cf: {  	[dreg:$0x16] =	wrdreg s9;
	s18 =	sor.u32 s31, s12;
	[tilespmem:s22+$0x0] =	vst v18;
	v27 =	vld.idx.msk [tilespmem:v27+s15+$0x0], $0xffff  }
0x2d0: {  	s6 =	smov.u32 s4;
	s20 =	sadd.s32 $0x4900, s13;
	s24 =	rddreg [dreg:$0xc];
	[tilespmem:s18+$0x0] =	vst v26  }
0x2d1: {  	v34 =	vadd.s32 $0xE, v6;
	[dreg:$0xc] =	wrdreg s6;
	s8 =	sadd.s32 $0x3900, s7;
	s0 =	sor.u32 s16, s12;
	v36 =	vld [tilespmem:s25+$0xE00];
	[tilespmem:s21+$0x0] =	vst v17  }
0x2d2: {  	s5 =	smov.u32 s24;
	s22 =	sadd.s32 $0x2800, s26;
	s2 =	sor.u32 s1, s20;
	v32 =	vld.idx.msk [tilespmem:v24+s15+$0x0], $0xffff;
	[tilespmem:s0+$0x0] =	vst v28  }
0x2d3: {  	s24 =	smov.u32 s13;
	s13 =	sor.u32 s30, s20;
	s4 =	sor.u32 s23, s22;
	v37 =	vld.idx.msk [tilespmem:v30+s15+$0x0], $0xffff;
	[tilespmem:s2+$0x0] =	vst v31  }
0x2d4: {  	v60 =	vadd.s32 $0xF, v6;
	v29 =	vadd.s32 $0x254, v25;
	s9 =	sor.u32 s31, s8;
	[dreg:$0x11] =	wrdreg s5;
	s11 =	smov.u32 s19;
	v59 =	vld.idx.msk [tilespmem:v21+s15+$0x0], $0xffff;
	[tilespmem:s4+$0x0] =	vst v27  }
0x2d5: {  	v61 =	vadd.s32 $0x1, v30;
	s12 =	rddreg [dreg:$0x10];
	v33 =	vadd.s32 $0x1, v21;
	v25 =	vadd.s32 $0x3, v21;
	s5 =	sor.u32 s3, s22;
	s18 =	smov.u32 s29;
	v27 =	vld [tilespmem:s10+$0x800]  }
0x2d6: {  	v23 =	vadd.s32 $0x5, v21;
	v15 =	vadd.s32 $0x6, v21;
	v22 =	vadd.s32 $0x7, v21;
	s2 =	sadd.s32 $0x1, s12;
	[tilespmem:s5+$0x0] =	vst v35;
	s5 =	sadd.s32 $0x100, s17;
	v34 =	vld.idx.msk [tilespmem:v34+s15+$0x0], $0xffff;
	s10 =	rddreg [dreg:$0x3]  }
0x2d7: {  	v19 =	vadd.s32 $0x9, v21;
	v18 =	vadd.s32 $0xB, v21;
	v16 =	vadd.s32 $0xC, v21;
	s20 =	sand.u32 $0x3, s2;
	s6 =	sand.u32 $0xC00, s5;
	[tilespmem:s9+$0x0] =	vst v32;
	s9 =	rddreg [dreg:$0xa]  }
0x2d8: {  	v14 =	vadd.s32 $0xD, v21;
	v38 =	vadd.s32 $0xF, v21;
	v39 =	vadd.s32 $0x10, v21;
	[dreg:$0x3] =	wrdreg s11;
	s11 =	sadd.s32 $0x2880, s26;
	v28 =	vld [tilespmem:s18+$0x0];
	s9 =	sadd.s32 $0x20, s9  }
0x2d9: {  	v26 =	vadd.s32 $0x2, v21;
	v20 =	vadd.s32 $0x8, v21;
	v24 =	vadd.s32 $0x4, v21;
	v40 =	vld.idx.msk [tilespmem:v13+s15+$0x0], $0xffff;
	s25 =	sadd.s32 $0x1580, s6;
	s12 =	sor.u32 s23, s11;
	s21 =	sadd.s32 $0x10, s9  }
0x2da: {  	v17 =	vadd.s32 $0xA, v21;
	v31 =	vadd.s32 $0xE, v21;
	v21 =	vshll.u32 v36, $0x1;
	v29 =	vld.idx.msk [tilespmem:v29+s15+$0x0], $0xffff;
	[dreg:$0x14] =	wrdreg s21;
	s0 =	sand.u32 $0x70, s21;
	s21 =	sand.u32 $0x60, s9  }
0x2db: {  	[dreg:$0x10] =	wrdreg s2;
	v41 =	vadd.s32 $0x26B, v21;
	v42 =	vadd.s32 $0x26C, v21;
	v10 =	vld.idx.msk [tilespmem:v10+s15+$0x0], $0xffff;
	s2 =	sshll.u32 s20, $0x5;
	s29 =	sor.u32 s21, s25;
	v21 =	vmul.u32 $0xA, v27;
	[tilespmem:s12+$0x0] =	vst v34  }
0x2dc: {  	v13 =	vmov v31;
	v31 =	vld.idx.msk [tilespmem:v5+s15+$0x0], $0xffff;
	s17 =	sadd.s32 s2, s5;
	s2 =	sor.u32 s0, s25;
	[tilespmem:s29+$0x0] =	vst v59  }
0x2dd: {  	v27 =	vshll.u32 v28, $0x1;
	[tilespmem:s2+$0x0] =	vst v37;
	v33 =	vld.idx.msk [tilespmem:v33+s15+$0x0], $0xffff;
	v28 =	vadd.s32 $0x271, v21  }
0x2de: {  	v5 =	vmov v8;
	s11 =	sor.u32 s3, s11;
	v8 =	vld.idx.msk [tilespmem:v60+s15+$0x0], $0xffff;
	v62 =	vadd.s32 $0x259, v27  }
0x2df: {  	s22 =	sor.u32 s16, s8;
	s4 =	smov.u32 s10;
	[tilespmem:s11+$0x0] =	vst v40;
	v63 =	vld.idx.msk [tilespmem:v61+s15+$0x0], $0xffff  }
0x2e0: {  	s10 =	sor.u32 $0x300, s17;
	s20 =	sor.u32 s9, s5;
	s17 =	rddreg [dreg:$0xe];
	v43 =	vld.idx.msk [tilespmem:v11+s15+$0x0], $0xffff;
	[tilespmem:s22+$0x0] =	vst v29  }
0x2e1: {  	s25 =	sadd.s32 $0x2900, s26;
	s12 =	sor.u32 $0x380, s20;
	s20 =	rddreg [dreg:$0x5];
	v40 =	vadd.s32 $0x10, v6;
	v6 =	vmov v30;
	[tilespmem:s17+$0x0] =	vst v10  }
0x2e2: {  	s11 =	sor.u32 s23, s25;
	v30 =	vadd.s32 $0x2, v6;
	[tilespmem:s20+$0x0] =	vst v31;
	v28 =	vld.idx.msk [tilespmem:v28+s15+$0x0], $0xffff  }
0x2e3: {  	v10 =	vld.idx.msk [tilespmem:v62+s15+$0x0], $0xffff;
	[tilespmem:s11+$0x0] =	vst v8  }
0x2e4: {  	[dreg:$0xa] =	wrdreg s9;
	v8 =	vld [tilespmem:s28+$0x800];
	[tilespmem:s29+$0x80] =	vst v33  }
0x2e5: {  	s8 =	sand.u32 $0x1E0, s9;
	s9 =	smov.u32 s16;
	s22 =	rddreg [dreg:$0xd];
	v29 =	vadd.s32 $0x272, v21;
	[tilespmem:s2+$0x80] =	vst v63;
	v26 =	vld.idx.msk [tilespmem:v26+s15+$0x0], $0xffff  }
0x2e6: {  	s16 =	sor.u32 s3, s25;
	v27 =	vadd.s32 $0x25A, v27;
	s25 =	smov.u32 s22;
	s20 =	sadd.s32 $0x5580, s24;
	v31 =	vld.idx.msk [tilespmem:v40+s15+$0x0], $0xffff  }
0x2e7: {  	[dreg:$0x5] =	wrdreg s25;
	s25 =	sadd.s32 $0x4580, s7;
	s17 =	sor.u32 s1, s20;
	[tilespmem:s16+$0x0] =	vst v43;
	v30 =	vld.idx.msk [tilespmem:v30+s15+$0x0], $0xffff  }
0x2e8: {  	s16 =	sor.u32 s31, s25;
	[tilespmem:s17+$0x0] =	vst v28  }
0x2e9: {  	s22 =	sor.u32 s30, s20;
	s20 =	sadd.s32 $0x3580, s26;
	v33 =	vld.idx.msk [tilespmem:v12+s15+$0x0], $0xffff;
	[tilespmem:s16+$0x0] =	vst v10  }
0x2ea: {  	v44 =	vadd.s32 $0x3, v6;
	s11 =	sor.u32 s9, s25;
	s25 =	sor.u32 s23, s20;
	v10 =	vld.idx.msk [tilespmem:v29+s15+$0x0], $0xffff  }
0x2eb: {  	v27 =	vld.idx.msk [tilespmem:v27+s15+$0x0], $0xffff;
	[tilespmem:s25+$0x0] =	vst v31  }
0x2ec: {  	v29 =	vld.idx.msk [tilespmem:v41+s15+$0x0], $0xffff;
	v31 =	vadd.s32 $0x273, v21;
	s25 =	sadd.s32 $0x5600, s24;
	[tilespmem:s2+$0x100] =	vst v30  }
0x2ed: {  	v8 =	vshll.u32 v8, $0x1;
	s17 =	sor.u32 s3, s20;
	[tilespmem:s29+$0x100] =	vst v26;
	s20 =	sor.u32 s30, s25;
	v30 =	vld [tilespmem:s4+$0xFFFFFA00]  }
0x2ee: {  	v28 =	vadd.s32 $0x259, v8;
	v25 =	vld.idx.msk [tilespmem:v25+s15+$0x0], $0xffff;
	[tilespmem:s17+$0x0] =	vst v33;
	s17 =	sadd.s32 $0x4600, s7;
	s25 =	sor.u32 s1, s25;
	[dreg:$0x12] =	wrdreg s20  }
0x2ef: {  	v26 =	vld.idx.msk [tilespmem:v44+s15+$0x0], $0xffff;
	s20 =	rddreg [dreg:$0xb];
	s16 =	sor.u32 s9, s17;
	s17 =	sor.u32 s31, s17;
	[tilespmem:s25+$0x0] =	vst v10  }
0x2f0: {  	v45 =	vadd.s32 $0x4, v6;
	v33 =	vld [tilespmem:s20+$0x200];
	[tilespmem:s17+$0x0] =	vst v27  }
0x2f1: {  	s25 =	rddreg [dreg:$0x16];
	v10 =	vld.idx.msk [tilespmem:v31+s15+$0x0], $0xffff  }
0x2f2: {  	[tilespmem:s25+$0x0] =	vst v29;
	v27 =	vadd.s32 $0x231, v30;
	v30 =	vld [tilespmem:s18+$0x200]  }
0x2f3: {  	v29 =	vadd.s32 $0x274, v21;
	v28 =	vld.idx.msk [tilespmem:v28+s15+$0x0], $0xffff  }
0x2f4: {  	[tilespmem:s2+$0x180] =	vst v26;
	v26 =	vld.idx.msk [tilespmem:v42+s15+$0x0], $0xffff  }
0x2f5: {  	s17 =	sadd.s32 $0x5680, s24;
	[tilespmem:s29+$0x180] =	vst v25;
	v25 =	vld.idx.msk [tilespmem:v45+s15+$0x0], $0xffff;
	v31 =	vadd.s32 $0x231, v33  }
0x2f6: {  	s25 =	sor.u32 s30, s17;
	s17 =	sor.u32 s1, s17;
	v24 =	vld.idx.msk [tilespmem:v24+s15+$0x0], $0xffff  }
0x2f7: {  	v8 =	vadd.s32 $0x25A, v8;
	v27 =	vld.idx.msk [tilespmem:v27+s15+$0x0], $0xffff;
	[tilespmem:s17+$0x0] =	vst v10  }
0x2f8: {  	v46 =	vadd.s32 $0x5, v6;
	v30 =	vshll.u32 v30, $0x1;
	[tilespmem:s11+$0x0] =	vst v28;
	v29 =	vld.idx.msk [tilespmem:v29+s15+$0x0], $0xffff  }
0x2f9: {  	v10 =	vadd.s32 $0x25F, v30;
	v9 =	vld.idx.msk [tilespmem:v9+s15+$0x0], $0xffff  }
0x2fa: {  	v28 =	vld.idx.msk [tilespmem:v31+s15+$0x0], $0xffff;
	[tilespmem:s13+$0x0] =	vst v26  }
0x2fb: {  	s17 =	sadd.s32 $0x3600, s26;
	[tilespmem:s2+$0x200] =	vst v25  }
0x2fc: {  	s13 =	sor.u32 s3, s17;
	s11 =	sor.u32 s23, s17;
	s17 =	sadd.s32 $0x5700, s24;
	v8 =	vld.idx.msk [tilespmem:v8+s15+$0x0], $0xffff;
	[tilespmem:s29+$0x200] =	vst v24  }
0x2fd: {  	[dreg:$0x13] =	wrdreg s25;
	v24 =	vld.idx.msk [tilespmem:v46+s15+$0x0], $0xffff;
	s25 =	sor.u32 s30, s17;
	[tilespmem:s11+$0x0] =	vst v27  }
0x2fe: {  	v26 =	vadd.s32 $0x275, v21;
	s17 =	sor.u32 s1, s17;
	[dreg:$0xe] =	wrdreg s25;
	v10 =	vld.idx.msk [tilespmem:v10+s15+$0x0], $0xffff  }
0x2ff: {  	s25 =	rddreg [dreg:$0x8];
	v25 =	vld [tilespmem:s4+$0xFFFFFC00];
	[tilespmem:s17+$0x0] =	vst v29  }
0x300: {  	[tilespmem:s25+$0x0] =	vst v9  }
0x301: {  	v29 =	vadd.s32 $0x260, v30;
	v9 =	vld.idx.msk [tilespmem:v23+s15+$0x0], $0xffff;
	[tilespmem:s13+$0x0] =	vst v28  }
0x302: {  	v23 =	vadd.s32 $0x6, v6;
	v28 =	vld [tilespmem:s20+$0x400];
	[tilespmem:s16+$0x0] =	vst v8;
	s16 =	sadd.s32 $0x4680, s7  }
0x303: {  	s17 =	rddreg [dreg:$0x15];
	v26 =	vld.idx.msk [tilespmem:v26+s15+$0x0], $0xffff;
	s11 =	sor.u32 s31, s16  }
0x304: {  	s25 =	sadd.s32 $0x5780, s24;
	v30 =	vld [tilespmem:s28+$0xA00];
	s13 =	sor.u32 s9, s16;
	s16 =	smov.u32 s28;
	[tilespmem:s11+$0x0] =	vst v10  }
0x305: {  	v8 =	vadd.s32 $0x276, v21;
	s28 =	smov.u32 s20;
	s20 =	sor.u32 s1, s25;
	v10 =	vld [tilespmem:s17+$0x1000];
	v27 =	vshll.u32 v25, $0x2;
	s11 =	rddreg [dreg:$0xf];
	[tilespmem:s2+$0x280] =	vst v24  }
0x306: {  	s17 =	sor.u32 s30, s25;
	s25 =	smov.u32 s8;
	s8 =	sadd.s32 $0x2, s11;
	v25 =	vld.idx.msk [tilespmem:v29+s15+$0x0], $0xffff;
	v29 =	vadd.s32 $0x233, v27  }
0x307: {  	[dreg:$0x8] =	wrdreg s17;
	[tilespmem:s29+$0x280] =	vst v9;
	v23 =	vld.idx.msk [tilespmem:v23+s15+$0x0], $0xffff;
	s17 =	sand.u32 $0x7, s8  }
0x308: {  	[tilespmem:s20+$0x0] =	vst v26;
	v26 =	vld.idx.msk [tilespmem:v15+s15+$0x0], $0xffff;
	s2 =	sshll.u32 s17, $0x4  }
0x309: {  	[dreg:$0xb] =	wrdreg s25;
	v9 =	vshll.u32 v28, $0x2;
	v28 =	vadd.s32 $0x7, v6;
	s20 =	sadd.s32 $0x4700, s7;
	v50 =	vld.idx.msk [tilespmem:v7+s15+$0x0], $0xffff;
	s2 =	sadd.s32 s5, s2  }
0x30a: {  	[dreg:$0xf] =	wrdreg s8;
	v8 =	vld.idx.msk [tilespmem:v8+s15+$0x0], $0xffff;
	s8 =	sor.u32 s31, s20;
	s25 =	sadd.s32 $0x10, s2  }
0x30b: {  	v49 =	vadd.s32 $0x277, v21;
	v56 =	vadd.s32 $0x8, v6;
	v55 =	vadd.s32 $0x234, v27;
	s11 =	sor.u32 $0x300, s25;
	v29 =	vld.idx.msk [tilespmem:v29+s15+$0x0], $0xffff;
	[tilespmem:s8+$0x0] =	vst v25  }
0x30c: {  	s29 =	smov.u32 s4;
	s4 =	sadd.s32 $0x5800, s24;
	v36 =	vld.idx.msk [tilespmem:v4+s15+$0x0], $0xffff;
	v31 =	vadd.s32 $0x233, v9;
	v7 =	vshll.u32 v30, $0x1;
	v30 =	vmul.u32 $0xA, v10;
	[tilespmem:s11+$0x1580] =	vst v23  }
0x30d: {  	v47 =	vadd.s32 $0x234, v9;
	v48 =	vadd.s32 $0x235, v9;
	v51 =	vadd.s32 $0x25F, v7;
	s2 =	sor.u32 s9, s20;
	s20 =	rddreg [dreg:$0x7];
	s11 =	sor.u32 s30, s4;
	v53 =	vld [tilespmem:s18+$0x400]  }
0x30e: {  	v24 =	vadd.s32 $0x236, v9;
	v52 =	vadd.s32 $0x260, v7;
	v54 =	vadd.s32 $0x271, v30;
	s8 =	sor.u32 s1, s4;
	[tilespmem:s10+$0x1580] =	vst v26;
	s10 =	rddreg [dreg:$0x4];
	v28 =	vld.idx.msk [tilespmem:v28+s15+$0x0], $0xffff;
	s25 =	smov.u32 s11  }
0x30f: {  	v25 =	vadd.s32 $0x272, v30;
	v15 =	vadd.s32 $0x273, v30;
	v10 =	vadd.s32 $0x274, v30;
	v22 =	vld.idx.msk [tilespmem:v22+s15+$0x0], $0xffff;
	[tilespmem:s8+$0x0] =	vst v8;
	[dreg:$0x7] =	wrdreg s25  }
0x310: {  	s17 =	sadd.s32 $0x3680, s26;
	v9 =	vadd.s32 $0x275, v30;
	v7 =	vadd.s32 $0x276, v30;
	v26 =	vadd.s32 $0x277, v30;
	[tilespmem:s20+$0x0] =	vst v50;
	v34 =	vld.idx.msk [tilespmem:v49+s15+$0x0], $0xffff;
	s25 =	rddreg [dreg:$0x14]  }
0x311: {  	v4 =	vmovc v2;
	v2 =	vadd.s32 $0x279, v30;
	v23 =	vadd.s32 $0x27A, v30;
	v8 =	vadd.s32 $0x278, v30;
	v30 =	vld.idx.msk [tilespmem:v31+s15+$0x0], $0xffff;
	s8 =	sor.u32 s23, s17;
	[tilespmem:s10+$0x0] =	vst v36;
	s4 =	sor.u32 s25, s5  }
0x312: {  	s11 =	sor.u32 s3, s17;
	v31 =	vadd.s32 $0x278, v21;
	s17 =	rddreg [dreg:$0x9];
	[tilespmem:s8+$0x0] =	vst v29;
	v29 =	vld.idx.msk [tilespmem:v51+s15+$0x0], $0xffff;
	s4 =	sor.u32 $0x380, s4  }
0x313: {  	s20 =	smov.u32 s17;
	s17 =	smov.u32 s5;
	s5 =	sadd.s32 $0x5880, s24;
	v58 =	vld.idx.msk [tilespmem:v55+s15+$0x0], $0xffff;
	v57 =	vshll.u32 v53, $0x1;
	[tilespmem:s4+$0x1580] =	vst v28  }
0x314: {  	s10 =	sor.u32 s1, s5;
	v28 =	vld.idx.msk [tilespmem:v54+s15+$0x0], $0xffff;
	[tilespmem:s12+$0x1580] =	vst v22;
	v59 =	vadd.s32 $0x265, v57  }
0x315: {  	v60 =	vld.idx.msk [tilespmem:v56+s15+$0x0], $0xffff;
	[tilespmem:s10+$0x0] =	vst v34  }
0x316: {  	v61 =	vadd.s32 $0x235, v27;
	v20 =	vld.idx.msk [tilespmem:v20+s15+$0x0], $0xffff;
	[tilespmem:s11+$0x0] =	vst v30  }
0x317: {  	v22 =	vld.idx.msk [tilespmem:v31+s15+$0x0], $0xffff;
	[tilespmem:s13+$0x0] =	vst v29  }
0x318: {  	s11 =	sadd.s32 $0x3700, s26;
	v31 =	vadd.s32 $0x9, v6;
	v32 =	vld.idx.msk [tilespmem:v47+s15+$0x0], $0xffff  }
0x319: {  	s12 =	sadd.s32 $0x2580, s6;
	v30 =	vadd.s32 $0x279, v21;
	s4 =	sor.u32 s23, s11;
	[tilespmem:s22+$0x0] =	vst v28;
	v29 =	vld.idx.msk [tilespmem:v59+s15+$0x0], $0xffff  }
0x31a: {  	s13 =	sor.u32 s21, s12;
	[tilespmem:s4+$0x0] =	vst v58;
	v28 =	vld.idx.msk [tilespmem:v52+s15+$0x0], $0xffff  }
0x31b: {  	v35 =	vadd.s32 $0x266, v57;
	s8 =	sor.u32 s3, s11;
	s11 =	sor.u32 s0, s12;
	s22 =	sadd.s32 $0x5900, s24;
	[tilespmem:s13+$0x0] =	vst v20;
	v34 =	vld.idx.msk [tilespmem:v61+s15+$0x0], $0xffff  }
0x31c: {  	[dreg:$0x4] =	wrdreg s20;
	s20 =	sor.u32 s30, s5;
	s5 =	sor.u32 s1, s22;
	[tilespmem:s11+$0x0] =	vst v60;
	v19 =	vld.idx.msk [tilespmem:v19+s15+$0x0], $0xffff  }
0x31d: {  	v27 =	vadd.s32 $0x236, v27;
	s10 =	sadd.s32 $0x4780, s7;
	v31 =	vld.idx.msk [tilespmem:v31+s15+$0x0], $0xffff;
	[tilespmem:s5+$0x0] =	vst v22  }
0x31e: {  	s25 =	sor.u32 s30, s22;
	s22 =	sor.u32 s31, s10;
	v22 =	vadd.s32 $0xA, v6;
	v20 =	vld.idx.msk [tilespmem:v30+s15+$0x0], $0xffff;
	[tilespmem:s8+$0x0] =	vst v32  }
0x31f: {  	v21 =	vadd.s32 $0x27A, v21;
	[dreg:$0xd] =	wrdreg s25;
	s25 =	sadd.s32 $0x3780, s26;
	v30 =	vld.idx.msk [tilespmem:v48+s15+$0x0], $0xffff;
	[tilespmem:s22+$0x0] =	vst v29  }
0x320: {  	s12 =	sor.u32 s9, s10;
	s10 =	sadd.s32 $0x2600, s6;
	s5 =	sor.u32 s23, s25;
	[tilespmem:s2+$0x0] =	vst v28;
	v29 =	vld.idx.msk [tilespmem:v35+s15+$0x0], $0xffff  }
0x321: {  	s13 =	sadd.s32 $0x6580, s24;
	s11 =	sor.u32 s0, s10;
	[tilespmem:s5+$0x0] =	vst v34;
	v28 =	vld [tilespmem:s16+$0xC00]  }
0x322: {  	s2 =	sor.u32 s1, s13;
	v27 =	vld.idx.msk [tilespmem:v27+s15+$0x0], $0xffff;
	[tilespmem:s11+$0x0] =	vst v31  }
0x323: {  	s8 =	sor.u32 s21, s10;
	v22 =	vld.idx.msk [tilespmem:v22+s15+$0x0], $0xffff;
	[tilespmem:s2+$0x0] =	vst v20  }
0x324: {  	s4 =	sor.u32 s3, s25;
	s10 =	sadd.s32 $0x4800, s7;
	[tilespmem:s8+$0x0] =	vst v19;
	v20 =	vld.idx.msk [tilespmem:v21+s15+$0x0], $0xffff  }
0x325: {  	s25 =	smov.u32 s16;
	s22 =	sor.u32 s30, s13;
	s11 =	sor.u32 s31, s10;
	v21 =	vld.idx.msk [tilespmem:v17+s15+$0x0], $0xffff;
	[tilespmem:s4+$0x0] =	vst v30  }
0x326: {  	s13 =	sadd.s32 $0x3800, s26;
	[dreg:$0x9] =	wrdreg s22;
	s22 =	sor.u32 s9, s10;
	v24 =	vld.idx.msk [tilespmem:v24+s15+$0x0], $0xffff;
	[tilespmem:s11+$0x0] =	vst v29  }
0x327: {  	s16 =	sor.u32 s23, s13;
	s10 =	smov.u32 s18;
	v29 =	vadd.s32 $0xB, v6;
	v30 =	vld [tilespmem:s18+$0x600];
	s18 =	sadd.s32 $0x2680, s6  }
0x328: {  	s14 =	sadd.s32 $0x2, s14;
	v63 =	vld.idx.msk [tilespmem:v25+s15+$0x0], $0xffff;
	v17 =	vshll.u32 v28, $0x1;
	[tilespmem:s16+$0x0] =	vst v27;
	s8 =	sor.u32 s0, s18  }
0x329: {  	s2 =	sor.u32 s3, s13;
	s13 =	sadd.s32 $0x6600, s24;
	v62 =	vadd.s32 $0x265, v17;
	s5 =	sor.u32 s21, s18;
	v31 =	vld [tilespmem:s29+$0xFFFFFE00];
	[tilespmem:s8+$0x0] =	vst v22  }
0x32a: {  	p0 =	slt.u32 s14, $0x1E;
	s19 =	sadd.s32 $0x20, s19;
	v19 =	vadd.s32 $0x266, v17;
	s16 =	sor.u32 s1, s13;
	v17 =	vld.idx.msk [tilespmem:v3+s15+$0x0], $0xffff;
	[tilespmem:s5+$0x0] =	vst v21  }
.Ltmp0:
0x32b: {  	s24 =	rddreg [dreg:$0x11];
	s4 =	sor.u32 s30, s13;
	[tilespmem:s16+$0x0] =	vst v20;
	v28 =	vld.idx.msk [tilespmem:v18+s15+$0x0], $0xffff;
	(pc) =	sbr.rel @p0 .LBB2_2-.Ltmp0, $4  }
0x32c: {  	s30 =	smov.u32 s9;
	s13 =	smov.u32 s7;
	s7 =	smov.u32 s26;
	[tilespmem:s2+$0x0] =	vst v24;
	v27 =	vld.idx.msk [tilespmem:v29+s15+$0x0], $0xffff  }
0x32d: {  	s26 =	smov.u32 s6;
	s1 =	smov.u32 s31;
	s18 =	rddreg [dreg:$0x12];
	v25 =	vld [tilespmem:s28+$0x600]  }
0x32e: {  	v11 =	vmovc v38;
	v12 =	vmovc v39;
	v3 =	vmov v26;
	s31 =	smov.u32 s23;
	s23 =	smov.u32 s0;
	s0 =	sadd.s32 $0x2700, s26;
	v20 =	vshll.u32 v30, $0x1;
	v21 =	vld.idx.msk [tilespmem:v62+s15+$0x0], $0xffff;
	[tilespmem:s18+$0x0] =	vst v63;
	v24 =	vshll.u32 v31, $0x1  }
0x32f: {  	s16 =	smov.u32 s3;
	s3 =	smov.u32 s21;
	s21 =	rddreg [dreg:$0x13];
	v29 =	vadd.s32 $0xC, v6;
	v22 =	vadd.s32 $0x26B, v20;
	v18 =	vld.idx.msk [tilespmem:v1+s15+$0x0], $0xffff;
	v1 =	vmovc v0;
	v0 =	vmovc v23;
	v26 =	vadd.s32 $0x253, v24  }
0x330: {  	_ =	sdelay $0x1  }
0x331: {  	s2 =	sor.u32 s23, s0  }
0x332: {  	[tilespmem:s2+$0x0] =	vst v27  }
0x333: {  	s2 =	sor.u32 s3, s0;
	v23 =	vld.idx.msk [tilespmem:v29+s15+$0x0], $0xffff  }
0x334: {  	v62 =	vadd.s32 $0xD, v6;
	[tilespmem:s2+$0x0] =	vst v28  }
0x335: {  	v16 =	vld.idx.msk [tilespmem:v16+s15+$0x0], $0xffff  }
0x336: {  	s5 =	sadd.s32 $0x2780, s26  }
0x337: {  	s6 =	sor.u32 s23, s5  }
0x338: {  	[tilespmem:s6+$0x0] =	vst v23  }
0x339: {  	s0 =	sor.u32 s3, s5;
	v23 =	vld.idx.msk [tilespmem:v62+s15+$0x0], $0xffff  }
0x33a: {  	v63 =	vadd.s32 $0xE, v6;
	[tilespmem:s0+$0x0] =	vst v16  }
0x33b: {  	v14 =	vld.idx.msk [tilespmem:v14+s15+$0x0], $0xffff  }
0x33c: {  	s8 =	sadd.s32 $0x2800, s26  }
0x33d: {  	s9 =	sor.u32 s23, s8  }
0x33e: {  	[tilespmem:s9+$0x0] =	vst v23  }
0x33f: {  	s0 =	sor.u32 s3, s8;
	v30 =	vld.idx.msk [tilespmem:v63+s15+$0x0], $0xffff  }
0x340: {  	v31 =	vadd.s32 $0xF, v6;
	[tilespmem:s0+$0x0] =	vst v14  }
0x341: {  	v13 =	vld.idx.msk [tilespmem:v13+s15+$0x0], $0xffff  }
0x342: {  	s11 =	sadd.s32 $0x2880, s26  }
0x343: {  	s14 =	sor.u32 s23, s11  }
0x344: {  	[tilespmem:s14+$0x0] =	vst v30  }
0x345: {  	s0 =	sor.u32 s3, s11;
	v32 =	vld.idx.msk [tilespmem:v31+s15+$0x0], $0xffff  }
0x346: {  	v33 =	vadd.s32 $0x10, v6;
	[tilespmem:s0+$0x0] =	vst v13  }
0x347: {  	v11 =	vld.idx.msk [tilespmem:v11+s15+$0x0], $0xffff  }
0x348: {  	s17 =	sadd.s32 $0x2900, s26  }
0x349: {  	s18 =	sor.u32 s23, s17  }
0x34a: {  	[tilespmem:s18+$0x0] =	vst v32  }
0x34b: {  	s0 =	sor.u32 s3, s17;
	v6 =	vld.idx.msk [tilespmem:v33+s15+$0x0], $0xffff  }
0x34c: {  	[tilespmem:s0+$0x0] =	vst v11  }
0x34d: {  	v11 =	vld.idx.msk [tilespmem:v12+s15+$0x0], $0xffff  }
0x34e: {  	s19 =	sadd.s32 $0x3580, s26  }
0x34f: {  	s5 =	sor.u32 s23, s19  }
0x350: {  	[tilespmem:s5+$0x0] =	vst v6  }
0x351: {  	s0 =	sor.u32 s3, s19;
	s11 =	rddreg [dreg:$0x3]  }
0x352: {  	[tilespmem:s0+$0x0] =	vst v11;
	v6 =	vld [tilespmem:s11+$0xFFFFFA00]  }
0x353: {  	s17 =	rddreg [dreg:$0xb]  }
0x354: {  	v11 =	vld [tilespmem:s17+$0x200];
	_ =	sdelay $0x2  }
0x355: {  	v6 =	vadd.s32 $0x231, v6;
	_ =	sdelay $0x1  }
0x356: {  	v11 =	vadd.s32 $0x231, v11;
	_ =	sdelay $0x2  }
0x357: {  	v6 =	vld.idx.msk [tilespmem:v6+s15+$0x0], $0xffff;
	_ =	sdelay $0x1  }
0x358: {  	v11 =	vld.idx.msk [tilespmem:v11+s15+$0x0], $0xffff  }
0x359: {  	s6 =	sadd.s32 $0x3600, s26  }
0x35a: {  	s8 =	sor.u32 s23, s6  }
0x35b: {  	[tilespmem:s8+$0x0] =	vst v6  }
0x35c: {  	s0 =	sor.u32 s3, s6;
	v6 =	vld [tilespmem:s11+$0xFFFFFC00]  }
0x35d: {  	[tilespmem:s0+$0x0] =	vst v11  }
0x35e: {  	v11 =	vld [tilespmem:s17+$0x400];
	_ =	sdelay $0x2  }
0x35f: {  	v6 =	vshll.u32 v6, $0x2  }
0x360: {  	v34 =	vadd.s32 $0x233, v6  }
0x361: {  	v11 =	vshll.u32 v11, $0x2  }
0x362: {  	v35 =	vadd.s32 $0x233, v11;
	_ =	sdelay $0x2  }
0x363: {  	v12 =	vld.idx.msk [tilespmem:v34+s15+$0x0], $0xffff  }
0x364: {  	v36 =	vadd.s32 $0x234, v6  }
0x365: {  	v13 =	vld.idx.msk [tilespmem:v35+s15+$0x0], $0xffff  }
0x366: {  	s9 =	sadd.s32 $0x3680, s26;
	v37 =	vadd.s32 $0x234, v11  }
0x367: {  	s14 =	sor.u32 s23, s9  }
0x368: {  	[tilespmem:s14+$0x0] =	vst v12  }
0x369: {  	s0 =	sor.u32 s3, s9;
	v12 =	vld.idx.msk [tilespmem:v36+s15+$0x0], $0xffff  }
0x36a: {  	v38 =	vadd.s32 $0x235, v6;
	[tilespmem:s0+$0x0] =	vst v13  }
0x36b: {  	v13 =	vld.idx.msk [tilespmem:v37+s15+$0x0], $0xffff  }
0x36c: {  	s18 =	sadd.s32 $0x3700, s26;
	v39 =	vadd.s32 $0x235, v11  }
0x36d: {  	s19 =	sor.u32 s23, s18  }
0x36e: {  	[tilespmem:s19+$0x0] =	vst v12  }
0x36f: {  	s0 =	sor.u32 s3, s18;
	v12 =	vld.idx.msk [tilespmem:v38+s15+$0x0], $0xffff  }
0x370: {  	v6 =	vadd.s32 $0x236, v6;
	[tilespmem:s0+$0x0] =	vst v13  }
0x371: {  	v13 =	vld.idx.msk [tilespmem:v39+s15+$0x0], $0xffff  }
0x372: {  	s5 =	sadd.s32 $0x3780, s26;
	v11 =	vadd.s32 $0x236, v11  }
0x373: {  	s6 =	sor.u32 s23, s5  }
0x374: {  	[tilespmem:s6+$0x0] =	vst v12  }
0x375: {  	s0 =	sor.u32 s3, s5;
	v6 =	vld.idx.msk [tilespmem:v6+s15+$0x0], $0xffff  }
0x376: {  	[tilespmem:s0+$0x0] =	vst v13  }
0x377: {  	v11 =	vld.idx.msk [tilespmem:v11+s15+$0x0], $0xffff  }
0x378: {  	s8 =	sadd.s32 $0x3800, s26  }
0x379: {  	s9 =	sor.u32 s23, s8  }
0x37a: {  	[tilespmem:s9+$0x0] =	vst v6  }
0x37b: {  	s0 =	sor.u32 s3, s8;
	v6 =	vld [tilespmem:s11+$0xFFFFFE00]  }
0x37c: {  	[tilespmem:s0+$0x0] =	vst v11  }
0x37d: {  	v40 =	vshll.u32 v25, $0x1;
	v11 =	vld [tilespmem:s17+$0x600]  }
0x37e: {  	v41 =	vadd.s32 $0x253, v40;
	_ =	sdelay $0x1  }
0x37f: {  	v6 =	vshll.u32 v6, $0x1  }
0x380: {  	v43 =	vld.idx.msk [tilespmem:v26+s15+$0x0], $0xffff;
	v42 =	vadd.s32 $0x253, v6  }
0x381: {  	v24 =	vadd.s32 $0x254, v24;
	v11 =	vshll.u32 v11, $0x1  }
0x382: {  	v13 =	vld.idx.msk [tilespmem:v41+s15+$0x0], $0xffff;
	v44 =	vadd.s32 $0x253, v11  }
0x383: {  	s14 =	sadd.s32 $0x3880, s7;
	v12 =	vadd.s32 $0x254, v40  }
0x384: {  	s18 =	sor.u32 s31, s14  }
0x385: {  	[tilespmem:s18+$0x0] =	vst v43;
	v14 =	vld.idx.msk [tilespmem:v42+s15+$0x0], $0xffff  }
0x386: {  	v46 =	vld.idx.msk [tilespmem:v24+s15+$0x0], $0xffff;
	s0 =	sor.u32 s16, s14;
	v6 =	vadd.s32 $0x254, v6  }
0x387: {  	[tilespmem:s0+$0x0] =	vst v13;
	v45 =	vld.idx.msk [tilespmem:v44+s15+$0x0], $0xffff  }
0x388: {  	s19 =	sadd.s32 $0x3880, s26;
	v12 =	vld.idx.msk [tilespmem:v12+s15+$0x0], $0xffff;
	v11 =	vadd.s32 $0x254, v11  }
0x389: {  	s5 =	sor.u32 s23, s19;
	s8 =	sadd.s32 $0x3900, s7  }
0x38a: {  	s9 =	sor.u32 s31, s8;
	[tilespmem:s5+$0x0] =	vst v14  }
0x38b: {  	s6 =	sor.u32 s3, s19;
	[tilespmem:s9+$0x0] =	vst v46;
	v6 =	vld.idx.msk [tilespmem:v6+s15+$0x0], $0xffff  }
0x38c: {  	s14 =	sor.u32 s16, s8;
	v47 =	vld [tilespmem:s29+$0x0];
	[tilespmem:s6+$0x0] =	vst v45  }
0x38d: {  	[tilespmem:s14+$0x0] =	vst v12;
	v11 =	vld.idx.msk [tilespmem:v11+s15+$0x0], $0xffff  }
0x38e: {  	s18 =	sadd.s32 $0x3900, s26;
	v48 =	vld [tilespmem:s28+$0x800]  }
0x38f: {  	s19 =	sor.u32 s23, s18  }
0x390: {  	[tilespmem:s19+$0x0] =	vst v6  }
0x391: {  	s2 =	sor.u32 s3, s18;
	v50 =	vshll.u32 v47, $0x1;
	v49 =	vld [tilespmem:s11+$0x0]  }
0x392: {  	v52 =	vadd.s32 $0x259, v50;
	[tilespmem:s2+$0x0] =	vst v11  }
0x393: {  	v6 =	vshll.u32 v48, $0x1;
	v51 =	vld [tilespmem:s17+$0x800]  }
0x394: {  	v53 =	vadd.s32 $0x259, v6;
	_ =	sdelay $0x1  }
0x395: {  	v13 =	vshll.u32 v49, $0x1  }
0x396: {  	v14 =	vld.idx.msk [tilespmem:v52+s15+$0x0], $0xffff;
	v54 =	vadd.s32 $0x259, v13  }
0x397: {  	v11 =	vadd.s32 $0x25A, v50;
	v12 =	vshll.u32 v51, $0x1  }
0x398: {  	v16 =	vld.idx.msk [tilespmem:v53+s15+$0x0], $0xffff;
	v55 =	vadd.s32 $0x259, v12  }
0x399: {  	s5 =	sadd.s32 $0x4580, s7;
	v6 =	vadd.s32 $0x25A, v6  }
0x39a: {  	s6 =	sor.u32 s31, s5  }
0x39b: {  	[tilespmem:s6+$0x0] =	vst v14;
	v23 =	vld.idx.msk [tilespmem:v54+s15+$0x0], $0xffff  }
0x39c: {  	s0 =	sor.u32 s16, s5;
	v11 =	vld.idx.msk [tilespmem:v11+s15+$0x0], $0xffff;
	v13 =	vadd.s32 $0x25A, v13  }
0x39d: {  	[tilespmem:s0+$0x0] =	vst v16;
	v56 =	vld.idx.msk [tilespmem:v55+s15+$0x0], $0xffff  }
0x39e: {  	s8 =	sadd.s32 $0x4580, s26;
	v12 =	vadd.s32 $0x25A, v12;
	v6 =	vld.idx.msk [tilespmem:v6+s15+$0x0], $0xffff  }
0x39f: {  	s18 =	sadd.s32 $0x4600, s7;
	s9 =	sor.u32 s23, s8  }
0x3a0: {  	s19 =	sor.u32 s31, s18;
	[tilespmem:s9+$0x0] =	vst v23  }
0x3a1: {  	s14 =	sor.u32 s3, s8;
	[tilespmem:s19+$0x0] =	vst v11;
	v13 =	vld.idx.msk [tilespmem:v13+s15+$0x0], $0xffff  }
0x3a2: {  	s5 =	sor.u32 s16, s18;
	v58 =	vld [tilespmem:s29+$0x200];
	[tilespmem:s14+$0x0] =	vst v56  }
0x3a3: {  	[tilespmem:s5+$0x0] =	vst v6;
	v57 =	vld.idx.msk [tilespmem:v12+s15+$0x0], $0xffff  }
0x3a4: {  	s6 =	sadd.s32 $0x4600, s26;
	v59 =	vld [tilespmem:s28+$0xA00]  }
0x3a5: {  	s8 =	sor.u32 s23, s6  }
0x3a6: {  	[tilespmem:s8+$0x0] =	vst v13  }
0x3a7: {  	s9 =	sor.u32 s3, s6;
	v6 =	vshll.u32 v58, $0x1;
	v13 =	vld [tilespmem:s11+$0x200]  }
0x3a8: {  	v60 =	vadd.s32 $0x25F, v6;
	[tilespmem:s9+$0x0] =	vst v57  }
0x3a9: {  	v12 =	vshll.u32 v59, $0x1;
	v11 =	vld [tilespmem:s17+$0xA00]  }
0x3aa: {  	v61 =	vadd.s32 $0x25F, v12;
	_ =	sdelay $0x1  }
0x3ab: {  	v13 =	vshll.u32 v13, $0x1  }
0x3ac: {  	v14 =	vld.idx.msk [tilespmem:v60+s15+$0x0], $0xffff;
	v62 =	vadd.s32 $0x25F, v13  }
0x3ad: {  	v6 =	vadd.s32 $0x260, v6;
	v11 =	vshll.u32 v11, $0x1  }
0x3ae: {  	v16 =	vld.idx.msk [tilespmem:v61+s15+$0x0], $0xffff;
	v63 =	vadd.s32 $0x25F, v11  }
0x3af: {  	s14 =	sadd.s32 $0x4680, s7;
	v12 =	vadd.s32 $0x260, v12  }
0x3b0: {  	s18 =	sor.u32 s31, s14  }
0x3b1: {  	[tilespmem:s18+$0x0] =	vst v14;
	v23 =	vld.idx.msk [tilespmem:v62+s15+$0x0], $0xffff  }
0x3b2: {  	s0 =	sor.u32 s16, s14;
	v6 =	vld.idx.msk [tilespmem:v6+s15+$0x0], $0xffff;
	v13 =	vadd.s32 $0x260, v13  }
0x3b3: {  	[tilespmem:s0+$0x0] =	vst v16;
	v24 =	vld.idx.msk [tilespmem:v63+s15+$0x0], $0xffff  }
0x3b4: {  	s19 =	sadd.s32 $0x4680, s26;
	v11 =	vadd.s32 $0x260, v11;
	v12 =	vld.idx.msk [tilespmem:v12+s15+$0x0], $0xffff  }
0x3b5: {  	s5 =	sor.u32 s23, s19;
	s8 =	sadd.s32 $0x4700, s7  }
0x3b6: {  	v25 =	vld.idx.msk [tilespmem:v22+s15+$0x0], $0xffff;
	s9 =	sor.u32 s31, s8;
	[tilespmem:s5+$0x0] =	vst v23  }
0x3b7: {  	s6 =	sor.u32 s3, s19;
	[tilespmem:s9+$0x0] =	vst v6;
	v13 =	vld.idx.msk [tilespmem:v13+s15+$0x0], $0xffff  }
0x3b8: {  	s14 =	sor.u32 s16, s8;
	v27 =	vld [tilespmem:s29+$0x400];
	[tilespmem:s6+$0x0] =	vst v24  }
0x3b9: {  	[tilespmem:s14+$0x0] =	vst v12;
	v26 =	vld.idx.msk [tilespmem:v11+s15+$0x0], $0xffff  }
0x3ba: {  	s18 =	sadd.s32 $0x4700, s26;
	v12 =	vld [tilespmem:s28+$0xC00]  }
0x3bb: {  	v28 =	vadd.s32 $0x26C, v20;
	s19 =	sor.u32 s23, s18  }
0x3bc: {  	[tilespmem:s19+$0x0] =	vst v13  }
0x3bd: {  	s0 =	sadd.s32 $0x4880, s13;
	s5 =	sor.u32 s3, s18;
	v11 =	vshll.u32 v27, $0x1;
	v13 =	vld [tilespmem:s11+$0x400]  }
0x3be: {  	s6 =	sor.u32 s1, s0;
	v31 =	vadd.s32 $0x265, v11;
	[tilespmem:s5+$0x0] =	vst v26  }
0x3bf: {  	[tilespmem:s6+$0x0] =	vst v25;
	v12 =	vshll.u32 v12, $0x1;
	v30 =	vld [tilespmem:s17+$0xC00]  }
0x3c0: {  	[tilespmem:s12+$0x0] =	vst v21;
	v16 =	vld.idx.msk [tilespmem:v28+s15+$0x0], $0xffff;
	v32 =	vadd.s32 $0x265, v12  }
0x3c1: {  	v29 =	vld.idx.msk [tilespmem:v19+s15+$0x0], $0xffff  }
0x3c2: {  	v13 =	vshll.u32 v13, $0x1  }
0x3c3: {  	s2 =	sadd.s32 $0x4900, s13;
	v20 =	vld.idx.msk [tilespmem:v31+s15+$0x0], $0xffff;
	v33 =	vadd.s32 $0x265, v13  }
0x3c4: {  	v11 =	vadd.s32 $0x266, v11;
	s5 =	sor.u32 s1, s2;
	v19 =	vshll.u32 v30, $0x1  }
0x3c5: {  	[tilespmem:s5+$0x0] =	vst v16;
	v14 =	vld.idx.msk [tilespmem:v32+s15+$0x0], $0xffff;
	v34 =	vadd.s32 $0x265, v19  }
0x3c6: {  	[tilespmem:s22+$0x0] =	vst v29;
	s8 =	sadd.s32 $0x4780, s7;
	v12 =	vadd.s32 $0x266, v12;
	v36 =	vld [tilespmem:s10+$0x800]  }
0x3c7: {  	v6 =	vld [tilespmem:s25+$0xE00];
	s6 =	sor.u32 s31, s8  }
0x3c8: {  	[tilespmem:s6+$0x0] =	vst v20;
	v35 =	vld.idx.msk [tilespmem:v33+s15+$0x0], $0xffff  }
0x3c9: {  	s5 =	sor.u32 s16, s8;
	v13 =	vadd.s32 $0x266, v13;
	v11 =	vld.idx.msk [tilespmem:v11+s15+$0x0], $0xffff  }
0x3ca: {  	[tilespmem:s5+$0x0] =	vst v14;
	v22 =	vld.idx.msk [tilespmem:v34+s15+$0x0], $0xffff  }
0x3cb: {  	s9 =	sadd.s32 $0x4780, s26;
	v38 =	vadd.s32 $0x266, v19;
	v39 =	vld.idx.msk [tilespmem:v12+s15+$0x0], $0xffff;
	v12 =	vmul.u32 $0xA, v36  }
0x3cc: {  	s14 =	sadd.s32 $0x4800, s7;
	s10 =	sor.u32 s23, s9  }
0x3cd: {  	s18 =	sor.u32 s31, s14;
	v40 =	vadd.s32 $0x271, v12;
	[tilespmem:s10+$0x0] =	vst v35  }
0x3ce: {  	s12 =	sor.u32 s3, s9;
	[tilespmem:s18+$0x0] =	vst v11;
	v13 =	vld.idx.msk [tilespmem:v13+s15+$0x0], $0xffff  }
0x3cf: {  	v6 =	vshll.u32 v6, $0x1;
	s19 =	sor.u32 s16, s14;
	v42 =	vld [tilespmem:s29+$0x600];
	[tilespmem:s12+$0x0] =	vst v22  }
0x3d0: {  	v37 =	vadd.s32 $0x26B, v6;
	[tilespmem:s19+$0x0] =	vst v39;
	v41 =	vld.idx.msk [tilespmem:v38+s15+$0x0], $0xffff  }
0x3d1: {  	s22 =	sadd.s32 $0x4800, s26;
	v43 =	vld [tilespmem:s28+$0xE00]  }
0x3d2: {  	s8 =	sor.u32 s23, s22;
	v19 =	vld.idx.msk [tilespmem:v40+s15+$0x0], $0xffff  }
0x3d3: {  	v45 =	vadd.s32 $0x272, v12;
	[tilespmem:s8+$0x0] =	vst v13  }
0x3d4: {  	s9 =	sor.u32 s3, s22;
	v14 =	vshll.u32 v42, $0x1;
	v44 =	vld [tilespmem:s11+$0x600]  }
0x3d5: {  	v20 =	vld.idx.msk [tilespmem:v37+s15+$0x0], $0xffff;
	s5 =	sadd.s32 $0x5580, s13;
	v47 =	vadd.s32 $0x26B, v14;
	[tilespmem:s9+$0x0] =	vst v41  }
0x3d6: {  	s10 =	sor.u32 s1, s5;
	v46 =	vld [tilespmem:s17+$0xE00]  }
0x3d7: {  	v6 =	vadd.s32 $0x26C, v6;
	v13 =	vshll.u32 v43, $0x1;
	[tilespmem:s10+$0x0] =	vst v19  }
0x3d8: {  	v48 =	vadd.s32 $0x26B, v13;
	v50 =	vld.idx.msk [tilespmem:v45+s15+$0x0], $0xffff  }
0x3d9: {  	v52 =	vadd.s32 $0x273, v12;
	v16 =	vshll.u32 v44, $0x1  }
0x3da: {  	s0 =	sor.u32 s30, s0;
	v21 =	vld.idx.msk [tilespmem:v47+s15+$0x0], $0xffff;
	v49 =	vadd.s32 $0x26B, v16  }
0x3db: {  	v54 =	vld.idx.msk [tilespmem:v15+s15+$0x0], $0xffff;
	s6 =	sadd.s32 $0x5600, s13;
	[tilespmem:s0+$0x0] =	vst v20;
	v14 =	vadd.s32 $0x26C, v14;
	v20 =	vshll.u32 v46, $0x1  }
0x3dc: {  	s14 =	sor.u32 s1, s6;
	v6 =	vld.idx.msk [tilespmem:v6+s15+$0x0], $0xffff;
	v53 =	vadd.s32 $0x26B, v20  }
0x3dd: {  	s18 =	sadd.s32 $0x4880, s7;
	v22 =	vld.idx.msk [tilespmem:v48+s15+$0x0], $0xffff;
	[tilespmem:s14+$0x0] =	vst v50  }
0x3de: {  	s19 =	sor.u32 s31, s18;
	v13 =	vadd.s32 $0x26C, v13;
	v11 =	vld.idx.msk [tilespmem:v52+s15+$0x0], $0xffff  }
0x3df: {  	v56 =	vadd.s32 $0x274, v12;
	[tilespmem:s19+$0x0] =	vst v21;
	v19 =	vld.idx.msk [tilespmem:v49+s15+$0x0], $0xffff  }
0x3e0: {  	s12 =	sor.u32 s30, s2;
	v55 =	vadd.s32 $0x26C, v16;
	v14 =	vld.idx.msk [tilespmem:v14+s15+$0x0], $0xffff  }
0x3e1: {  	s0 =	sor.u32 s16, s18;
	[tilespmem:s12+$0x0] =	vst v6;
	s9 =	sadd.s32 $0x5680, s13;
	v57 =	vld.idx.msk [tilespmem:v53+s15+$0x0], $0xffff  }
0x3e2: {  	s22 =	sadd.s32 $0x4880, s26;
	v51 =	vld [tilespmem:s25+$0x1000];
	s8 =	sor.u32 s1, s9;
	v20 =	vadd.s32 $0x26C, v20;
	[tilespmem:s0+$0x0] =	vst v22  }
0x3e3: {  	s12 =	sadd.s32 $0x4900, s7;
	s25 =	sor.u32 s23, s22;
	v13 =	vld.idx.msk [tilespmem:v13+s15+$0x0], $0xffff;
	[tilespmem:s8+$0x0] =	vst v11  }
0x3e4: {  	s14 =	sor.u32 s31, s12;
	v11 =	vld.idx.msk [tilespmem:v56+s15+$0x0], $0xffff;
	[tilespmem:s25+$0x0] =	vst v19  }
0x3e5: {  	s10 =	sor.u32 s3, s22;
	[tilespmem:s14+$0x0] =	vst v14;
	v58 =	vld.idx.msk [tilespmem:v55+s15+$0x0], $0xffff  }
0x3e6: {  	v61 =	vld [tilespmem:s29+$0x800];
	[tilespmem:s10+$0x0] =	vst v57  }
0x3e7: {  	[tilespmem:s21+$0x0] =	vst v54;
	v59 =	vadd.s32 $0x275, v12;
	v60 =	vld.idx.msk [tilespmem:v20+s15+$0x0], $0xffff  }
0x3e8: {  	v10 =	vld.idx.msk [tilespmem:v10+s15+$0x0], $0xffff;
	s18 =	sor.u32 s16, s12;
	s19 =	sadd.s32 $0x4900, s26  }
0x3e9: {  	s21 =	sor.u32 s23, s19;
	s8 =	sadd.s32 $0x5700, s13;
	[tilespmem:s18+$0x0] =	vst v13  }
0x3ea: {  	s22 =	sor.u32 s1, s8;
	v13 =	vld [tilespmem:s28+$0x1000];
	[tilespmem:s21+$0x0] =	vst v58  }
0x3eb: {  	s25 =	sor.u32 s3, s19;
	s0 =	rddreg [dreg:$0xe];
	v6 =	vld [tilespmem:s11+$0x800];
	[tilespmem:s22+$0x0] =	vst v11  }
0x3ec: {  	[tilespmem:s25+$0x0] =	vst v60;
	v11 =	vmul.u32 $0xA, v61;
	v14 =	vld.idx.msk [tilespmem:v59+s15+$0x0], $0xffff  }
0x3ed: {  	v63 =	vadd.s32 $0x276, v12;
	[tilespmem:s0+$0x0] =	vst v10;
	v24 =	vld [tilespmem:s17+$0x1000]  }
0x3ee: {  	v10 =	vmul.u32 $0xA, v51;
	v62 =	vld.idx.msk [tilespmem:v9+s15+$0x0], $0xffff;
	s0 =	rddreg [dreg:$0x6];
	v25 =	vadd.s32 $0x271, v11  }
0x3ef: {  	s2 =	sadd.s32 $0x5780, s13;
	[tilespmem:s0+$0x0] =	vst v17  }
0x3f0: {  	s28 =	sor.u32 s1, s2;
	v27 =	vadd.s32 $0x271, v10;
	v17 =	vld.idx.msk [tilespmem:v5+s15+$0x0], $0xffff;
	v9 =	vmul.u32 $0xA, v6  }
0x3f1: {  	v6 =	vmul.u32 $0xA, v13;
	[tilespmem:s28+$0x0] =	vst v14  }
0x3f2: {  	v5 =	vmul.u32 $0xA, v24;
	v26 =	vadd.s32 $0x271, v9;
	s0 =	rddreg [dreg:$0x8];
	v14 =	vld.idx.msk [tilespmem:v63+s15+$0x0], $0xffff  }
0x3f3: {  	v28 =	vadd.s32 $0x271, v6;
	v29 =	vld.idx.msk [tilespmem:v25+s15+$0x0], $0xffff;
	[tilespmem:s0+$0x0] =	vst v62  }
0x3f4: {  	v30 =	vadd.s32 $0x271, v5;
	v7 =	vld.idx.msk [tilespmem:v7+s15+$0x0], $0xffff;
	s0 =	rddreg [dreg:$0x5]  }
0x3f5: {  	v31 =	vadd.s32 $0x272, v11;
	v33 =	vld.idx.msk [tilespmem:v27+s15+$0x0], $0xffff;
	[tilespmem:s0+$0x0] =	vst v17;
	s0 =	sadd.s32 $0x5800, s13  }
0x3f6: {  	v32 =	vadd.s32 $0x277, v12;
	s10 =	sadd.s32 $0x5580, s7;
	[tilespmem:s24+$0x0] =	vst v18;
	v4 =	vld.idx.msk [tilespmem:v4+s15+$0x0], $0xffff;
	s29 =	sor.u32 s1, s0  }
0x3f7: {  	s12 =	sor.u32 s31, s10;
	v35 =	vadd.s32 $0x272, v10;
	v13 =	vld.idx.msk [tilespmem:v26+s15+$0x0], $0xffff;
	[tilespmem:s29+$0x0] =	vst v14  }
0x3f8: {  	v34 =	vadd.s32 $0x272, v9;
	v36 =	vld.idx.msk [tilespmem:v28+s15+$0x0], $0xffff;
	s11 =	rddreg [dreg:$0x7];
	[tilespmem:s12+$0x0] =	vst v29  }
0x3f9: {  	s5 =	sor.u32 s30, s5;
	v37 =	vadd.s32 $0x272, v6;
	v38 =	vld.idx.msk [tilespmem:v30+s15+$0x0], $0xffff;
	[tilespmem:s11+$0x0] =	vst v7  }
0x3fa: {  	s14 =	sadd.s32 $0x5580, s26;
	v40 =	vadd.s32 $0x272, v5;
	v39 =	vld.idx.msk [tilespmem:v31+s15+$0x0], $0xffff;
	s12 =	rddreg [dreg:$0x4];
	[tilespmem:s5+$0x0] =	vst v33  }
0x3fb: {  	s18 =	sor.u32 s23, s14;
	v41 =	vadd.s32 $0x273, v11;
	v18 =	vld.idx.msk [tilespmem:v32+s15+$0x0], $0xffff;
	[tilespmem:s12+$0x0] =	vst v4  }
0x3fc: {  	s19 =	sor.u32 s16, s10;
	v44 =	vld.idx.msk [tilespmem:v35+s15+$0x0], $0xffff;
	[tilespmem:s18+$0x0] =	vst v13  }
0x3fd: {  	s21 =	sadd.s32 $0x5600, s7;
	v46 =	vadd.s32 $0x273, v10;
	s11 =	sor.u32 s3, s14;
	[tilespmem:s19+$0x0] =	vst v36;
	v43 =	vld.idx.msk [tilespmem:v34+s15+$0x0], $0xffff  }
0x3fe: {  	s22 =	sor.u32 s31, s21;
	v45 =	vadd.s32 $0x273, v9;
	s5 =	sadd.s32 $0x5880, s13;
	v16 =	vld.idx.msk [tilespmem:v37+s15+$0x0], $0xffff;
	[tilespmem:s11+$0x0] =	vst v38  }
0x3ff: {  	v47 =	vadd.s32 $0x273, v6;
	s24 =	sor.u32 s1, s5;
	[tilespmem:s22+$0x0] =	vst v39;
	v17 =	vld.idx.msk [tilespmem:v40+s15+$0x0], $0xffff  }
0x400: {  	s6 =	sor.u32 s30, s6;
	s25 =	sadd.s32 $0x5600, s26;
	v49 =	vadd.s32 $0x273, v5;
	[tilespmem:s24+$0x0] =	vst v18;
	v48 =	vld.idx.msk [tilespmem:v41+s15+$0x0], $0xffff  }
0x401: {  	v50 =	vadd.s32 $0x274, v11;
	s28 =	sor.u32 s23, s25;
	v3 =	vld.idx.msk [tilespmem:v3+s15+$0x0], $0xffff;
	[tilespmem:s6+$0x0] =	vst v44  }
0x402: {  	v42 =	vadd.s32 $0x278, v12;
	s29 =	sor.u32 s16, s21;
	v15 =	vld.idx.msk [tilespmem:v46+s15+$0x0], $0xffff;
	[tilespmem:s28+$0x0] =	vst v43  }
0x403: {  	s10 =	sadd.s32 $0x5680, s7;
	v53 =	vadd.s32 $0x274, v10;
	s14 =	sor.u32 s3, s25;
	[tilespmem:s29+$0x0] =	vst v16;
	v7 =	vld.idx.msk [tilespmem:v45+s15+$0x0], $0xffff  }
0x404: {  	v52 =	vadd.s32 $0x274, v9;
	s18 =	sor.u32 s31, s10;
	v4 =	vld.idx.msk [tilespmem:v47+s15+$0x0], $0xffff;
	[tilespmem:s14+$0x0] =	vst v17  }
0x405: {  	v54 =	vadd.s32 $0x274, v6;
	[tilespmem:s18+$0x0] =	vst v48;
	v55 =	vld.idx.msk [tilespmem:v49+s15+$0x0], $0xffff  }
0x406: {  	s9 =	sor.u32 s30, s9;
	v57 =	vadd.s32 $0x274, v5;
	s21 =	sadd.s32 $0x5680, s26;
	[tilespmem:s20+$0x0] =	vst v3;
	v56 =	vld.idx.msk [tilespmem:v50+s15+$0x0], $0xffff  }
0x407: {  	v58 =	vadd.s32 $0x275, v11;
	v13 =	vld.idx.msk [tilespmem:v42+s15+$0x0], $0xffff;
	s22 =	sor.u32 s23, s21;
	[tilespmem:s9+$0x0] =	vst v15  }
0x408: {  	v51 =	vadd.s32 $0x279, v12;
	s24 =	sor.u32 s16, s10;
	v15 =	vld.idx.msk [tilespmem:v53+s15+$0x0], $0xffff;
	[tilespmem:s22+$0x0] =	vst v7  }
0x409: {  	v62 =	vadd.s32 $0x275, v10;
	s25 =	sadd.s32 $0x5700, s7;
	s28 =	sor.u32 s3, s21;
	[tilespmem:s24+$0x0] =	vst v4;
	v60 =	vld.idx.msk [tilespmem:v52+s15+$0x0], $0xffff  }
0x40a: {  	v61 =	vadd.s32 $0x275, v9;
	s6 =	sadd.s32 $0x5900, s13;
	s29 =	sor.u32 s31, s25;
	v17 =	vld.idx.msk [tilespmem:v54+s15+$0x0], $0xffff;
	[tilespmem:s28+$0x0] =	vst v55  }
0x40b: {  	v63 =	vadd.s32 $0x275, v6;
	s19 =	sor.u32 s1, s6;
	[tilespmem:s29+$0x0] =	vst v56;
	v18 =	vld.idx.msk [tilespmem:v57+s15+$0x0], $0xffff  }
0x40c: {  	s8 =	sor.u32 s30, s8;
	v22 =	vadd.s32 $0x275, v5;
	[tilespmem:s19+$0x0] =	vst v13;
	s14 =	sadd.s32 $0x5700, s26;
	v21 =	vld.idx.msk [tilespmem:v58+s15+$0x0], $0xffff  }
0x40d: {  	v23 =	vadd.s32 $0x276, v11;
	v14 =	vld.idx.msk [tilespmem:v51+s15+$0x0], $0xffff;
	s18 =	sor.u32 s23, s14;
	[tilespmem:s8+$0x0] =	vst v15  }
0x40e: {  	v59 =	vadd.s32 $0x27A, v12;
	s19 =	sor.u32 s16, s25;
	v15 =	vld.idx.msk [tilespmem:v62+s15+$0x0], $0xffff;
	[tilespmem:s18+$0x0] =	vst v60  }
0x40f: {  	v25 =	vadd.s32 $0x276, v10;
	s21 =	sadd.s32 $0x5780, s7;
	s22 =	sor.u32 s3, s14;
	[tilespmem:s19+$0x0] =	vst v17;
	v4 =	vld.idx.msk [tilespmem:v61+s15+$0x0], $0xffff  }
0x410: {  	s17 =	sadd.s32 $0x6580, s13;
	v24 =	vadd.s32 $0x276, v9;
	s24 =	sor.u32 s31, s21;
	[tilespmem:s22+$0x0] =	vst v18;
	v13 =	vld.idx.msk [tilespmem:v63+s15+$0x0], $0xffff  }
0x411: {  	v26 =	vadd.s32 $0x276, v6;
	s10 =	sor.u32 s1, s17;
	[tilespmem:s24+$0x0] =	vst v21;
	v18 =	vld.idx.msk [tilespmem:v22+s15+$0x0], $0xffff  }
0x412: {  	s2 =	sor.u32 s30, s2;
	v28 =	vadd.s32 $0x276, v5;
	[tilespmem:s10+$0x0] =	vst v14;
	s28 =	sadd.s32 $0x5780, s26;
	v27 =	vld.idx.msk [tilespmem:v23+s15+$0x0], $0xffff  }
0x413: {  	v29 =	vadd.s32 $0x277, v11;
	v7 =	vld.idx.msk [tilespmem:v59+s15+$0x0], $0xffff;
	s29 =	sor.u32 s23, s28;
	[tilespmem:s2+$0x0] =	vst v15  }
0x414: {  	s9 =	sor.u32 s16, s21;
	v31 =	vld.idx.msk [tilespmem:v25+s15+$0x0], $0xffff;
	[tilespmem:s29+$0x0] =	vst v4  }
0x415: {  	s10 =	sadd.s32 $0x5800, s7;
	s11 =	sor.u32 s3, s28;
	[tilespmem:s9+$0x0] =	vst v13;
	v30 =	vld.idx.msk [tilespmem:v24+s15+$0x0], $0xffff  }
0x416: {  	v33 =	vadd.s32 $0x277, v10;
	s12 =	sor.u32 s31, s10;
	s8 =	sadd.s32 $0x6600, s13;
	[tilespmem:s11+$0x0] =	vst v18;
	v14 =	vld.idx.msk [tilespmem:v26+s15+$0x0], $0xffff  }
0x417: {  	v32 =	vadd.s32 $0x277, v9;
	s25 =	sor.u32 s1, s8;
	[tilespmem:s12+$0x0] =	vst v27;
	v12 =	vld.idx.msk [tilespmem:v28+s15+$0x0], $0xffff  }
0x418: {  	s0 =	sor.u32 s30, s0;
	v34 =	vadd.s32 $0x277, v6;
	s13 =	sadd.s32 $0x5800, s26;
	[tilespmem:s25+$0x0] =	vst v7;
	v35 =	vld.idx.msk [tilespmem:v29+s15+$0x0], $0xffff  }
0x419: {  	v36 =	vadd.s32 $0x277, v5;
	s14 =	sor.u32 s23, s13;
	[tilespmem:s0+$0x0] =	vst v31  }
0x41a: {  	v1 =	vld.idx.msk [tilespmem:v1+s15+$0x0], $0xffff;
	v37 =	vadd.s32 $0x278, v11;
	s18 =	sor.u32 s16, s10;
	[tilespmem:s14+$0x0] =	vst v30  }
0x41b: {  	s20 =	sor.u32 s3, s13;
	s19 =	sadd.s32 $0x5880, s7;
	v38 =	vld.idx.msk [tilespmem:v33+s15+$0x0], $0xffff;
	[tilespmem:s18+$0x0] =	vst v14  }
0x41c: {  	s21 =	sor.u32 s31, s19;
	v13 =	vld.idx.msk [tilespmem:v32+s15+$0x0], $0xffff;
	[tilespmem:s20+$0x0] =	vst v12  }
0x41d: {  	v40 =	vadd.s32 $0x278, v10;
	v7 =	vld.idx.msk [tilespmem:v34+s15+$0x0], $0xffff;
	[tilespmem:s21+$0x0] =	vst v35  }
0x41e: {  	v39 =	vadd.s32 $0x278, v9;
	v42 =	vld.idx.msk [tilespmem:v36+s15+$0x0], $0xffff;
	s24 =	rddreg [dreg:$0xc]  }
0x41f: {  	v41 =	vadd.s32 $0x278, v6;
	s28 =	sor.u32 s30, s5;
	s22 =	sadd.s32 $0x5880, s26;
	v43 =	vld.idx.msk [tilespmem:v37+s15+$0x0], $0xffff;
	[tilespmem:s24+$0x0] =	vst v1  }
0x420: {  	v44 =	vadd.s32 $0x278, v5;
	s25 =	sor.u32 s23, s22;
	[tilespmem:s28+$0x0] =	vst v38  }
0x421: {  	v8 =	vld.idx.msk [tilespmem:v8+s15+$0x0], $0xffff;
	v45 =	vadd.s32 $0x279, v11;
	s0 =	sor.u32 s16, s19;
	[tilespmem:s25+$0x0] =	vst v13  }
0x422: {  	s1 =	sor.u32 s3, s22;
	s29 =	sadd.s32 $0x5900, s7;
	v47 =	vld.idx.msk [tilespmem:v40+s15+$0x0], $0xffff;
	[tilespmem:s0+$0x0] =	vst v7  }
0x423: {  	s5 =	sor.u32 s31, s29;
	v46 =	vld.idx.msk [tilespmem:v39+s15+$0x0], $0xffff;
	[tilespmem:s1+$0x0] =	vst v42  }
0x424: {  	v49 =	vadd.s32 $0x279, v10;
	v50 =	vld.idx.msk [tilespmem:v41+s15+$0x0], $0xffff;
	[tilespmem:s5+$0x0] =	vst v43  }
0x425: {  	v48 =	vadd.s32 $0x279, v9;
	v52 =	vld.idx.msk [tilespmem:v44+s15+$0x0], $0xffff;
	s2 =	rddreg [dreg:$0xd]  }
0x426: {  	v51 =	vadd.s32 $0x279, v6;
	s9 =	sadd.s32 $0x5900, s26;
	s11 =	sor.u32 s30, s6;
	v53 =	vld.idx.msk [tilespmem:v45+s15+$0x0], $0xffff;
	[tilespmem:s2+$0x0] =	vst v8  }
0x427: {  	v54 =	vadd.s32 $0x279, v5;
	s10 =	sor.u32 s23, s9;
	[tilespmem:s11+$0x0] =	vst v47  }
0x428: {  	v11 =	vadd.s32 $0x27A, v11;
	s0 =	sor.u32 s16, s29;
	v2 =	vld.idx.msk [tilespmem:v2+s15+$0x0], $0xffff;
	[tilespmem:s10+$0x0] =	vst v46  }
0x429: {  	s12 =	sadd.s32 $0x6580, s7;
	s1 =	sor.u32 s3, s9;
	v56 =	vld.idx.msk [tilespmem:v49+s15+$0x0], $0xffff;
	[tilespmem:s0+$0x0] =	vst v50  }
0x42a: {  	v10 =	vadd.s32 $0x27A, v10;
	s13 =	sor.u32 s31, s12;
	v55 =	vld.idx.msk [tilespmem:v48+s15+$0x0], $0xffff;
	[tilespmem:s1+$0x0] =	vst v52  }
0x42b: {  	v9 =	vadd.s32 $0x27A, v9;
	v57 =	vld.idx.msk [tilespmem:v51+s15+$0x0], $0xffff;
	[tilespmem:s13+$0x0] =	vst v53  }
0x42c: {  	v6 =	vadd.s32 $0x27A, v6;
	v58 =	vld.idx.msk [tilespmem:v54+s15+$0x0], $0xffff;
	s2 =	rddreg [dreg:$0x9]  }
0x42d: {  	v5 =	vadd.s32 $0x27A, v5;
	s19 =	sor.u32 s30, s17;
	s14 =	sadd.s32 $0x6580, s26;
	v59 =	vld.idx.msk [tilespmem:v11+s15+$0x0], $0xffff;
	[tilespmem:s2+$0x0] =	vst v2  }
0x42e: {  	s18 =	sor.u32 s23, s14;
	[tilespmem:s19+$0x0] =	vst v56;
	v0 =	vld.idx.msk [tilespmem:v0+s15+$0x0], $0xffff  }
0x42f: {  	s0 =	sor.u32 s16, s12;
	v61 =	vld.idx.msk [tilespmem:v10+s15+$0x0], $0xffff;
	[tilespmem:s18+$0x0] =	vst v55  }
0x430: {  	s20 =	sadd.s32 $0x6600, s7;
	s1 =	sor.u32 s3, s14;
	[tilespmem:s0+$0x0] =	vst v57;
	v60 =	vld.idx.msk [tilespmem:v9+s15+$0x0], $0xffff  }
0x431: {  	s21 =	sor.u32 s31, s20;
	[tilespmem:s1+$0x0] =	vst v58;
	v62 =	vld.idx.msk [tilespmem:v6+s15+$0x0], $0xffff  }
0x432: {  	[tilespmem:s21+$0x0] =	vst v59;
	v63 =	vld.idx.msk [tilespmem:v5+s15+$0x0], $0xffff  }
0x433: {  	s22 =	sadd.s32 $0x6600, s26;
	s25 =	sor.u32 s30, s8;
	[tilespmem:s4+$0x0] =	vst v0  }
0x434: {  	s24 =	sor.u32 s23, s22;
	[tilespmem:s25+$0x0] =	vst v61  }
0x435: {  	s0 =	sor.u32 s16, s20;
	[tilespmem:s24+$0x0] =	vst v60  }
0x436: {  	s1 =	sor.u32 s3, s22;
	[tilespmem:s0+$0x0] =	vst v62  }
0x437: {  	[tilespmem:s1+$0x0] =	vst v63  }
0x438: {  	s0 =	sld [smem:$0x7FC]  }
0x439: {  	s26 =	simm.s32 $0x20000  }
0x43a: {  	s28 =	simm.s32 $0x1580;
	s29 =	simm.s32 $0x2;
	s2 =	simm.s32 $0x1000  }
0x43b: {  	[hbm4b:s0+s2] =	stream.strided.scatter [tilespmem:s28], [sflag:$0x2], $0x6000, s26, s2, $0x38;
	[tilespmem:$0x7580] =	vst v63  }
0x43c: {  	_ =	swait.ge [sflag:s29], $0x6000  }
0x43d: {  	s30 =	sld [smem:$0x7EB]  }
0x43e: {  	s31 =	sld [smem:$0x7FD];
	_ =	sdelay $0x1  }
0x43f: {  	s3 =	sadd.s32 $0x1, s30  }
0x440: {  	p0 =	sne.s32 s3, s31  }
.Ltmp1:
0x441: {  	_ = 	snop;
	(pc) =	sbr.rel @p0 .LBB2_1-.Ltmp1, $3  }
0x442: {  	_ =	sdelay $0x1  }
0x443: {  	[sflag:s29] =	ssyncset.done $0x0  }
0x444: {  	[sflag:s29] =	ssyncadd.s32 $0xFFFFA000  }
0x445: {  	_ =	sfence.sel $0x180000  }
0x446: {  	[bflag:$0x0] =	sbarrier.arrive $0xFFFF  }
0x447: {  	_ =	strace $0x90000047  }
0x448: {  	s0 =	stileid.u32;
	[bflag:$0x2] =	sbarrier.arrive $0xFFFF  }
0x449: {  	p0 =	sne.s32 s0, $0x0;
	s0 =	rddreg [dreg:$0x2]  }
0x44a: {  	s0 =	sadd.s32 @!p0 $0x100000, s0  }
0x44b: {  	[sflag:s0] =	ssyncadd.tile.s32 @!p0 $0x1;
	_ =	shalt  }
.Lfunc_end2:
_tile_overlayer_lowered:
.L_overlay_start_2:
0x44c: {  	(tag) =	ssettag $0x2  }
0x44d: {  	s0 =	rddreg [dreg:$0x0];
	s2 =	stileid.u32  }
0x44e: {  	s1 =	rddreg [dreg:$0x1];
	p0 =	sne.s32 s2, $0x0  }
0x44f: {  	s3 =	rddreg [dreg:$0x2];
	[bflag:$0x3] =	sbarrier.arrive $0xFFFF;
	s2 =	simm.s32 @!p0 $0x1C03  }
0x450: {  	[timem:s3], [sflag:s2] =	dma.local @!p0 [hbm:s0], s1  }
0x451: {  	s0 =	simm.s32 @!p0 $0x3  }
0x452: {  	_ =	swait.ge @!p0 [sflag:s0], s1  }
0x453: {  	s1 =	ssub.s32 @!p0 $0x0, s1;
	[sflag:s0] =	ssyncset.done @!p0 $0x0  }
0x454: {  	[sflag:s0] =	ssyncadd.s32 @!p0 s1  }
0x455: {  	[bflag:$0x3] =	sbarrier.arrive $0xFFFF  }
0x456: {  	_ =	shalt  }

</sc_bundles>
